<compile_context>
chip_gen: v7x
topology: tpu7x:2x2x1
jax: 0.10.2.dev20260603
libtpu: 0.0.44.dev20260713+nightly
codegen_flags: <defaults>
</compile_context>

<pallas_src>
import functools

import jax
import jax.numpy as jnp
from jax import lax
from jax.experimental import pallas as pl
from jax.experimental.pallas import tpu as pltpu
from jax.experimental.pallas import tpu_sc as plsc

F32 = jnp.float32
NS_ = 128
TLEN = 50
EV = 128
HS = 256
HE = 128
PD = 128
LDIM = 1000
EL = 64
GIN = 3 * HS + (HS + EL)
NKEY = 24

_P = jax.lax.Precision.HIGHEST

_SC_NC = 2
_SC_NS = 16
_SC_NW = _SC_NC * _SC_NS


def _sc_gather(idx_flat, table):
    B = idx_flat.shape[0]
    D = table.shape[1]
    bpw = B // _SC_NW
    c0 = min(bpw, 128)
    c1 = bpw - c0

    mesh = plsc.VectorSubcoreMesh(core_axis_name="c", subcore_axis_name="s")

    @functools.partial(
        pl.kernel,
        mesh=mesh,
        out_type=jax.ShapeDtypeStruct((B, D), jnp.float32),
        scratch_types=[
            pltpu.VMEM((bpw,), jnp.int32),
            pltpu.VMEM((bpw, D), jnp.float32),
            pltpu.SemaphoreType.DMA,
        ],
    )
    def k(table_hbm, idx_hbm, out_hbm, idx_v, rows_v, sem):
        wid = lax.axis_index("s") * _SC_NC + lax.axis_index("c")
        base = wid * bpw
        pltpu.sync_copy(idx_hbm.at[pl.ds(base, bpw)], idx_v)
        cp0 = pltpu.async_copy(
            table_hbm.at[idx_v.at[pl.ds(0, c0)]], rows_v.at[pl.ds(0, c0)], sem)
        cp1 = pltpu.async_copy(
            table_hbm.at[idx_v.at[pl.ds(c0, c1)]], rows_v.at[pl.ds(c0, c1)], sem)
        cp0.wait()
        cp1.wait()
        pltpu.sync_copy(rows_v, out_hbm.at[pl.ds(base, bpw)])

    return k(table, idx_flat)


def _dot(a, b):
    return jnp.dot(a, b, preferred_element_type=F32, precision=_P)


def _dotf(a, b):
    return jnp.dot(a, b, preferred_element_type=F32)


def _dotT(a, b_raw):
    return jax.lax.dot_general(
        a, b_raw, (((1,), (1,)), ((), ())), preferred_element_type=F32)


def _gru_pointwise(gx, gh, h, W):
    r = jax.nn.sigmoid(gx[:, :W] + gh[:, :W])
    z = jax.nn.sigmoid(gx[:, W:2 * W] + gh[:, W:2 * W])
    n = jnp.tanh(gx[:, 2 * W:] + r * gh[:, 2 * W:])
    return (1.0 - z) * n + z * h


def _tc_body(emb_ref, mask_ref, kts_ref, kl_ref, embl_ref,
             i2s_wih, i2s_whh, i2s_bih, i2s_bhh,
             gw0, gw1, gw2, gw3, gb0, gb1, gb2, gb3,
             gu0, gu1, gu2, gu3, g_bhh,
             pw0, pw1, pw2, pw3, pb0, pb1, pb2, pb3,
             pu0, pu1, pu2, pu3, p_bhh,
             fcw, fcb, out_ref,
             ss_ref, inewb_ref, hq0, hq1, hq2, hq3, unit_ref,
             gxc_ref, gxe_ref, gxa_ref,
             sm0, sm1, sm2, sm3):
    g_wih = (gw0, gw1, gw2, gw3)
    g_bih = (gb0, gb1, gb2, gb3)
    g_whh = (gu0, gu1, gu2, gu3)
    p_wih = (pw0, pw1, pw2, pw3)
    p_bih = (pb0, pb1, pb2, pb3)
    p_whh = (pu0, pu1, pu2, pu3)
    smat_r = (sm0, sm1, sm2, sm3)

    ii = lax.broadcasted_iota(jnp.int32, (NS_, NS_), 0).astype(F32)
    jj = lax.broadcasted_iota(jnp.int32, (NS_, NS_), 1).astype(F32)
    eye = ii == jj
    lower = jnp.where(jj <= ii, 1.0, 0.0)
    shp = jnp.where(jj == ii - 1.0, 1.0, 0.0)
    shn = jnp.where(jj == ii + 1.0, 1.0, 0.0)
    icol = lax.broadcasted_iota(jnp.int32, (NS_, 1), 0).astype(F32)

    def trow(col):
        return jnp.sum(jnp.where(eye, col, 0.0), axis=0, keepdims=True)

    def tcol(row):
        return jnp.sum(jnp.where(eye, row, 0.0), axis=1, keepdims=True)

    lens = jnp.sum(mask_ref[...], axis=0)
    CH = 10

    h = jnp.zeros((NS_, HS), F32)
    for c in range(TLEN // CH):
        x = emb_ref[pl.ds(c * CH, CH)].reshape(CH * NS_, EV)
        m = mask_ref[pl.ds(c * CH, CH)].reshape(CH * NS_, 1)
        gxa_ref[...] = _dotT(x * m, i2s_wih[...]) + i2s_bih[...]

        def step_a(t, h, _c=c):
            gx = gxa_ref[pl.ds(t * NS_, NS_), :]
            gh = _dotT(h, i2s_whh[...]) + i2s_bhh[...]
            hn = _gru_pointwise(gx, gh, h, HS)
            tg = lax.convert_element_type(_c * CH + t, F32)
            return jnp.where(tg < lens, hn, h)

        h = lax.fori_loop(0, CH, step_a, h, unroll=2)
    sess = h

    nums = []
    for p in range(4):
        if p < 3:
            kcol = kts_ref[:, p + 1:p + 2].astype(F32)
        else:
            kcol = kl_ref[...].astype(F32)
        krow = trow(kcol)
        lt = jnp.where(kcol < krow, 1.0, 0.0)
        eqb = jnp.where((kcol == krow) & (ii < jj), 1.0, 0.0)
        rank = jnp.sum(lt + eqb, axis=0, keepdims=True)
        perm = jnp.where(ii == rank, 1.0, 0.0)
        sk = _dot(perm, kcol)
        skp = _dot(shp, sk)
        inew = jnp.where((icol == 0.0) | (sk != skp), 1.0, 0.0)
        inewb_ref[:, p * HE:(p + 1) * HE] = jnp.broadcast_to(inew, (NS_, HE))
        pos = _dot(lower, inew) - 1.0
        ilast = _dot(shn, inew) \
            + jnp.where(icol == NS_ - 1.0, 1.0, 0.0)
        smat_r[p][...] = jnp.where(
            (ii == trow(pos)) & (trow(ilast) > 0.5), 1.0, 0.0)
        nums.append(jnp.sum(inew, keepdims=True).reshape(1, 1))
        srt = _dot(perm, sess)
        ss_ref[:, p * HS:p * HS + HS] = srt
        if p == 3:
            onehot = jnp.where(
                kcol == lax.broadcasted_iota(
                    jnp.int32, (NS_, LDIM), 1).astype(F32), 1.0, 0.0)
            loc = _dot(onehot, embl_ref[...])
            ss_ref[:, 4 * HS:] = _dot(perm, loc)

    for p in range(4):
        blk = ss_ref[:, 3 * HS:] if p == 3 else ss_ref[:, p * HS:(p + 1) * HS]
        gxc_ref[:, p * 384:(p + 1) * 384] = _dotT(blk, g_wih[p][...]) + g_bih[p][...]

    hseq_r = (hq0, hq1, hq2, hq3)

    def step_c(t, hs):
        inew_row = inewb_ref[pl.ds(t, 1), :]
        gx_row = gxc_ref[pl.ds(t, 1), :]
        outs = []
        for p in range(4):
            inew = inew_row[:, p * HE:(p + 1) * HE]
            hp = hs[p] * (1.0 - inew)
            gx = gx_row[:, p * 384:(p + 1) * 384]
            gh = _dotT(hp, g_whh[p][...]) + g_bhh[pl.ds(0, 1), p * 384:(p + 1) * 384]
            hn = _gru_pointwise(gx, gh, hp, HE)
            hseq_r[p][pl.ds(t, 1), :] = hn
            outs.append(hn)
        return tuple(outs)

    z1 = jnp.zeros((1, HE), F32)
    lax.fori_loop(0, NS_, step_c, (z1, z1, z1, z1), unroll=4)

    for p in range(4):
        unit_ref[:, p * HE:(p + 1) * HE] = _dot(smat_r[p][...], hseq_r[p][...])

    for p in range(4):
        gxe_ref[:, p * 384:(p + 1) * 384] = _dotT(
            unit_ref[:, p * HE:(p + 1) * HE], p_wih[p][...]) + p_bih[p][...]

    def step_e1(g, hs):
        gf = lax.convert_element_type(g, F32)
        outs = []
        for p in range(3):
            gx = gxe_ref[pl.ds(g, 1), p * 384:(p + 1) * 384]
            gh = _dotT(hs[p], p_whh[p][...]) + p_bhh[pl.ds(0, 1), p * 384:(p + 1) * 384]
            hn = _gru_pointwise(gx, gh, hs[p], PD)
            outs.append(jnp.where(gf < nums[p], hn, hs[p]))
        return tuple(outs)

    e1 = lax.fori_loop(0, NKEY, step_e1, (z1, z1, z1), unroll=3)
    h123 = jnp.concatenate(e1, axis=1)

    def step_e2(g, h):
        gf = lax.convert_element_type(g, F32)
        gx = gxe_ref[pl.ds(g, 1), 3 * 384:]
        gh = _dotT(h, p_whh[3][...]) + p_bhh[pl.ds(0, 1), 3 * 384:]
        hn = _gru_pointwise(gx, gh, h, PD)
        return jnp.where(gf < nums[3], hn, h)

    hl = lax.fori_loop(0, NS_, step_e2, jnp.zeros((1, PD), F32), unroll=4)

    user = jnp.concatenate([h123, hl], axis=1)
    out_ref[...] = _dotT(user, fcw[...]) + fcb[...]


def kernel(u_s_vs, u_s_ts, u_s_l, emb_v, emb_l, params):
    vs_t = jnp.transpose(u_s_vs).astype(jnp.int32)
    idx_flat = (jnp.maximum(vs_t, 1) - 1).reshape(-1)
    gathered = _sc_gather(idx_flat, emb_v)
    emb_seq = gathered.reshape(TLEN, NS_, EV)
    maskc = (vs_t > 0).astype(F32).reshape(TLEN, NS_, 1)

    p = params
    def wT(w):
        return jnp.transpose(w)
    def b2(b):
        return b.reshape(1, -1)

    ggrp = [p["sess2hemb"], p["sess2wemb"], p["sess2yemb"], p["sess2lemb"]]
    gpat = [p["hemb2hpat"], p["wemb2wpat"], p["yemb2ypat"], p["lemb2lpat"]]
    g_bhh = jnp.concatenate([b2(g["bhh"]) for g in ggrp], axis=1)
    p_bhh = jnp.concatenate([b2(g["bhh"]) for g in gpat], axis=1)

    ins = [emb_seq, maskc, u_s_ts, u_s_l.reshape(NS_, 1), emb_l,
           p["item2sess"]["Wih"], p["item2sess"]["Whh"],
           b2(p["item2sess"]["bih"]), b2(p["item2sess"]["bhh"])] + \
          [g["Wih"] for g in ggrp] + [b2(g["bih"]) for g in ggrp] + \
          [g["Whh"] for g in ggrp] + [g_bhh] + \
          [g["Wih"] for g in gpat] + [b2(g["bih"]) for g in gpat] + \
          [g["Whh"] for g in gpat] + [p_bhh] + \
          [p["fcW"], b2(p["fcb"])]

    scratch = [
        pltpu.VMEM((NS_, GIN), F32),
        pltpu.VMEM((NS_, 4 * HE), F32),
        pltpu.VMEM((NS_, HE), F32), pltpu.VMEM((NS_, HE), F32),
        pltpu.VMEM((NS_, HE), F32), pltpu.VMEM((NS_, HE), F32),
        pltpu.VMEM((NS_, 4 * HE), F32),
        pltpu.VMEM((NS_, 4 * 3 * HE), F32),
        pltpu.VMEM((NS_, 4 * 3 * PD), F32),
        pltpu.VMEM((10 * NS_, 3 * HS), F32),
        pltpu.VMEM((NS_, NS_), F32), pltpu.VMEM((NS_, NS_), F32),
        pltpu.VMEM((NS_, NS_), F32), pltpu.VMEM((NS_, NS_), F32),
    ]

    out = pl.pallas_call(
        _tc_body,
        out_shape=jax.ShapeDtypeStruct((1, 256), F32),
        scratch_shapes=scratch,
    )(*ins)
    return out

# --- scband reference (transcript-rebuilt; emitter-appended) ---
"""Pipeline reference for scband-calendar-gnn-4252017623144 (READ-ONLY COPY).

The authoritative reference and input builder live on the scoring server;
editing this copy changes nothing except your own understanding.
"""

import jax, jax.numpy as jnp
import numpy as np

IN_DIM_V = 100000
IN_DIM_L = 1000
EMB_V = 128
EMB_L = 64
HID_SESS = 256
HID_EMB = 128
PAT_DIM = 128
OUT_DIM = 256
NUM_S = 128
MAX_LEN = 50


def _glorot(key, shape):
    lim = (6.0 / (shape[0] + shape[1])) ** 0.5
    return jax.random.uniform(key, shape, jnp.float32, -lim, lim)


def _gru_params(key, in_dim, hid_dim):
    k1, k2 = jax.random.split(key)
    return {"Wih": _glorot(k1, (3 * hid_dim, in_dim)),
            "Whh": _glorot(k2, (3 * hid_dim, hid_dim)),
            "bih": jnp.zeros((3 * hid_dim,), jnp.float32),
            "bhh": jnp.zeros((3 * hid_dim,), jnp.float32)}


def run_gru(p, x, lens):
    # PyTorch-style GRU (gate order r,z,n); returns final hidden state per sequence,
    # equivalent to pack_padded_sequence semantics (only first lens[b] steps used).
    B, T, _ = x.shape
    H = p["Whh"].shape[1]
    lens = jnp.asarray(lens)

    def step(h, inp):
        xt, t = inp
        gx = xt @ p["Wih"].T + p["bih"]
        gh = h @ p["Whh"].T + p["bhh"]
        xr, xz, xn = jnp.split(gx, 3, axis=-1)
        hr, hz, hn = jnp.split(gh, 3, axis=-1)
        r = jax.nn.sigmoid(xr + hr)
        z = jax.nn.sigmoid(xz + hz)
        n = jnp.tanh(xn + r * hn)
        h_new = (1.0 - z) * n + z * h
        h = jnp.where((t < lens)[:, None], h_new, h)
        return h, None

    h0 = jnp.zeros((B, H), x.dtype)
    h, _ = jax.lax.scan(step, h0, (jnp.swapaxes(x, 0, 1), jnp.arange(T)))
    return h


def build_grouping(keys):
    # replicates torch.unique(sorted=True, return_inverse, return_counts) + argsort(inverse),
    # with the group axis and member axis padded to the static key length
    keys = jnp.asarray(keys)
    N = keys.shape[0]
    order = jnp.argsort(keys, stable=True)
    sk = keys[order]
    is_new = jnp.concatenate([jnp.ones((1,), bool), sk[1:] != sk[:-1]])
    positions = jnp.cumsum(is_new.astype(jnp.int32)) - 1
    num = jnp.sum(is_new.astype(jnp.int32))
    seg_start = jax.lax.cummax(jnp.where(is_new, jnp.arange(N, dtype=jnp.int32), 0))
    within = jnp.arange(N, dtype=jnp.int32) - seg_start
    uniq = jnp.zeros((N,), keys.dtype).at[positions].set(sk)
    idx = jnp.zeros((N, N), jnp.int32).at[positions, within].set(order.astype(jnp.int32))
    mask = jnp.zeros((N, N), bool).at[positions, within].set(True)
    counts = jnp.zeros((N,), jnp.int32).at[positions].add(1)
    return uniq, idx, mask, counts, num


def setup_inputs(seed: int = 0):
    key = jax.random.key(seed)
    ks = jax.random.split(key, 20)
    u_s_vs = jax.random.randint(ks[0], (NUM_S, MAX_LEN), 0, IN_DIM_V)
    u_s_ts = jax.random.randint(ks[1], (NUM_S, 4), 0, 24)
    u_s_l = jax.random.randint(ks[2], (NUM_S,), 0, IN_DIM_L)
    emb_v = jax.random.normal(ks[3], (IN_DIM_V, EMB_V), jnp.float32) * 0.1
    emb_l = jax.random.normal(ks[4], (IN_DIM_L, EMB_L), jnp.float32) * 0.1
    params = {
        "item2sess": _gru_params(ks[5], EMB_V, HID_SESS),
        "sess2hemb": _gru_params(ks[6], HID_SESS, HID_EMB),
        "sess2wemb": _gru_params(ks[7], HID_SESS, HID_EMB),
        "sess2yemb": _gru_params(ks[8], HID_SESS, HID_EMB),
        "sess2lemb": _gru_params(ks[9], HID_SESS + EMB_L, HID_EMB),
        "hemb2hpat": _gru_params(ks[10], HID_EMB, PAT_DIM),
        "wemb2wpat": _gru_params(ks[11], HID_EMB, PAT_DIM),
        "yemb2ypat": _gru_params(ks[12], HID_EMB, PAT_DIM),
        "lemb2lpat": _gru_params(ks[13], HID_EMB, PAT_DIM),
        "fcW": _glorot(ks[14], (OUT_DIM, 4 * PAT_DIM)),
        "fcb": jnp.zeros((OUT_DIM,), jnp.float32),
    }
    return {"u_s_vs": u_s_vs, "u_s_ts": u_s_ts, "u_s_l": u_s_l,
            "emb_v": emb_v, "emb_l": emb_l, "params": params}


def reference(u_s_vs, u_s_ts, u_s_l, emb_v, emb_l, params):
    # grouping structure depends only on integer inputs
    groupings = {}
    for pat, col in (("h", 1), ("w", 2), ("y", 3)):
        groupings[pat] = build_grouping(u_s_ts[:, col])
    groupings["l"] = build_grouping(u_s_l)

    # item embedding with padding_idx=0 (row 0 zeros)
    emb_v_pad = jnp.concatenate([jnp.zeros((1, emb_v.shape[1]), emb_v.dtype), emb_v], axis=0)
    embedded = emb_v_pad[u_s_vs]
    lens = jnp.sum(u_s_vs > 0, axis=1)
    sess = run_gru(params["item2sess"], embedded, lens)

    pats = []
    for pat in ("h", "w", "y"):
        uniq, idx, mask, counts, num = groupings[pat]
        temp = jnp.where(mask[:, :, None], sess[idx], 0.0)
        unit = run_gru(params["sess2" + pat + "emb"], temp, counts)
        pv = run_gru(params[pat + "emb2" + pat + "pat"], unit[None, :, :], num[None])
        pats.append(pv)

    uniq_l, idx, mask, counts, num = groupings["l"]
    loc = emb_l[uniq_l]
    spat = jnp.concatenate(
        [sess[idx], jnp.broadcast_to(loc[:, None, :], (idx.shape[0], idx.shape[1], loc.shape[1]))], axis=-1)
    spat = jnp.where(mask[:, :, None], spat, 0.0)
    unit = run_gru(params["sess2lemb"], spat, counts)
    pv = run_gru(params["lemb2lpat"], unit[None, :, :], num[None])
    pats.append(pv)

    user = jnp.concatenate(pats, axis=1)
    return user @ params["fcW"].T + params["fcb"]

if __name__ == "__main__":
    import jax
    _d = setup_inputs()
    print(jax.jit(kernel)(*tuple(_d.values())))

</pallas_src>

<mosaic_0001>
#map = affine_map<(d0, d1) -> (0, 0)>
#map1 = affine_map<(d0, d1) -> (0)>
module attributes {stable_mosaic.version = 14 : i64} {
  func.func @k(%arg0: i32, %arg1: i32, %arg2: memref<100000x128xf32, #tpu.memory_space<hbm>>, %arg3: memref<6400xi32, #tpu.memory_space<hbm>>, %arg4: memref<6400x128xf32, #tpu.memory_space<hbm>>, %arg5: memref<200xi32, #tpu.memory_space<vmem>>, %arg6: memref<200x128xf32, #tpu.memory_space<vmem>>, %arg7: memref<!tpu.dma_semaphore, #tpu.memory_space<semaphore_mem>>) attributes {dimension_semantics = [#tpu.dimension_semantics<core_parallel>, #tpu.dimension_semantics<subcore_parallel>], iteration_bounds = array<i64: 2, 16>, scalar_prefetch = 0 : i64, scratch_operands = 3 : i64, tpu.core_type = #tpu.core_type<sc_vector_subcore>, window_params = [{transform_indices = #map}, {transform_indices = #map1}, {transform_indices = #map}]} {
    %mul3A = arith.constant 2 : i32
    %mul3A_0 = arith.muli %arg1, %mul3A : i32
    %add3A = arith.addi %mul3A_0, %arg0 : i32
    %mul3A_1 = arith.constant 200 : i32
    %mul3A_2 = arith.muli %add3A, %mul3A_1 : i32
    "tpu.region"() ({
      %run_scoped3A = tpu.sem_alloc : memref<!tpu.dma_semaphore, #tpu.memory_space<semaphore_mem>>
      %dma_start3A_33 = tpu.memref_slice %arg3[%mul3A_2] : memref<6400xi32, #tpu.memory_space<hbm>> -> memref<200xi32, #tpu.memory_space<hbm>>
      %dma_start3A_34 = tpu.memref_slice %arg3[%mul3A_2] : memref<6400xi32, #tpu.memory_space<hbm>> -> memref<200xi32, #tpu.memory_space<hbm>>
      tpu.enqueue_dma source(%dma_start3A_34 : memref<200xi32, #tpu.memory_space<hbm>>) target(%arg5 : memref<200xi32, #tpu.memory_space<vmem>>) target_semaphore(%run_scoped3A : memref<!tpu.dma_semaphore, #tpu.memory_space<semaphore_mem>>)
      %dma_wait3A_35 = tpu.memref_slice %arg3[%mul3A_2] : memref<6400xi32, #tpu.memory_space<hbm>> -> memref<200xi32, #tpu.memory_space<hbm>>
      %dma_wait3A_36 = tpu.memref_slice %arg3[%mul3A_2] : memref<6400xi32, #tpu.memory_space<hbm>> -> memref<200xi32, #tpu.memory_space<hbm>>
      tpu.wait_dma2 semaphore(%run_scoped3A : memref<!tpu.dma_semaphore, #tpu.memory_space<semaphore_mem>>) src(%dma_wait3A_36 : memref<200xi32, #tpu.memory_space<hbm>>) dst(%arg5 : memref<200xi32, #tpu.memory_space<vmem>>)
      tpu.yield
    }) : () -> ()
    %dma_start3A = arith.constant 0 : i32
    %dma_start3A_3 = arith.constant 0 : i32
    %dma_start3A_4 = tpu.memref_slice %arg6[%dma_start3A, %dma_start3A_3] : memref<200x128xf32, #tpu.memory_space<vmem>> -> memref<128x128xf32, #tpu.memory_space<vmem>>
    %dma_start3A_5 = arith.constant 0 : i32
    %dma_start3A_6 = tpu.memref_slice %arg5[%dma_start3A_5] : memref<200xi32, #tpu.memory_space<vmem>> -> memref<128xi32, #tpu.memory_space<vmem>>
    %dma_start3A_7 = arith.constant 0 : i32
    %dma_start3A_8 = arith.constant 0 : i32
    %dma_start3A_9 = tpu.memref_slice %arg2[%dma_start3A_7, %dma_start3A_8] : memref<100000x128xf32, #tpu.memory_space<hbm>> -> memref<100000x128xf32, #tpu.memory_space<hbm>>
    tpu.enqueue_indirect_dma source(%dma_start3A_9 : memref<100000x128xf32, #tpu.memory_space<hbm>>) target(%dma_start3A_4 : memref<128x128xf32, #tpu.memory_space<vmem>>) offsets(%dma_start3A_6 : memref<128xi32, #tpu.memory_space<vmem>>) semaphore(%arg7 : memref<!tpu.dma_semaphore, #tpu.memory_space<semaphore_mem>>)
    %dma_start3A_10 = arith.constant 128 : i32
    %dma_start3A_11 = arith.constant 0 : i32
    %dma_start3A_12 = tpu.memref_slice %arg6[%dma_start3A_10, %dma_start3A_11] : memref<200x128xf32, #tpu.memory_space<vmem>> -> memref<72x128xf32, #tpu.memory_space<vmem>>
    %dma_start3A_13 = arith.constant 128 : i32
    %dma_start3A_14 = tpu.memref_slice %arg5[%dma_start3A_13] : memref<200xi32, #tpu.memory_space<vmem>> -> memref<72xi32, #tpu.memory_space<vmem>>
    %dma_start3A_15 = arith.constant 0 : i32
    %dma_start3A_16 = arith.constant 0 : i32
    %dma_start3A_17 = tpu.memref_slice %arg2[%dma_start3A_15, %dma_start3A_16] : memref<100000x128xf32, #tpu.memory_space<hbm>> -> memref<100000x128xf32, #tpu.memory_space<hbm>>
    tpu.enqueue_indirect_dma source(%dma_start3A_17 : memref<100000x128xf32, #tpu.memory_space<hbm>>) target(%dma_start3A_12 : memref<72x128xf32, #tpu.memory_space<vmem>>) offsets(%dma_start3A_14 : memref<72xi32, #tpu.memory_space<vmem>>) semaphore(%arg7 : memref<!tpu.dma_semaphore, #tpu.memory_space<semaphore_mem>>)
    %dma_wait3A = arith.constant 0 : i32
    %dma_wait3A_18 = arith.constant 0 : i32
    %dma_wait3A_19 = tpu.memref_slice %arg6[%dma_wait3A, %dma_wait3A_18] : memref<200x128xf32, #tpu.memory_space<vmem>> -> memref<128x128xf32, #tpu.memory_space<vmem>>
    %dma_wait3A_20 = arith.constant 0 : i32
    %dma_wait3A_21 = tpu.memref_slice %arg5[%dma_wait3A_20] : memref<200xi32, #tpu.memory_space<vmem>> -> memref<128xi32, #tpu.memory_space<vmem>>
    %dma_wait3A_22 = arith.constant 0 : i32
    %dma_wait3A_23 = arith.constant 0 : i32
    %dma_wait3A_24 = tpu.memref_slice %arg2[%dma_wait3A_22, %dma_wait3A_23] : memref<100000x128xf32, #tpu.memory_space<hbm>> -> memref<100000x128xf32, #tpu.memory_space<hbm>>
    tpu.wait_indirect_dma semaphore(%arg7 : memref<!tpu.dma_semaphore, #tpu.memory_space<semaphore_mem>>) src(%dma_wait3A_24 : memref<100000x128xf32, #tpu.memory_space<hbm>>) dst(%dma_wait3A_19 : memref<128x128xf32, #tpu.memory_space<vmem>>)
    %dma_wait3A_25 = arith.constant 128 : i32
    %dma_wait3A_26 = arith.constant 0 : i32
    %dma_wait3A_27 = tpu.memref_slice %arg6[%dma_wait3A_25, %dma_wait3A_26] : memref<200x128xf32, #tpu.memory_space<vmem>> -> memref<72x128xf32, #tpu.memory_space<vmem>>
    %dma_wait3A_28 = arith.constant 128 : i32
    %dma_wait3A_29 = tpu.memref_slice %arg5[%dma_wait3A_28] : memref<200xi32, #tpu.memory_space<vmem>> -> memref<72xi32, #tpu.memory_space<vmem>>
    %dma_wait3A_30 = arith.constant 0 : i32
    %dma_wait3A_31 = arith.constant 0 : i32
    %dma_wait3A_32 = tpu.memref_slice %arg2[%dma_wait3A_30, %dma_wait3A_31] : memref<100000x128xf32, #tpu.memory_space<hbm>> -> memref<100000x128xf32, #tpu.memory_space<hbm>>
    tpu.wait_indirect_dma semaphore(%arg7 : memref<!tpu.dma_semaphore, #tpu.memory_space<semaphore_mem>>) src(%dma_wait3A_32 : memref<100000x128xf32, #tpu.memory_space<hbm>>) dst(%dma_wait3A_27 : memref<72x128xf32, #tpu.memory_space<vmem>>)
    "tpu.region"() ({
      %run_scoped3A = tpu.sem_alloc : memref<!tpu.dma_semaphore, #tpu.memory_space<semaphore_mem>>
      %dma_start3A_33 = arith.constant 0 : i32
      %dma_start3A_34 = tpu.memref_slice %arg4[%mul3A_2, %dma_start3A_33] : memref<6400x128xf32, #tpu.memory_space<hbm>> -> memref<200x128xf32, #tpu.memory_space<hbm>>
      %dma_start3A_35 = arith.constant 0 : i32
      %dma_start3A_36 = tpu.memref_slice %arg4[%mul3A_2, %dma_start3A_35] : memref<6400x128xf32, #tpu.memory_space<hbm>> -> memref<200x128xf32, #tpu.memory_space<hbm>>
      tpu.enqueue_dma source(%arg6 : memref<200x128xf32, #tpu.memory_space<vmem>>) target(%dma_start3A_36 : memref<200x128xf32, #tpu.memory_space<hbm>>) target_semaphore(%run_scoped3A : memref<!tpu.dma_semaphore, #tpu.memory_space<semaphore_mem>>)
      %dma_wait3A_37 = arith.constant 0 : i32
      %dma_wait3A_38 = tpu.memref_slice %arg4[%mul3A_2, %dma_wait3A_37] : memref<6400x128xf32, #tpu.memory_space<hbm>> -> memref<200x128xf32, #tpu.memory_space<hbm>>
      %dma_wait3A_39 = arith.constant 0 : i32
      %dma_wait3A_40 = tpu.memref_slice %arg4[%mul3A_2, %dma_wait3A_39] : memref<6400x128xf32, #tpu.memory_space<hbm>> -> memref<200x128xf32, #tpu.memory_space<hbm>>
      tpu.wait_dma2 semaphore(%run_scoped3A : memref<!tpu.dma_semaphore, #tpu.memory_space<semaphore_mem>>) src(%arg6 : memref<200x128xf32, #tpu.memory_space<vmem>>) dst(%dma_wait3A_40 : memref<200x128xf32, #tpu.memory_space<hbm>>)
      tpu.yield
    }) : () -> ()
    return
  }
}

module attributes {stable_mosaic.version = 14 : i64} {
  func.func @_tc_body(%arg0: memref<50x128x128xf32, #tpu.memory_space<vmem>>, %arg1: memref<50x128x1xf32, #tpu.memory_space<vmem>>, %arg2: memref<128x4xi32, #tpu.memory_space<vmem>>, %arg3: memref<128x1xi32, #tpu.memory_space<vmem>>, %arg4: memref<1000x64xf32, #tpu.memory_space<vmem>>, %arg5: memref<768x128xf32, #tpu.memory_space<vmem>>, %arg6: memref<768x256xf32, #tpu.memory_space<vmem>>, %arg7: memref<1x768xf32, #tpu.memory_space<vmem>>, %arg8: memref<1x768xf32, #tpu.memory_space<vmem>>, %arg9: memref<384x256xf32, #tpu.memory_space<vmem>>, %arg10: memref<384x256xf32, #tpu.memory_space<vmem>>, %arg11: memref<384x256xf32, #tpu.memory_space<vmem>>, %arg12: memref<384x320xf32, #tpu.memory_space<vmem>>, %arg13: memref<1x384xf32, #tpu.memory_space<vmem>>, %arg14: memref<1x384xf32, #tpu.memory_space<vmem>>, %arg15: memref<1x384xf32, #tpu.memory_space<vmem>>, %arg16: memref<1x384xf32, #tpu.memory_space<vmem>>, %arg17: memref<384x128xf32, #tpu.memory_space<vmem>>, %arg18: memref<384x128xf32, #tpu.memory_space<vmem>>, %arg19: memref<384x128xf32, #tpu.memory_space<vmem>>, %arg20: memref<384x128xf32, #tpu.memory_space<vmem>>, %arg21: memref<1x1536xf32, #tpu.memory_space<vmem>>, %arg22: memref<384x128xf32, #tpu.memory_space<vmem>>, %arg23: memref<384x128xf32, #tpu.memory_space<vmem>>, %arg24: memref<384x128xf32, #tpu.memory_space<vmem>>, %arg25: memref<384x128xf32, #tpu.memory_space<vmem>>, %arg26: memref<1x384xf32, #tpu.memory_space<vmem>>, %arg27: memref<1x384xf32, #tpu.memory_space<vmem>>, %arg28: memref<1x384xf32, #tpu.memory_space<vmem>>, %arg29: memref<1x384xf32, #tpu.memory_space<vmem>>, %arg30: memref<384x128xf32, #tpu.memory_space<vmem>>, %arg31: memref<384x128xf32, #tpu.memory_space<vmem>>, %arg32: memref<384x128xf32, #tpu.memory_space<vmem>>, %arg33: memref<384x128xf32, #tpu.memory_space<vmem>>, %arg34: memref<1x1536xf32, #tpu.memory_space<vmem>>, %arg35: memref<256x512xf32, #tpu.memory_space<vmem>>, %arg36: memref<1x256xf32, #tpu.memory_space<vmem>>, %arg37: memref<1x256xf32, #tpu.memory_space<vmem>>, %arg38: memref<128x1088xf32, #tpu.memory_space<vmem>>, %arg39: memref<128x512xf32, #tpu.memory_space<vmem>>, %arg40: memref<128x128xf32, #tpu.memory_space<vmem>>, %arg41: memref<128x128xf32, #tpu.memory_space<vmem>>, %arg42: memref<128x128xf32, #tpu.memory_space<vmem>>, %arg43: memref<128x128xf32, #tpu.memory_space<vmem>>, %arg44: memref<128x512xf32, #tpu.memory_space<vmem>>, %arg45: memref<128x1536xf32, #tpu.memory_space<vmem>>, %arg46: memref<128x1536xf32, #tpu.memory_space<vmem>>, %arg47: memref<1280x768xf32, #tpu.memory_space<vmem>>, %arg48: memref<128x128xf32, #tpu.memory_space<vmem>>, %arg49: memref<128x128xf32, #tpu.memory_space<vmem>>, %arg50: memref<128x128xf32, #tpu.memory_space<vmem>>, %arg51: memref<128x128xf32, #tpu.memory_space<vmem>>) attributes {dimension_semantics = [], scalar_prefetch = 0 : i64, scratch_operands = 14 : i64, tpu.core_type = #tpu.core_type<tc>} {
    %iota3A = tpu.iota {dimensions = array<i32: 0>} : vector<128x128xi32>
    %convert_element_type3A = arith.sitofp %iota3A : vector<128x128xi32> to vector<128x128xf32>
    %iota3A_0 = tpu.iota {dimensions = array<i32: 1>} : vector<128x128xi32>
    %convert_element_type3A_1 = arith.sitofp %iota3A_0 : vector<128x128xi32> to vector<128x128xf32>
    %eq3A = arith.cmpf oeq, %convert_element_type3A, %convert_element_type3A_1 : vector<128x128xf32>
    %le3A = arith.cmpf ole, %convert_element_type3A_1, %convert_element_type3A : vector<128x128xf32>
    %jit3A = arith.constant 1.000000e+00 : f32
    %jit3A_2 = arith.constant 0.000000e+00 : f32
    %broadcast_in_dim3A = vector.broadcast %jit3A : f32 to vector<128x128xf32>
    %broadcast_in_dim3A_3 = vector.broadcast %jit3A_2 : f32 to vector<128x128xf32>
    %select_n3A = arith.select %le3A, %broadcast_in_dim3A, %broadcast_in_dim3A_3 : vector<128x128xi1>, vector<128x128xf32>
    %sub3A = arith.constant 1.000000e+00 : f32
    %sub3A_4 = vector.broadcast %sub3A : f32 to vector<128x128xf32>
    %sub3A_5 = arith.subf %convert_element_type3A, %sub3A_4 : vector<128x128xf32>
    %eq3A_6 = arith.cmpf oeq, %convert_element_type3A_1, %sub3A_5 : vector<128x128xf32>
    %jit3A_7 = arith.constant 1.000000e+00 : f32
    %jit3A_8 = arith.constant 0.000000e+00 : f32
    %broadcast_in_dim3A_9 = vector.broadcast %jit3A_7 : f32 to vector<128x128xf32>
    %broadcast_in_dim3A_10 = vector.broadcast %jit3A_8 : f32 to vector<128x128xf32>
    %select_n3A_11 = arith.select %eq3A_6, %broadcast_in_dim3A_9, %broadcast_in_dim3A_10 : vector<128x128xi1>, vector<128x128xf32>
    %add3A = arith.constant 1.000000e+00 : f32
    %add3A_12 = vector.broadcast %add3A : f32 to vector<128x128xf32>
    %add3A_13 = arith.addf %convert_element_type3A, %add3A_12 : vector<128x128xf32>
    %eq3A_14 = arith.cmpf oeq, %convert_element_type3A_1, %add3A_13 : vector<128x128xf32>
    %jit3A_15 = arith.constant 1.000000e+00 : f32
    %jit3A_16 = arith.constant 0.000000e+00 : f32
    %broadcast_in_dim3A_17 = vector.broadcast %jit3A_15 : f32 to vector<128x128xf32>
    %broadcast_in_dim3A_18 = vector.broadcast %jit3A_16 : f32 to vector<128x128xf32>
    %select_n3A_19 = arith.select %eq3A_14, %broadcast_in_dim3A_17, %broadcast_in_dim3A_18 : vector<128x128xi1>, vector<128x128xf32>
    %iota3A_20 = tpu.iota {dimensions = array<i32: 0>} : vector<128x1xi32>
    %convert_element_type3A_21 = arith.sitofp %iota3A_20 : vector<128x1xi32> to vector<128x1xf32>
    %get3A = arith.constant 0 : index
    %get3A_22 = arith.constant 0 : index
    %get3A_23 = arith.constant 0 : index
    %get3A_24 = vector.load %arg1[%get3A, %get3A_22, %get3A_23] : memref<50x128x1xf32, #tpu.memory_space<vmem>>, vector<50x128x1xf32>
    %reduce_sum3A = arith.constant dense<0.000000e+00> : vector<128x1xf32>
    %reduce_sum3A_25 = vector.multi_reduction <add>, %get3A_24, %reduce_sum3A [0] : vector<50x128x1xf32> to vector<128x1xf32>
    %broadcast_in_dim3A_26 = arith.constant 0.000000e+00 : f32
    %broadcast_in_dim3A_27 = vector.broadcast %broadcast_in_dim3A_26 : f32 to vector<128x256xf32>
    %get3A_28 = arith.constant 0 : index
    %get3A_29 = arith.constant 0 : index
    %get3A_30 = arith.constant 0 : index
    %get3A_31 = vector.load %arg0[%get3A_28, %get3A_29, %get3A_30] : memref<50x128x128xf32, #tpu.memory_space<vmem>>, vector<10x128x128xf32>
    %reshape3A = vector.shape_cast %get3A_31 : vector<10x128x128xf32> to vector<1280x128xf32>
    %get3A_32 = arith.constant 0 : index
    %get3A_33 = arith.constant 0 : index
    %get3A_34 = arith.constant 0 : index
    %get3A_35 = vector.load %arg1[%get3A_32, %get3A_33, %get3A_34] : memref<50x128x1xf32, #tpu.memory_space<vmem>>, vector<10x128x1xf32>
    %reshape3A_36 = vector.shape_cast %get3A_35 : vector<10x128x1xf32> to vector<1280x1xf32>
    %mul3A = vector.broadcast %reshape3A_36 : vector<1280x1xf32> to vector<1280x128xf32>
    %mul3A_37 = arith.mulf %reshape3A, %mul3A : vector<1280x128xf32>
    %get3A_38 = arith.constant 0 : index
    %get3A_39 = arith.constant 0 : index
    %get3A_40 = vector.load %arg5[%get3A_38, %get3A_39] : memref<768x128xf32, #tpu.memory_space<vmem>>, vector<768x128xf32>
    %dot_general3A = arith.constant dense<0.000000e+00> : vector<1280x768xf32>
    %dot_general3A_41 = tpu.matmul %mul3A_37, %get3A_40, %dot_general3A {dimension_numbers = #tpu.dot_dimension_numbers<[1], [1], [0], [0], [0, 0, 1, 0], [], []>, transpose_lhs_hint = false} : vector<1280x128xf32>, vector<768x128xf32>, vector<1280x768xf32> -> vector<1280x768xf32>
    %get3A_42 = arith.constant 0 : index
    %get3A_43 = arith.constant 0 : index
    %get3A_44 = vector.load %arg7[%get3A_42, %get3A_43] : memref<1x768xf32, #tpu.memory_space<vmem>>, vector<1x768xf32>
    %add3A_45 = vector.broadcast %get3A_44 : vector<1x768xf32> to vector<1280x768xf32>
    %add3A_46 = arith.addf %dot_general3A_41, %add3A_45 : vector<1280x768xf32>
    %swap3A = arith.constant 0 : index
    %swap3A_47 = arith.constant 0 : index
    %swap3A_48 = vector.load %arg47[%swap3A, %swap3A_47] : memref<1280x768xf32, #tpu.memory_space<vmem>>, vector<1280x768xf32>
    tpu.vector_store %arg47[%swap3A, %swap3A_47], %add3A_46 {strides = array<i32>} : memref<1280x768xf32, #tpu.memory_space<vmem>>, vector<1280x768xf32>,
    %scan3A = arith.constant 0 : i32
    %scan3A_49 = arith.constant 10 : i32
    %scan3A_50 = arith.addi %scan3A, %scan3A_49 : i32
    %scan3A_51 = arith.constant 2 : i32
    %scan3A_52 = scf.for %scan3A_871 = %scan3A to %scan3A_50 step %scan3A_51 iter_args(%scan3A_872 = %broadcast_in_dim3A_27) -> (vector<128x256xf32>)  : i32 {
      %mul3A_873 = arith.constant 128 : i32
      %mul3A_874 = arith.muli %scan3A_871, %mul3A_873 : i32
      %get3A_875 = arith.index_cast %mul3A_874 : i32 to index
      %get3A_876 = arith.constant 0 : index
      %get3A_877 = vector.load %arg47[%get3A_875, %get3A_876] : memref<1280x768xf32, #tpu.memory_space<vmem>>, vector<128x768xf32>
      %get3A_878 = arith.constant 0 : index
      %get3A_879 = arith.constant 0 : index
      %get3A_880 = vector.load %arg6[%get3A_878, %get3A_879] : memref<768x256xf32, #tpu.memory_space<vmem>>, vector<768x256xf32>
      %dot_general3A_881 = arith.constant dense<0.000000e+00> : vector<128x768xf32>
      %dot_general3A_882 = tpu.matmul %scan3A_872, %get3A_880, %dot_general3A_881 {dimension_numbers = #tpu.dot_dimension_numbers<[1], [1], [0], [0], [0, 0, 1, 0], [], []>, transpose_lhs_hint = false} : vector<128x256xf32>, vector<768x256xf32>, vector<128x768xf32> -> vector<128x768xf32>
      %get3A_883 = arith.constant 0 : index
      %get3A_884 = arith.constant 0 : index
      %get3A_885 = vector.load %arg8[%get3A_883, %get3A_884] : memref<1x768xf32, #tpu.memory_space<vmem>>, vector<1x768xf32>
      %add3A_886 = vector.broadcast %get3A_885 : vector<1x768xf32> to vector<128x768xf32>
      %add3A_887 = arith.addf %dot_general3A_882, %add3A_886 : vector<128x768xf32>
      %slice3A = vector.extract_strided_slice %get3A_877 {offsets = [0, 0], sizes = [128, 256], strides = [1, 1]} : vector<128x768xf32> to vector<128x256xf32>
      %slice3A_888 = vector.extract_strided_slice %add3A_887 {offsets = [0, 0], sizes = [128, 256], strides = [1, 1]} : vector<128x768xf32> to vector<128x256xf32>
      %add3A_889 = arith.addf %slice3A, %slice3A_888 : vector<128x256xf32>
      %logistic3A = arith.negf %add3A_889 : vector<128x256xf32>
      %logistic3A_890 = math.exp %logistic3A : vector<128x256xf32>
      %logistic3A_891 = arith.constant 1.000000e+00 : f32
      %logistic3A_892 = vector.broadcast %logistic3A_891 : f32 to vector<128x256xf32>
      %logistic3A_893 = arith.addf %logistic3A_892, %logistic3A_890 : vector<128x256xf32>
      %logistic3A_894 = arith.divf %logistic3A_892, %logistic3A_893 : vector<128x256xf32>
      %slice3A_895 = vector.extract_strided_slice %get3A_877 {offsets = [0, 256], sizes = [128, 256], strides = [1, 1]} : vector<128x768xf32> to vector<128x256xf32>
      %slice3A_896 = vector.extract_strided_slice %add3A_887 {offsets = [0, 256], sizes = [128, 256], strides = [1, 1]} : vector<128x768xf32> to vector<128x256xf32>
      %add3A_897 = arith.addf %slice3A_895, %slice3A_896 : vector<128x256xf32>
      %logistic3A_898 = arith.negf %add3A_897 : vector<128x256xf32>
      %logistic3A_899 = math.exp %logistic3A_898 : vector<128x256xf32>
      %logistic3A_900 = arith.constant 1.000000e+00 : f32
      %logistic3A_901 = vector.broadcast %logistic3A_900 : f32 to vector<128x256xf32>
      %logistic3A_902 = arith.addf %logistic3A_901, %logistic3A_899 : vector<128x256xf32>
      %logistic3A_903 = arith.divf %logistic3A_901, %logistic3A_902 : vector<128x256xf32>
      %slice3A_904 = vector.extract_strided_slice %get3A_877 {offsets = [0, 512], sizes = [128, 256], strides = [1, 1]} : vector<128x768xf32> to vector<128x256xf32>
      %slice3A_905 = vector.extract_strided_slice %add3A_887 {offsets = [0, 512], sizes = [128, 256], strides = [1, 1]} : vector<128x768xf32> to vector<128x256xf32>
      %mul3A_906 = arith.mulf %logistic3A_894, %slice3A_905 : vector<128x256xf32>
      %add3A_907 = arith.addf %slice3A_904, %mul3A_906 : vector<128x256xf32>
      %tanh3A = math.tanh %add3A_907 : vector<128x256xf32>
      %sub3A_908 = arith.constant 1.000000e+00 : f32
      %sub3A_909 = vector.broadcast %sub3A_908 : f32 to vector<128x256xf32>
      %sub3A_910 = arith.subf %sub3A_909, %logistic3A_903 : vector<128x256xf32>
      %mul3A_911 = arith.mulf %sub3A_910, %tanh3A : vector<128x256xf32>
      %mul3A_912 = arith.mulf %logistic3A_903, %scan3A_872 : vector<128x256xf32>
      %add3A_913 = arith.addf %mul3A_911, %mul3A_912 : vector<128x256xf32>
      %add3A_914 = arith.constant 0 : i32
      %add3A_915 = arith.addi %add3A_914, %scan3A_871 : i32
      %convert_element_type3A_916 = arith.sitofp %add3A_915 : i32 to f32
      %lt3A_917 = vector.broadcast %convert_element_type3A_916 : f32 to vector<128x1xf32>
      %lt3A_918 = arith.cmpf olt, %lt3A_917, %reduce_sum3A_25 : vector<128x1xf32>
      %broadcast_in_dim3A_919 = vector.shape_cast %lt3A_918 : vector<128x1xi1> to vector<128x1xi1>
      %broadcast_in_dim3A_920 = vector.broadcast %broadcast_in_dim3A_919 : vector<128x1xi1> to vector<128x256xi1>
      %select_n3A_921 = arith.select %broadcast_in_dim3A_920, %add3A_913, %scan3A_872 : vector<128x256xi1>, vector<128x256xf32>
      %scan3A_922 = arith.constant 1 : i32
      %scan3A_923 = arith.addi %scan3A_871, %scan3A_922 : i32
      %mul3A_924 = arith.constant 128 : i32
      %mul3A_925 = arith.muli %scan3A_923, %mul3A_924 : i32
      %get3A_926 = arith.index_cast %mul3A_925 : i32 to index
      %get3A_927 = arith.constant 0 : index
      %get3A_928 = vector.load %arg47[%get3A_926, %get3A_927] : memref<1280x768xf32, #tpu.memory_space<vmem>>, vector<128x768xf32>
      %get3A_929 = arith.constant 0 : index
      %get3A_930 = arith.constant 0 : index
      %get3A_931 = vector.load %arg6[%get3A_929, %get3A_930] : memref<768x256xf32, #tpu.memory_space<vmem>>, vector<768x256xf32>
      %dot_general3A_932 = arith.constant dense<0.000000e+00> : vector<128x768xf32>
      %dot_general3A_933 = tpu.matmul %select_n3A_921, %get3A_931, %dot_general3A_932 {dimension_numbers = #tpu.dot_dimension_numbers<[1], [1], [0], [0], [0, 0, 1, 0], [], []>, transpose_lhs_hint = false} : vector<128x256xf32>, vector<768x256xf32>, vector<128x768xf32> -> vector<128x768xf32>
      %get3A_934 = arith.constant 0 : index
      %get3A_935 = arith.constant 0 : index
      %get3A_936 = vector.load %arg8[%get3A_934, %get3A_935] : memref<1x768xf32, #tpu.memory_space<vmem>>, vector<1x768xf32>
      %add3A_937 = vector.broadcast %get3A_936 : vector<1x768xf32> to vector<128x768xf32>
      %add3A_938 = arith.addf %dot_general3A_933, %add3A_937 : vector<128x768xf32>
      %slice3A_939 = vector.extract_strided_slice %get3A_928 {offsets = [0, 0], sizes = [128, 256], strides = [1, 1]} : vector<128x768xf32> to vector<128x256xf32>
      %slice3A_940 = vector.extract_strided_slice %add3A_938 {offsets = [0, 0], sizes = [128, 256], strides = [1, 1]} : vector<128x768xf32> to vector<128x256xf32>
      %add3A_941 = arith.addf %slice3A_939, %slice3A_940 : vector<128x256xf32>
      %logistic3A_942 = arith.negf %add3A_941 : vector<128x256xf32>
      %logistic3A_943 = math.exp %logistic3A_942 : vector<128x256xf32>
      %logistic3A_944 = arith.constant 1.000000e+00 : f32
      %logistic3A_945 = vector.broadcast %logistic3A_944 : f32 to vector<128x256xf32>
      %logistic3A_946 = arith.addf %logistic3A_945, %logistic3A_943 : vector<128x256xf32>
      %logistic3A_947 = arith.divf %logistic3A_945, %logistic3A_946 : vector<128x256xf32>
      %slice3A_948 = vector.extract_strided_slice %get3A_928 {offsets = [0, 256], sizes = [128, 256], strides = [1, 1]} : vector<128x768xf32> to vector<128x256xf32>
      %slice3A_949 = vector.extract_strided_slice %add3A_938 {offsets = [0, 256], sizes = [128, 256], strides = [1, 1]} : vector<128x768xf32> to vector<128x256xf32>
      %add3A_950 = arith.addf %slice3A_948, %slice3A_949 : vector<128x256xf32>
      %logistic3A_951 = arith.negf %add3A_950 : vector<128x256xf32>
      %logistic3A_952 = math.exp %logistic3A_951 : vector<128x256xf32>
      %logistic3A_953 = arith.constant 1.000000e+00 : f32
      %logistic3A_954 = vector.broadcast %logistic3A_953 : f32 to vector<128x256xf32>
      %logistic3A_955 = arith.addf %logistic3A_954, %logistic3A_952 : vector<128x256xf32>
      %logistic3A_956 = arith.divf %logistic3A_954, %logistic3A_955 : vector<128x256xf32>
      %slice3A_957 = vector.extract_strided_slice %get3A_928 {offsets = [0, 512], sizes = [128, 256], strides = [1, 1]} : vector<128x768xf32> to vector<128x256xf32>
      %slice3A_958 = vector.extract_strided_slice %add3A_938 {offsets = [0, 512], sizes = [128, 256], strides = [1, 1]} : vector<128x768xf32> to vector<128x256xf32>
      %mul3A_959 = arith.mulf %logistic3A_947, %slice3A_958 : vector<128x256xf32>
      %add3A_960 = arith.addf %slice3A_957, %mul3A_959 : vector<128x256xf32>
      %tanh3A_961 = math.tanh %add3A_960 : vector<128x256xf32>
      %sub3A_962 = arith.constant 1.000000e+00 : f32
      %sub3A_963 = vector.broadcast %sub3A_962 : f32 to vector<128x256xf32>
      %sub3A_964 = arith.subf %sub3A_963, %logistic3A_956 : vector<128x256xf32>
      %mul3A_965 = arith.mulf %sub3A_964, %tanh3A_961 : vector<128x256xf32>
      %mul3A_966 = arith.mulf %logistic3A_956, %select_n3A_921 : vector<128x256xf32>
      %add3A_967 = arith.addf %mul3A_965, %mul3A_966 : vector<128x256xf32>
      %add3A_968 = arith.constant 0 : i32
      %add3A_969 = arith.addi %add3A_968, %scan3A_923 : i32
      %convert_element_type3A_970 = arith.sitofp %add3A_969 : i32 to f32
      %lt3A_971 = vector.broadcast %convert_element_type3A_970 : f32 to vector<128x1xf32>
      %lt3A_972 = arith.cmpf olt, %lt3A_971, %reduce_sum3A_25 : vector<128x1xf32>
      %broadcast_in_dim3A_973 = vector.shape_cast %lt3A_972 : vector<128x1xi1> to vector<128x1xi1>
      %broadcast_in_dim3A_974 = vector.broadcast %broadcast_in_dim3A_973 : vector<128x1xi1> to vector<128x256xi1>
      %select_n3A_975 = arith.select %broadcast_in_dim3A_974, %add3A_967, %select_n3A_921 : vector<128x256xi1>, vector<128x256xf32>
      scf.yield %select_n3A_975 : vector<128x256xf32>
    }
    %scan3A_53 = arith.constant 10 : i32
    %get3A_54 = arith.constant 10 : index
    %get3A_55 = arith.constant 0 : index
    %get3A_56 = arith.constant 0 : index
    %get3A_57 = vector.load %arg0[%get3A_54, %get3A_55, %get3A_56] : memref<50x128x128xf32, #tpu.memory_space<vmem>>, vector<10x128x128xf32>
    %reshape3A_58 = vector.shape_cast %get3A_57 : vector<10x128x128xf32> to vector<1280x128xf32>
    %get3A_59 = arith.constant 10 : index
    %get3A_60 = arith.constant 0 : index
    %get3A_61 = arith.constant 0 : index
    %get3A_62 = vector.load %arg1[%get3A_59, %get3A_60, %get3A_61] : memref<50x128x1xf32, #tpu.memory_space<vmem>>, vector<10x128x1xf32>
    %reshape3A_63 = vector.shape_cast %get3A_62 : vector<10x128x1xf32> to vector<1280x1xf32>
    %mul3A_64 = vector.broadcast %reshape3A_63 : vector<1280x1xf32> to vector<1280x128xf32>
    %mul3A_65 = arith.mulf %reshape3A_58, %mul3A_64 : vector<1280x128xf32>
    %get3A_66 = arith.constant 0 : index
    %get3A_67 = arith.constant 0 : index
    %get3A_68 = vector.load %arg5[%get3A_66, %get3A_67] : memref<768x128xf32, #tpu.memory_space<vmem>>, vector<768x128xf32>
    %dot_general3A_69 = arith.constant dense<0.000000e+00> : vector<1280x768xf32>
    %dot_general3A_70 = tpu.matmul %mul3A_65, %get3A_68, %dot_general3A_69 {dimension_numbers = #tpu.dot_dimension_numbers<[1], [1], [0], [0], [0, 0, 1, 0], [], []>, transpose_lhs_hint = false} : vector<1280x128xf32>, vector<768x128xf32>, vector<1280x768xf32> -> vector<1280x768xf32>
    %get3A_71 = arith.constant 0 : index
    %get3A_72 = arith.constant 0 : index
    %get3A_73 = vector.load %arg7[%get3A_71, %get3A_72] : memref<1x768xf32, #tpu.memory_space<vmem>>, vector<1x768xf32>
    %add3A_74 = vector.broadcast %get3A_73 : vector<1x768xf32> to vector<1280x768xf32>
    %add3A_75 = arith.addf %dot_general3A_70, %add3A_74 : vector<1280x768xf32>
    %swap3A_76 = arith.constant 0 : index
    %swap3A_77 = arith.constant 0 : index
    %swap3A_78 = vector.load %arg47[%swap3A_76, %swap3A_77] : memref<1280x768xf32, #tpu.memory_space<vmem>>, vector<1280x768xf32>
    tpu.vector_store %arg47[%swap3A_76, %swap3A_77], %add3A_75 {strides = array<i32>} : memref<1280x768xf32, #tpu.memory_space<vmem>>, vector<1280x768xf32>,
    %scan3A_79 = arith.constant 0 : i32
    %scan3A_80 = arith.constant 10 : i32
    %scan3A_81 = arith.addi %scan3A_79, %scan3A_80 : i32
    %scan3A_82 = arith.constant 2 : i32
    %scan3A_83 = scf.for %scan3A_871 = %scan3A_79 to %scan3A_81 step %scan3A_82 iter_args(%scan3A_872 = %scan3A_52) -> (vector<128x256xf32>)  : i32 {
      %mul3A_873 = arith.constant 128 : i32
      %mul3A_874 = arith.muli %scan3A_871, %mul3A_873 : i32
      %get3A_875 = arith.index_cast %mul3A_874 : i32 to index
      %get3A_876 = arith.constant 0 : index
      %get3A_877 = vector.load %arg47[%get3A_875, %get3A_876] : memref<1280x768xf32, #tpu.memory_space<vmem>>, vector<128x768xf32>
      %get3A_878 = arith.constant 0 : index
      %get3A_879 = arith.constant 0 : index
      %get3A_880 = vector.load %arg6[%get3A_878, %get3A_879] : memref<768x256xf32, #tpu.memory_space<vmem>>, vector<768x256xf32>
      %dot_general3A_881 = arith.constant dense<0.000000e+00> : vector<128x768xf32>
      %dot_general3A_882 = tpu.matmul %scan3A_872, %get3A_880, %dot_general3A_881 {dimension_numbers = #tpu.dot_dimension_numbers<[1], [1], [0], [0], [0, 0, 1, 0], [], []>, transpose_lhs_hint = false} : vector<128x256xf32>, vector<768x256xf32>, vector<128x768xf32> -> vector<128x768xf32>
      %get3A_883 = arith.constant 0 : index
      %get3A_884 = arith.constant 0 : index
      %get3A_885 = vector.load %arg8[%get3A_883, %get3A_884] : memref<1x768xf32, #tpu.memory_space<vmem>>, vector<1x768xf32>
      %add3A_886 = vector.broadcast %get3A_885 : vector<1x768xf32> to vector<128x768xf32>
      %add3A_887 = arith.addf %dot_general3A_882, %add3A_886 : vector<128x768xf32>
      %slice3A = vector.extract_strided_slice %get3A_877 {offsets = [0, 0], sizes = [128, 256], strides = [1, 1]} : vector<128x768xf32> to vector<128x256xf32>
      %slice3A_888 = vector.extract_strided_slice %add3A_887 {offsets = [0, 0], sizes = [128, 256], strides = [1, 1]} : vector<128x768xf32> to vector<128x256xf32>
      %add3A_889 = arith.addf %slice3A, %slice3A_888 : vector<128x256xf32>
      %logistic3A = arith.negf %add3A_889 : vector<128x256xf32>
      %logistic3A_890 = math.exp %logistic3A : vector<128x256xf32>
      %logistic3A_891 = arith.constant 1.000000e+00 : f32
      %logistic3A_892 = vector.broadcast %logistic3A_891 : f32 to vector<128x256xf32>
      %logistic3A_893 = arith.addf %logistic3A_892, %logistic3A_890 : vector<128x256xf32>
      %logistic3A_894 = arith.divf %logistic3A_892, %logistic3A_893 : vector<128x256xf32>
      %slice3A_895 = vector.extract_strided_slice %get3A_877 {offsets = [0, 256], sizes = [128, 256], strides = [1, 1]} : vector<128x768xf32> to vector<128x256xf32>
      %slice3A_896 = vector.extract_strided_slice %add3A_887 {offsets = [0, 256], sizes = [128, 256], strides = [1, 1]} : vector<128x768xf32> to vector<128x256xf32>
      %add3A_897 = arith.addf %slice3A_895, %slice3A_896 : vector<128x256xf32>
      %logistic3A_898 = arith.negf %add3A_897 : vector<128x256xf32>
      %logistic3A_899 = math.exp %logistic3A_898 : vector<128x256xf32>
      %logistic3A_900 = arith.constant 1.000000e+00 : f32
      %logistic3A_901 = vector.broadcast %logistic3A_900 : f32 to vector<128x256xf32>
      %logistic3A_902 = arith.addf %logistic3A_901, %logistic3A_899 : vector<128x256xf32>
      %logistic3A_903 = arith.divf %logistic3A_901, %logistic3A_902 : vector<128x256xf32>
      %slice3A_904 = vector.extract_strided_slice %get3A_877 {offsets = [0, 512], sizes = [128, 256], strides = [1, 1]} : vector<128x768xf32> to vector<128x256xf32>
      %slice3A_905 = vector.extract_strided_slice %add3A_887 {offsets = [0, 512], sizes = [128, 256], strides = [1, 1]} : vector<128x768xf32> to vector<128x256xf32>
      %mul3A_906 = arith.mulf %logistic3A_894, %slice3A_905 : vector<128x256xf32>
      %add3A_907 = arith.addf %slice3A_904, %mul3A_906 : vector<128x256xf32>
      %tanh3A = math.tanh %add3A_907 : vector<128x256xf32>
      %sub3A_908 = arith.constant 1.000000e+00 : f32
      %sub3A_909 = vector.broadcast %sub3A_908 : f32 to vector<128x256xf32>
      %sub3A_910 = arith.subf %sub3A_909, %logistic3A_903 : vector<128x256xf32>
      %mul3A_911 = arith.mulf %sub3A_910, %tanh3A : vector<128x256xf32>
      %mul3A_912 = arith.mulf %logistic3A_903, %scan3A_872 : vector<128x256xf32>
      %add3A_913 = arith.addf %mul3A_911, %mul3A_912 : vector<128x256xf32>
      %add3A_914 = arith.constant 10 : i32
      %add3A_915 = arith.addi %add3A_914, %scan3A_871 : i32
      %convert_element_type3A_916 = arith.sitofp %add3A_915 : i32 to f32
      %lt3A_917 = vector.broadcast %convert_element_type3A_916 : f32 to vector<128x1xf32>
      %lt3A_918 = arith.cmpf olt, %lt3A_917, %reduce_sum3A_25 : vector<128x1xf32>
      %broadcast_in_dim3A_919 = vector.shape_cast %lt3A_918 : vector<128x1xi1> to vector<128x1xi1>
      %broadcast_in_dim3A_920 = vector.broadcast %broadcast_in_dim3A_919 : vector<128x1xi1> to vector<128x256xi1>
      %select_n3A_921 = arith.select %broadcast_in_dim3A_920, %add3A_913, %scan3A_872 : vector<128x256xi1>, vector<128x256xf32>
      %scan3A_922 = arith.constant 1 : i32
      %scan3A_923 = arith.addi %scan3A_871, %scan3A_922 : i32
      %mul3A_924 = arith.constant 128 : i32
      %mul3A_925 = arith.muli %scan3A_923, %mul3A_924 : i32
      %get3A_926 = arith.index_cast %mul3A_925 : i32 to index
      %get3A_927 = arith.constant 0 : index
      %get3A_928 = vector.load %arg47[%get3A_926, %get3A_927] : memref<1280x768xf32, #tpu.memory_space<vmem>>, vector<128x768xf32>
      %get3A_929 = arith.constant 0 : index
      %get3A_930 = arith.constant 0 : index
      %get3A_931 = vector.load %arg6[%get3A_929, %get3A_930] : memref<768x256xf32, #tpu.memory_space<vmem>>, vector<768x256xf32>
      %dot_general3A_932 = arith.constant dense<0.000000e+00> : vector<128x768xf32>
      %dot_general3A_933 = tpu.matmul %select_n3A_921, %get3A_931, %dot_general3A_932 {dimension_numbers = #tpu.dot_dimension_numbers<[1], [1], [0], [0], [0, 0, 1, 0], [], []>, transpose_lhs_hint = false} : vector<128x256xf32>, vector<768x256xf32>, vector<128x768xf32> -> vector<128x768xf32>
      %get3A_934 = arith.constant 0 : index
      %get3A_935 = arith.constant 0 : index
      %get3A_936 = vector.load %arg8[%get3A_934, %get3A_935] : memref<1x768xf32, #tpu.memory_space<vmem>>, vector<1x768xf32>
      %add3A_937 = vector.broadcast %get3A_936 : vector<1x768xf32> to vector<128x768xf32>
      %add3A_938 = arith.addf %dot_general3A_933, %add3A_937 : vector<128x768xf32>
      %slice3A_939 = vector.extract_strided_slice %get3A_928 {offsets = [0, 0], sizes = [128, 256], strides = [1, 1]} : vector<128x768xf32> to vector<128x256xf32>
      %slice3A_940 = vector.extract_strided_slice %add3A_938 {offsets = [0, 0], sizes = [128, 256], strides = [1, 1]} : vector<128x768xf32> to vector<128x256xf32>
      %add3A_941 = arith.addf %slice3A_939, %slice3A_940 : vector<128x256xf32>
      %logistic3A_942 = arith.negf %add3A_941 : vector<128x256xf32>
      %logistic3A_943 = math.exp %logistic3A_942 : vector<128x256xf32>
      %logistic3A_944 = arith.constant 1.000000e+00 : f32
      %logistic3A_945 = vector.broadcast %logistic3A_944 : f32 to vector<128x256xf32>
      %logistic3A_946 = arith.addf %logistic3A_945, %logistic3A_943 : vector<128x256xf32>
      %logistic3A_947 = arith.divf %logistic3A_945, %logistic3A_946 : vector<128x256xf32>
      %slice3A_948 = vector.extract_strided_slice %get3A_928 {offsets = [0, 256], sizes = [128, 256], strides = [1, 1]} : vector<128x768xf32> to vector<128x256xf32>
      %slice3A_949 = vector.extract_strided_slice %add3A_938 {offsets = [0, 256], sizes = [128, 256], strides = [1, 1]} : vector<128x768xf32> to vector<128x256xf32>
      %add3A_950 = arith.addf %slice3A_948, %slice3A_949 : vector<128x256xf32>
      %logistic3A_951 = arith.negf %add3A_950 : vector<128x256xf32>
      %logistic3A_952 = math.exp %logistic3A_951 : vector<128x256xf32>
      %logistic3A_953 = arith.constant 1.000000e+00 : f32
      %logistic3A_954 = vector.broadcast %logistic3A_953 : f32 to vector<128x256xf32>
      %logistic3A_955 = arith.addf %logistic3A_954, %logistic3A_952 : vector<128x256xf32>
      %logistic3A_956 = arith.divf %logistic3A_954, %logistic3A_955 : vector<128x256xf32>
      %slice3A_957 = vector.extract_strided_slice %get3A_928 {offsets = [0, 512], sizes = [128, 256], strides = [1, 1]} : vector<128x768xf32> to vector<128x256xf32>
      %slice3A_958 = vector.extract_strided_slice %add3A_938 {offsets = [0, 512], sizes = [128, 256], strides = [1, 1]} : vector<128x768xf32> to vector<128x256xf32>
      %mul3A_959 = arith.mulf %logistic3A_947, %slice3A_958 : vector<128x256xf32>
      %add3A_960 = arith.addf %slice3A_957, %mul3A_959 : vector<128x256xf32>
      %tanh3A_961 = math.tanh %add3A_960 : vector<128x256xf32>
      %sub3A_962 = arith.constant 1.000000e+00 : f32
      %sub3A_963 = vector.broadcast %sub3A_962 : f32 to vector<128x256xf32>
      %sub3A_964 = arith.subf %sub3A_963, %logistic3A_956 : vector<128x256xf32>
      %mul3A_965 = arith.mulf %sub3A_964, %tanh3A_961 : vector<128x256xf32>
      %mul3A_966 = arith.mulf %logistic3A_956, %select_n3A_921 : vector<128x256xf32>
      %add3A_967 = arith.addf %mul3A_965, %mul3A_966 : vector<128x256xf32>
      %add3A_968 = arith.constant 10 : i32
      %add3A_969 = arith.addi %add3A_968, %scan3A_923 : i32
      %convert_element_type3A_970 = arith.sitofp %add3A_969 : i32 to f32
      %lt3A_971 = vector.broadcast %convert_element_type3A_970 : f32 to vector<128x1xf32>
      %lt3A_972 = arith.cmpf olt, %lt3A_971, %reduce_sum3A_25 : vector<128x1xf32>
      %broadcast_in_dim3A_973 = vector.shape_cast %lt3A_972 : vector<128x1xi1> to vector<128x1xi1>
      %broadcast_in_dim3A_974 = vector.broadcast %broadcast_in_dim3A_973 : vector<128x1xi1> to vector<128x256xi1>
      %select_n3A_975 = arith.select %broadcast_in_dim3A_974, %add3A_967, %select_n3A_921 : vector<128x256xi1>, vector<128x256xf32>
      scf.yield %select_n3A_975 : vector<128x256xf32>
    }
    %scan3A_84 = arith.constant 10 : i32
    %get3A_85 = arith.constant 20 : index
    %get3A_86 = arith.constant 0 : index
    %get3A_87 = arith.constant 0 : index
    %get3A_88 = vector.load %arg0[%get3A_85, %get3A_86, %get3A_87] : memref<50x128x128xf32, #tpu.memory_space<vmem>>, vector<10x128x128xf32>
    %reshape3A_89 = vector.shape_cast %get3A_88 : vector<10x128x128xf32> to vector<1280x128xf32>
    %get3A_90 = arith.constant 20 : index
    %get3A_91 = arith.constant 0 : index
    %get3A_92 = arith.constant 0 : index
    %get3A_93 = vector.load %arg1[%get3A_90, %get3A_91, %get3A_92] : memref<50x128x1xf32, #tpu.memory_space<vmem>>, vector<10x128x1xf32>
    %reshape3A_94 = vector.shape_cast %get3A_93 : vector<10x128x1xf32> to vector<1280x1xf32>
    %mul3A_95 = vector.broadcast %reshape3A_94 : vector<1280x1xf32> to vector<1280x128xf32>
    %mul3A_96 = arith.mulf %reshape3A_89, %mul3A_95 : vector<1280x128xf32>
    %get3A_97 = arith.constant 0 : index
    %get3A_98 = arith.constant 0 : index
    %get3A_99 = vector.load %arg5[%get3A_97, %get3A_98] : memref<768x128xf32, #tpu.memory_space<vmem>>, vector<768x128xf32>
    %dot_general3A_100 = arith.constant dense<0.000000e+00> : vector<1280x768xf32>
    %dot_general3A_101 = tpu.matmul %mul3A_96, %get3A_99, %dot_general3A_100 {dimension_numbers = #tpu.dot_dimension_numbers<[1], [1], [0], [0], [0, 0, 1, 0], [], []>, transpose_lhs_hint = false} : vector<1280x128xf32>, vector<768x128xf32>, vector<1280x768xf32> -> vector<1280x768xf32>
    %get3A_102 = arith.constant 0 : index
    %get3A_103 = arith.constant 0 : index
    %get3A_104 = vector.load %arg7[%get3A_102, %get3A_103] : memref<1x768xf32, #tpu.memory_space<vmem>>, vector<1x768xf32>
    %add3A_105 = vector.broadcast %get3A_104 : vector<1x768xf32> to vector<1280x768xf32>
    %add3A_106 = arith.addf %dot_general3A_101, %add3A_105 : vector<1280x768xf32>
    %swap3A_107 = arith.constant 0 : index
    %swap3A_108 = arith.constant 0 : index
    %swap3A_109 = vector.load %arg47[%swap3A_107, %swap3A_108] : memref<1280x768xf32, #tpu.memory_space<vmem>>, vector<1280x768xf32>
    tpu.vector_store %arg47[%swap3A_107, %swap3A_108], %add3A_106 {strides = array<i32>} : memref<1280x768xf32, #tpu.memory_space<vmem>>, vector<1280x768xf32>,
    %scan3A_110 = arith.constant 0 : i32
    %scan3A_111 = arith.constant 10 : i32
    %scan3A_112 = arith.addi %scan3A_110, %scan3A_111 : i32
    %scan3A_113 = arith.constant 2 : i32
    %scan3A_114 = scf.for %scan3A_871 = %scan3A_110 to %scan3A_112 step %scan3A_113 iter_args(%scan3A_872 = %scan3A_83) -> (vector<128x256xf32>)  : i32 {
      %mul3A_873 = arith.constant 128 : i32
      %mul3A_874 = arith.muli %scan3A_871, %mul3A_873 : i32
      %get3A_875 = arith.index_cast %mul3A_874 : i32 to index
      %get3A_876 = arith.constant 0 : index
      %get3A_877 = vector.load %arg47[%get3A_875, %get3A_876] : memref<1280x768xf32, #tpu.memory_space<vmem>>, vector<128x768xf32>
      %get3A_878 = arith.constant 0 : index
      %get3A_879 = arith.constant 0 : index
      %get3A_880 = vector.load %arg6[%get3A_878, %get3A_879] : memref<768x256xf32, #tpu.memory_space<vmem>>, vector<768x256xf32>
      %dot_general3A_881 = arith.constant dense<0.000000e+00> : vector<128x768xf32>
      %dot_general3A_882 = tpu.matmul %scan3A_872, %get3A_880, %dot_general3A_881 {dimension_numbers = #tpu.dot_dimension_numbers<[1], [1], [0], [0], [0, 0, 1, 0], [], []>, transpose_lhs_hint = false} : vector<128x256xf32>, vector<768x256xf32>, vector<128x768xf32> -> vector<128x768xf32>
      %get3A_883 = arith.constant 0 : index
      %get3A_884 = arith.constant 0 : index
      %get3A_885 = vector.load %arg8[%get3A_883, %get3A_884] : memref<1x768xf32, #tpu.memory_space<vmem>>, vector<1x768xf32>
      %add3A_886 = vector.broadcast %get3A_885 : vector<1x768xf32> to vector<128x768xf32>
      %add3A_887 = arith.addf %dot_general3A_882, %add3A_886 : vector<128x768xf32>
      %slice3A = vector.extract_strided_slice %get3A_877 {offsets = [0, 0], sizes = [128, 256], strides = [1, 1]} : vector<128x768xf32> to vector<128x256xf32>
      %slice3A_888 = vector.extract_strided_slice %add3A_887 {offsets = [0, 0], sizes = [128, 256], strides = [1, 1]} : vector<128x768xf32> to vector<128x256xf32>
      %add3A_889 = arith.addf %slice3A, %slice3A_888 : vector<128x256xf32>
      %logistic3A = arith.negf %add3A_889 : vector<128x256xf32>
      %logistic3A_890 = math.exp %logistic3A : vector<128x256xf32>
      %logistic3A_891 = arith.constant 1.000000e+00 : f32
      %logistic3A_892 = vector.broadcast %logistic3A_891 : f32 to vector<128x256xf32>
      %logistic3A_893 = arith.addf %logistic3A_892, %logistic3A_890 : vector<128x256xf32>
      %logistic3A_894 = arith.divf %logistic3A_892, %logistic3A_893 : vector<128x256xf32>
      %slice3A_895 = vector.extract_strided_slice %get3A_877 {offsets = [0, 256], sizes = [128, 256], strides = [1, 1]} : vector<128x768xf32> to vector<128x256xf32>
      %slice3A_896 = vector.extract_strided_slice %add3A_887 {offsets = [0, 256], sizes = [128, 256], strides = [1, 1]} : vector<128x768xf32> to vector<128x256xf32>
      %add3A_897 = arith.addf %slice3A_895, %slice3A_896 : vector<128x256xf32>
      %logistic3A_898 = arith.negf %add3A_897 : vector<128x256xf32>
      %logistic3A_899 = math.exp %logistic3A_898 : vector<128x256xf32>
      %logistic3A_900 = arith.constant 1.000000e+00 : f32
      %logistic3A_901 = vector.broadcast %logistic3A_900 : f32 to vector<128x256xf32>
      %logistic3A_902 = arith.addf %logistic3A_901, %logistic3A_899 : vector<128x256xf32>
      %logistic3A_903 = arith.divf %logistic3A_901, %logistic3A_902 : vector<128x256xf32>
      %slice3A_904 = vector.extract_strided_slice %get3A_877 {offsets = [0, 512], sizes = [128, 256], strides = [1, 1]} : vector<128x768xf32> to vector<128x256xf32>
      %slice3A_905 = vector.extract_strided_slice %add3A_887 {offsets = [0, 512], sizes = [128, 256], strides = [1, 1]} : vector<128x768xf32> to vector<128x256xf32>
      %mul3A_906 = arith.mulf %logistic3A_894, %slice3A_905 : vector<128x256xf32>
      %add3A_907 = arith.addf %slice3A_904, %mul3A_906 : vector<128x256xf32>
      %tanh3A = math.tanh %add3A_907 : vector<128x256xf32>
      %sub3A_908 = arith.constant 1.000000e+00 : f32
      %sub3A_909 = vector.broadcast %sub3A_908 : f32 to vector<128x256xf32>
      %sub3A_910 = arith.subf %sub3A_909, %logistic3A_903 : vector<128x256xf32>
      %mul3A_911 = arith.mulf %sub3A_910, %tanh3A : vector<128x256xf32>
      %mul3A_912 = arith.mulf %logistic3A_903, %scan3A_872 : vector<128x256xf32>
      %add3A_913 = arith.addf %mul3A_911, %mul3A_912 : vector<128x256xf32>
      %add3A_914 = arith.constant 20 : i32
      %add3A_915 = arith.addi %add3A_914, %scan3A_871 : i32
      %convert_element_type3A_916 = arith.sitofp %add3A_915 : i32 to f32
      %lt3A_917 = vector.broadcast %convert_element_type3A_916 : f32 to vector<128x1xf32>
      %lt3A_918 = arith.cmpf olt, %lt3A_917, %reduce_sum3A_25 : vector<128x1xf32>
      %broadcast_in_dim3A_919 = vector.shape_cast %lt3A_918 : vector<128x1xi1> to vector<128x1xi1>
      %broadcast_in_dim3A_920 = vector.broadcast %broadcast_in_dim3A_919 : vector<128x1xi1> to vector<128x256xi1>
      %select_n3A_921 = arith.select %broadcast_in_dim3A_920, %add3A_913, %scan3A_872 : vector<128x256xi1>, vector<128x256xf32>
      %scan3A_922 = arith.constant 1 : i32
      %scan3A_923 = arith.addi %scan3A_871, %scan3A_922 : i32
      %mul3A_924 = arith.constant 128 : i32
      %mul3A_925 = arith.muli %scan3A_923, %mul3A_924 : i32
      %get3A_926 = arith.index_cast %mul3A_925 : i32 to index
      %get3A_927 = arith.constant 0 : index
      %get3A_928 = vector.load %arg47[%get3A_926, %get3A_927] : memref<1280x768xf32, #tpu.memory_space<vmem>>, vector<128x768xf32>
      %get3A_929 = arith.constant 0 : index
      %get3A_930 = arith.constant 0 : index
      %get3A_931 = vector.load %arg6[%get3A_929, %get3A_930] : memref<768x256xf32, #tpu.memory_space<vmem>>, vector<768x256xf32>
      %dot_general3A_932 = arith.constant dense<0.000000e+00> : vector<128x768xf32>
      %dot_general3A_933 = tpu.matmul %select_n3A_921, %get3A_931, %dot_general3A_932 {dimension_numbers = #tpu.dot_dimension_numbers<[1], [1], [0], [0], [0, 0, 1, 0], [], []>, transpose_lhs_hint = false} : vector<128x256xf32>, vector<768x256xf32>, vector<128x768xf32> -> vector<128x768xf32>
      %get3A_934 = arith.constant 0 : index
      %get3A_935 = arith.constant 0 : index
      %get3A_936 = vector.load %arg8[%get3A_934, %get3A_935] : memref<1x768xf32, #tpu.memory_space<vmem>>, vector<1x768xf32>
      %add3A_937 = vector.broadcast %get3A_936 : vector<1x768xf32> to vector<128x768xf32>
      %add3A_938 = arith.addf %dot_general3A_933, %add3A_937 : vector<128x768xf32>
      %slice3A_939 = vector.extract_strided_slice %get3A_928 {offsets = [0, 0], sizes = [128, 256], strides = [1, 1]} : vector<128x768xf32> to vector<128x256xf32>
      %slice3A_940 = vector.extract_strided_slice %add3A_938 {offsets = [0, 0], sizes = [128, 256], strides = [1, 1]} : vector<128x768xf32> to vector<128x256xf32>
      %add3A_941 = arith.addf %slice3A_939, %slice3A_940 : vector<128x256xf32>
      %logistic3A_942 = arith.negf %add3A_941 : vector<128x256xf32>
      %logistic3A_943 = math.exp %logistic3A_942 : vector<128x256xf32>
      %logistic3A_944 = arith.constant 1.000000e+00 : f32
      %logistic3A_945 = vector.broadcast %logistic3A_944 : f32 to vector<128x256xf32>
      %logistic3A_946 = arith.addf %logistic3A_945, %logistic3A_943 : vector<128x256xf32>
      %logistic3A_947 = arith.divf %logistic3A_945, %logistic3A_946 : vector<128x256xf32>
      %slice3A_948 = vector.extract_strided_slice %get3A_928 {offsets = [0, 256], sizes = [128, 256], strides = [1, 1]} : vector<128x768xf32> to vector<128x256xf32>
      %slice3A_949 = vector.extract_strided_slice %add3A_938 {offsets = [0, 256], sizes = [128, 256], strides = [1, 1]} : vector<128x768xf32> to vector<128x256xf32>
      %add3A_950 = arith.addf %slice3A_948, %slice3A_949 : vector<128x256xf32>
      %logistic3A_951 = arith.negf %add3A_950 : vector<128x256xf32>
      %logistic3A_952 = math.exp %logistic3A_951 : vector<128x256xf32>
      %logistic3A_953 = arith.constant 1.000000e+00 : f32
      %logistic3A_954 = vector.broadcast %logistic3A_953 : f32 to vector<128x256xf32>
      %logistic3A_955 = arith.addf %logistic3A_954, %logistic3A_952 : vector<128x256xf32>
      %logistic3A_956 = arith.divf %logistic3A_954, %logistic3A_955 : vector<128x256xf32>
      %slice3A_957 = vector.extract_strided_slice %get3A_928 {offsets = [0, 512], sizes = [128, 256], strides = [1, 1]} : vector<128x768xf32> to vector<128x256xf32>
      %slice3A_958 = vector.extract_strided_slice %add3A_938 {offsets = [0, 512], sizes = [128, 256], strides = [1, 1]} : vector<128x768xf32> to vector<128x256xf32>
      %mul3A_959 = arith.mulf %logistic3A_947, %slice3A_958 : vector<128x256xf32>
      %add3A_960 = arith.addf %slice3A_957, %mul3A_959 : vector<128x256xf32>
      %tanh3A_961 = math.tanh %add3A_960 : vector<128x256xf32>
      %sub3A_962 = arith.constant 1.000000e+00 : f32
      %sub3A_963 = vector.broadcast %sub3A_962 : f32 to vector<128x256xf32>
      %sub3A_964 = arith.subf %sub3A_963, %logistic3A_956 : vector<128x256xf32>
      %mul3A_965 = arith.mulf %sub3A_964, %tanh3A_961 : vector<128x256xf32>
      %mul3A_966 = arith.mulf %logistic3A_956, %select_n3A_921 : vector<128x256xf32>
      %add3A_967 = arith.addf %mul3A_965, %mul3A_966 : vector<128x256xf32>
      %add3A_968 = arith.constant 20 : i32
      %add3A_969 = arith.addi %add3A_968, %scan3A_923 : i32
      %convert_element_type3A_970 = arith.sitofp %add3A_969 : i32 to f32
      %lt3A_971 = vector.broadcast %convert_element_type3A_970 : f32 to vector<128x1xf32>
      %lt3A_972 = arith.cmpf olt, %lt3A_971, %reduce_sum3A_25 : vector<128x1xf32>
      %broadcast_in_dim3A_973 = vector.shape_cast %lt3A_972 : vector<128x1xi1> to vector<128x1xi1>
      %broadcast_in_dim3A_974 = vector.broadcast %broadcast_in_dim3A_973 : vector<128x1xi1> to vector<128x256xi1>
      %select_n3A_975 = arith.select %broadcast_in_dim3A_974, %add3A_967, %select_n3A_921 : vector<128x256xi1>, vector<128x256xf32>
      scf.yield %select_n3A_975 : vector<128x256xf32>
    }
    %scan3A_115 = arith.constant 10 : i32
    %get3A_116 = arith.constant 30 : index
    %get3A_117 = arith.constant 0 : index
    %get3A_118 = arith.constant 0 : index
    %get3A_119 = vector.load %arg0[%get3A_116, %get3A_117, %get3A_118] : memref<50x128x128xf32, #tpu.memory_space<vmem>>, vector<10x128x128xf32>
    %reshape3A_120 = vector.shape_cast %get3A_119 : vector<10x128x128xf32> to vector<1280x128xf32>
    %get3A_121 = arith.constant 30 : index
    %get3A_122 = arith.constant 0 : index
    %get3A_123 = arith.constant 0 : index
    %get3A_124 = vector.load %arg1[%get3A_121, %get3A_122, %get3A_123] : memref<50x128x1xf32, #tpu.memory_space<vmem>>, vector<10x128x1xf32>
    %reshape3A_125 = vector.shape_cast %get3A_124 : vector<10x128x1xf32> to vector<1280x1xf32>
    %mul3A_126 = vector.broadcast %reshape3A_125 : vector<1280x1xf32> to vector<1280x128xf32>
    %mul3A_127 = arith.mulf %reshape3A_120, %mul3A_126 : vector<1280x128xf32>
    %get3A_128 = arith.constant 0 : index
    %get3A_129 = arith.constant 0 : index
    %get3A_130 = vector.load %arg5[%get3A_128, %get3A_129] : memref<768x128xf32, #tpu.memory_space<vmem>>, vector<768x128xf32>
    %dot_general3A_131 = arith.constant dense<0.000000e+00> : vector<1280x768xf32>
    %dot_general3A_132 = tpu.matmul %mul3A_127, %get3A_130, %dot_general3A_131 {dimension_numbers = #tpu.dot_dimension_numbers<[1], [1], [0], [0], [0, 0, 1, 0], [], []>, transpose_lhs_hint = false} : vector<1280x128xf32>, vector<768x128xf32>, vector<1280x768xf32> -> vector<1280x768xf32>
    %get3A_133 = arith.constant 0 : index
    %get3A_134 = arith.constant 0 : index
    %get3A_135 = vector.load %arg7[%get3A_133, %get3A_134] : memref<1x768xf32, #tpu.memory_space<vmem>>, vector<1x768xf32>
    %add3A_136 = vector.broadcast %get3A_135 : vector<1x768xf32> to vector<1280x768xf32>
    %add3A_137 = arith.addf %dot_general3A_132, %add3A_136 : vector<1280x768xf32>
    %swap3A_138 = arith.constant 0 : index
    %swap3A_139 = arith.constant 0 : index
    %swap3A_140 = vector.load %arg47[%swap3A_138, %swap3A_139] : memref<1280x768xf32, #tpu.memory_space<vmem>>, vector<1280x768xf32>
    tpu.vector_store %arg47[%swap3A_138, %swap3A_139], %add3A_137 {strides = array<i32>} : memref<1280x768xf32, #tpu.memory_space<vmem>>, vector<1280x768xf32>,
    %scan3A_141 = arith.constant 0 : i32
    %scan3A_142 = arith.constant 10 : i32
    %scan3A_143 = arith.addi %scan3A_141, %scan3A_142 : i32
    %scan3A_144 = arith.constant 2 : i32
    %scan3A_145 = scf.for %scan3A_871 = %scan3A_141 to %scan3A_143 step %scan3A_144 iter_args(%scan3A_872 = %scan3A_114) -> (vector<128x256xf32>)  : i32 {
      %mul3A_873 = arith.constant 128 : i32
      %mul3A_874 = arith.muli %scan3A_871, %mul3A_873 : i32
      %get3A_875 = arith.index_cast %mul3A_874 : i32 to index
      %get3A_876 = arith.constant 0 : index
      %get3A_877 = vector.load %arg47[%get3A_875, %get3A_876] : memref<1280x768xf32, #tpu.memory_space<vmem>>, vector<128x768xf32>
      %get3A_878 = arith.constant 0 : index
      %get3A_879 = arith.constant 0 : index
      %get3A_880 = vector.load %arg6[%get3A_878, %get3A_879] : memref<768x256xf32, #tpu.memory_space<vmem>>, vector<768x256xf32>
      %dot_general3A_881 = arith.constant dense<0.000000e+00> : vector<128x768xf32>
      %dot_general3A_882 = tpu.matmul %scan3A_872, %get3A_880, %dot_general3A_881 {dimension_numbers = #tpu.dot_dimension_numbers<[1], [1], [0], [0], [0, 0, 1, 0], [], []>, transpose_lhs_hint = false} : vector<128x256xf32>, vector<768x256xf32>, vector<128x768xf32> -> vector<128x768xf32>
      %get3A_883 = arith.constant 0 : index
      %get3A_884 = arith.constant 0 : index
      %get3A_885 = vector.load %arg8[%get3A_883, %get3A_884] : memref<1x768xf32, #tpu.memory_space<vmem>>, vector<1x768xf32>
      %add3A_886 = vector.broadcast %get3A_885 : vector<1x768xf32> to vector<128x768xf32>
      %add3A_887 = arith.addf %dot_general3A_882, %add3A_886 : vector<128x768xf32>
      %slice3A = vector.extract_strided_slice %get3A_877 {offsets = [0, 0], sizes = [128, 256], strides = [1, 1]} : vector<128x768xf32> to vector<128x256xf32>
      %slice3A_888 = vector.extract_strided_slice %add3A_887 {offsets = [0, 0], sizes = [128, 256], strides = [1, 1]} : vector<128x768xf32> to vector<128x256xf32>
      %add3A_889 = arith.addf %slice3A, %slice3A_888 : vector<128x256xf32>
      %logistic3A = arith.negf %add3A_889 : vector<128x256xf32>
      %logistic3A_890 = math.exp %logistic3A : vector<128x256xf32>
      %logistic3A_891 = arith.constant 1.000000e+00 : f32
      %logistic3A_892 = vector.broadcast %logistic3A_891 : f32 to vector<128x256xf32>
      %logistic3A_893 = arith.addf %logistic3A_892, %logistic3A_890 : vector<128x256xf32>
      %logistic3A_894 = arith.divf %logistic3A_892, %logistic3A_893 : vector<128x256xf32>
      %slice3A_895 = vector.extract_strided_slice %get3A_877 {offsets = [0, 256], sizes = [128, 256], strides = [1, 1]} : vector<128x768xf32> to vector<128x256xf32>
      %slice3A_896 = vector.extract_strided_slice %add3A_887 {offsets = [0, 256], sizes = [128, 256], strides = [1, 1]} : vector<128x768xf32> to vector<128x256xf32>
      %add3A_897 = arith.addf %slice3A_895, %slice3A_896 : vector<128x256xf32>
      %logistic3A_898 = arith.negf %add3A_897 : vector<128x256xf32>
      %logistic3A_899 = math.exp %logistic3A_898 : vector<128x256xf32>
      %logistic3A_900 = arith.constant 1.000000e+00 : f32
      %logistic3A_901 = vector.broadcast %logistic3A_900 : f32 to vector<128x256xf32>
      %logistic3A_902 = arith.addf %logistic3A_901, %logistic3A_899 : vector<128x256xf32>
      %logistic3A_903 = arith.divf %logistic3A_901, %logistic3A_902 : vector<128x256xf32>
      %slice3A_904 = vector.extract_strided_slice %get3A_877 {offsets = [0, 512], sizes = [128, 256], strides = [1, 1]} : vector<128x768xf32> to vector<128x256xf32>
      %slice3A_905 = vector.extract_strided_slice %add3A_887 {offsets = [0, 512], sizes = [128, 256], strides = [1, 1]} : vector<128x768xf32> to vector<128x256xf32>
      %mul3A_906 = arith.mulf %logistic3A_894, %slice3A_905 : vector<128x256xf32>
      %add3A_907 = arith.addf %slice3A_904, %mul3A_906 : vector<128x256xf32>
      %tanh3A = math.tanh %add3A_907 : vector<128x256xf32>
      %sub3A_908 = arith.constant 1.000000e+00 : f32
      %sub3A_909 = vector.broadcast %sub3A_908 : f32 to vector<128x256xf32>
      %sub3A_910 = arith.subf %sub3A_909, %logistic3A_903 : vector<128x256xf32>
      %mul3A_911 = arith.mulf %sub3A_910, %tanh3A : vector<128x256xf32>
      %mul3A_912 = arith.mulf %logistic3A_903, %scan3A_872 : vector<128x256xf32>
      %add3A_913 = arith.addf %mul3A_911, %mul3A_912 : vector<128x256xf32>
      %add3A_914 = arith.constant 30 : i32
      %add3A_915 = arith.addi %add3A_914, %scan3A_871 : i32
      %convert_element_type3A_916 = arith.sitofp %add3A_915 : i32 to f32
      %lt3A_917 = vector.broadcast %convert_element_type3A_916 : f32 to vector<128x1xf32>
      %lt3A_918 = arith.cmpf olt, %lt3A_917, %reduce_sum3A_25 : vector<128x1xf32>
      %broadcast_in_dim3A_919 = vector.shape_cast %lt3A_918 : vector<128x1xi1> to vector<128x1xi1>
      %broadcast_in_dim3A_920 = vector.broadcast %broadcast_in_dim3A_919 : vector<128x1xi1> to vector<128x256xi1>
      %select_n3A_921 = arith.select %broadcast_in_dim3A_920, %add3A_913, %scan3A_872 : vector<128x256xi1>, vector<128x256xf32>
      %scan3A_922 = arith.constant 1 : i32
      %scan3A_923 = arith.addi %scan3A_871, %scan3A_922 : i32
      %mul3A_924 = arith.constant 128 : i32
      %mul3A_925 = arith.muli %scan3A_923, %mul3A_924 : i32
      %get3A_926 = arith.index_cast %mul3A_925 : i32 to index
      %get3A_927 = arith.constant 0 : index
      %get3A_928 = vector.load %arg47[%get3A_926, %get3A_927] : memref<1280x768xf32, #tpu.memory_space<vmem>>, vector<128x768xf32>
      %get3A_929 = arith.constant 0 : index
      %get3A_930 = arith.constant 0 : index
      %get3A_931 = vector.load %arg6[%get3A_929, %get3A_930] : memref<768x256xf32, #tpu.memory_space<vmem>>, vector<768x256xf32>
      %dot_general3A_932 = arith.constant dense<0.000000e+00> : vector<128x768xf32>
      %dot_general3A_933 = tpu.matmul %select_n3A_921, %get3A_931, %dot_general3A_932 {dimension_numbers = #tpu.dot_dimension_numbers<[1], [1], [0], [0], [0, 0, 1, 0], [], []>, transpose_lhs_hint = false} : vector<128x256xf32>, vector<768x256xf32>, vector<128x768xf32> -> vector<128x768xf32>
      %get3A_934 = arith.constant 0 : index
      %get3A_935 = arith.constant 0 : index
      %get3A_936 = vector.load %arg8[%get3A_934, %get3A_935] : memref<1x768xf32, #tpu.memory_space<vmem>>, vector<1x768xf32>
      %add3A_937 = vector.broadcast %get3A_936 : vector<1x768xf32> to vector<128x768xf32>
      %add3A_938 = arith.addf %dot_general3A_933, %add3A_937 : vector<128x768xf32>
      %slice3A_939 = vector.extract_strided_slice %get3A_928 {offsets = [0, 0], sizes = [128, 256], strides = [1, 1]} : vector<128x768xf32> to vector<128x256xf32>
      %slice3A_940 = vector.extract_strided_slice %add3A_938 {offsets = [0, 0], sizes = [128, 256], strides = [1, 1]} : vector<128x768xf32> to vector<128x256xf32>
      %add3A_941 = arith.addf %slice3A_939, %slice3A_940 : vector<128x256xf32>
      %logistic3A_942 = arith.negf %add3A_941 : vector<128x256xf32>
      %logistic3A_943 = math.exp %logistic3A_942 : vector<128x256xf32>
      %logistic3A_944 = arith.constant 1.000000e+00 : f32
      %logistic3A_945 = vector.broadcast %logistic3A_944 : f32 to vector<128x256xf32>
      %logistic3A_946 = arith.addf %logistic3A_945, %logistic3A_943 : vector<128x256xf32>
      %logistic3A_947 = arith.divf %logistic3A_945, %logistic3A_946 : vector<128x256xf32>
      %slice3A_948 = vector.extract_strided_slice %get3A_928 {offsets = [0, 256], sizes = [128, 256], strides = [1, 1]} : vector<128x768xf32> to vector<128x256xf32>
      %slice3A_949 = vector.extract_strided_slice %add3A_938 {offsets = [0, 256], sizes = [128, 256], strides = [1, 1]} : vector<128x768xf32> to vector<128x256xf32>
      %add3A_950 = arith.addf %slice3A_948, %slice3A_949 : vector<128x256xf32>
      %logistic3A_951 = arith.negf %add3A_950 : vector<128x256xf32>
      %logistic3A_952 = math.exp %logistic3A_951 : vector<128x256xf32>
      %logistic3A_953 = arith.constant 1.000000e+00 : f32
      %logistic3A_954 = vector.broadcast %logistic3A_953 : f32 to vector<128x256xf32>
      %logistic3A_955 = arith.addf %logistic3A_954, %logistic3A_952 : vector<128x256xf32>
      %logistic3A_956 = arith.divf %logistic3A_954, %logistic3A_955 : vector<128x256xf32>
      %slice3A_957 = vector.extract_strided_slice %get3A_928 {offsets = [0, 512], sizes = [128, 256], strides = [1, 1]} : vector<128x768xf32> to vector<128x256xf32>
      %slice3A_958 = vector.extract_strided_slice %add3A_938 {offsets = [0, 512], sizes = [128, 256], strides = [1, 1]} : vector<128x768xf32> to vector<128x256xf32>
      %mul3A_959 = arith.mulf %logistic3A_947, %slice3A_958 : vector<128x256xf32>
      %add3A_960 = arith.addf %slice3A_957, %mul3A_959 : vector<128x256xf32>
      %tanh3A_961 = math.tanh %add3A_960 : vector<128x256xf32>
      %sub3A_962 = arith.constant 1.000000e+00 : f32
      %sub3A_963 = vector.broadcast %sub3A_962 : f32 to vector<128x256xf32>
      %sub3A_964 = arith.subf %sub3A_963, %logistic3A_956 : vector<128x256xf32>
      %mul3A_965 = arith.mulf %sub3A_964, %tanh3A_961 : vector<128x256xf32>
      %mul3A_966 = arith.mulf %logistic3A_956, %select_n3A_921 : vector<128x256xf32>
      %add3A_967 = arith.addf %mul3A_965, %mul3A_966 : vector<128x256xf32>
      %add3A_968 = arith.constant 30 : i32
      %add3A_969 = arith.addi %add3A_968, %scan3A_923 : i32
      %convert_element_type3A_970 = arith.sitofp %add3A_969 : i32 to f32
      %lt3A_971 = vector.broadcast %convert_element_type3A_970 : f32 to vector<128x1xf32>
      %lt3A_972 = arith.cmpf olt, %lt3A_971, %reduce_sum3A_25 : vector<128x1xf32>
      %broadcast_in_dim3A_973 = vector.shape_cast %lt3A_972 : vector<128x1xi1> to vector<128x1xi1>
      %broadcast_in_dim3A_974 = vector.broadcast %broadcast_in_dim3A_973 : vector<128x1xi1> to vector<128x256xi1>
      %select_n3A_975 = arith.select %broadcast_in_dim3A_974, %add3A_967, %select_n3A_921 : vector<128x256xi1>, vector<128x256xf32>
      scf.yield %select_n3A_975 : vector<128x256xf32>
    }
    %scan3A_146 = arith.constant 10 : i32
    %get3A_147 = arith.constant 40 : index
    %get3A_148 = arith.constant 0 : index
    %get3A_149 = arith.constant 0 : index
    %get3A_150 = vector.load %arg0[%get3A_147, %get3A_148, %get3A_149] : memref<50x128x128xf32, #tpu.memory_space<vmem>>, vector<10x128x128xf32>
    %reshape3A_151 = vector.shape_cast %get3A_150 : vector<10x128x128xf32> to vector<1280x128xf32>
    %get3A_152 = arith.constant 40 : index
    %get3A_153 = arith.constant 0 : index
    %get3A_154 = arith.constant 0 : index
    %get3A_155 = vector.load %arg1[%get3A_152, %get3A_153, %get3A_154] : memref<50x128x1xf32, #tpu.memory_space<vmem>>, vector<10x128x1xf32>
    %reshape3A_156 = vector.shape_cast %get3A_155 : vector<10x128x1xf32> to vector<1280x1xf32>
    %mul3A_157 = vector.broadcast %reshape3A_156 : vector<1280x1xf32> to vector<1280x128xf32>
    %mul3A_158 = arith.mulf %reshape3A_151, %mul3A_157 : vector<1280x128xf32>
    %get3A_159 = arith.constant 0 : index
    %get3A_160 = arith.constant 0 : index
    %get3A_161 = vector.load %arg5[%get3A_159, %get3A_160] : memref<768x128xf32, #tpu.memory_space<vmem>>, vector<768x128xf32>
    %dot_general3A_162 = arith.constant dense<0.000000e+00> : vector<1280x768xf32>
    %dot_general3A_163 = tpu.matmul %mul3A_158, %get3A_161, %dot_general3A_162 {dimension_numbers = #tpu.dot_dimension_numbers<[1], [1], [0], [0], [0, 0, 1, 0], [], []>, transpose_lhs_hint = false} : vector<1280x128xf32>, vector<768x128xf32>, vector<1280x768xf32> -> vector<1280x768xf32>
    %get3A_164 = arith.constant 0 : index
    %get3A_165 = arith.constant 0 : index
    %get3A_166 = vector.load %arg7[%get3A_164, %get3A_165] : memref<1x768xf32, #tpu.memory_space<vmem>>, vector<1x768xf32>
    %add3A_167 = vector.broadcast %get3A_166 : vector<1x768xf32> to vector<1280x768xf32>
    %add3A_168 = arith.addf %dot_general3A_163, %add3A_167 : vector<1280x768xf32>
    %swap3A_169 = arith.constant 0 : index
    %swap3A_170 = arith.constant 0 : index
    %swap3A_171 = vector.load %arg47[%swap3A_169, %swap3A_170] : memref<1280x768xf32, #tpu.memory_space<vmem>>, vector<1280x768xf32>
    tpu.vector_store %arg47[%swap3A_169, %swap3A_170], %add3A_168 {strides = array<i32>} : memref<1280x768xf32, #tpu.memory_space<vmem>>, vector<1280x768xf32>,
    %scan3A_172 = arith.constant 0 : i32
    %scan3A_173 = arith.constant 10 : i32
    %scan3A_174 = arith.addi %scan3A_172, %scan3A_173 : i32
    %scan3A_175 = arith.constant 2 : i32
    %scan3A_176 = scf.for %scan3A_871 = %scan3A_172 to %scan3A_174 step %scan3A_175 iter_args(%scan3A_872 = %scan3A_145) -> (vector<128x256xf32>)  : i32 {
      %mul3A_873 = arith.constant 128 : i32
      %mul3A_874 = arith.muli %scan3A_871, %mul3A_873 : i32
      %get3A_875 = arith.index_cast %mul3A_874 : i32 to index
      %get3A_876 = arith.constant 0 : index
      %get3A_877 = vector.load %arg47[%get3A_875, %get3A_876] : memref<1280x768xf32, #tpu.memory_space<vmem>>, vector<128x768xf32>
      %get3A_878 = arith.constant 0 : index
      %get3A_879 = arith.constant 0 : index
      %get3A_880 = vector.load %arg6[%get3A_878, %get3A_879] : memref<768x256xf32, #tpu.memory_space<vmem>>, vector<768x256xf32>
      %dot_general3A_881 = arith.constant dense<0.000000e+00> : vector<128x768xf32>
      %dot_general3A_882 = tpu.matmul %scan3A_872, %get3A_880, %dot_general3A_881 {dimension_numbers = #tpu.dot_dimension_numbers<[1], [1], [0], [0], [0, 0, 1, 0], [], []>, transpose_lhs_hint = false} : vector<128x256xf32>, vector<768x256xf32>, vector<128x768xf32> -> vector<128x768xf32>
      %get3A_883 = arith.constant 0 : index
      %get3A_884 = arith.constant 0 : index
      %get3A_885 = vector.load %arg8[%get3A_883, %get3A_884] : memref<1x768xf32, #tpu.memory_space<vmem>>, vector<1x768xf32>
      %add3A_886 = vector.broadcast %get3A_885 : vector<1x768xf32> to vector<128x768xf32>
      %add3A_887 = arith.addf %dot_general3A_882, %add3A_886 : vector<128x768xf32>
      %slice3A = vector.extract_strided_slice %get3A_877 {offsets = [0, 0], sizes = [128, 256], strides = [1, 1]} : vector<128x768xf32> to vector<128x256xf32>
      %slice3A_888 = vector.extract_strided_slice %add3A_887 {offsets = [0, 0], sizes = [128, 256], strides = [1, 1]} : vector<128x768xf32> to vector<128x256xf32>
      %add3A_889 = arith.addf %slice3A, %slice3A_888 : vector<128x256xf32>
      %logistic3A = arith.negf %add3A_889 : vector<128x256xf32>
      %logistic3A_890 = math.exp %logistic3A : vector<128x256xf32>
      %logistic3A_891 = arith.constant 1.000000e+00 : f32
      %logistic3A_892 = vector.broadcast %logistic3A_891 : f32 to vector<128x256xf32>
      %logistic3A_893 = arith.addf %logistic3A_892, %logistic3A_890 : vector<128x256xf32>
      %logistic3A_894 = arith.divf %logistic3A_892, %logistic3A_893 : vector<128x256xf32>
      %slice3A_895 = vector.extract_strided_slice %get3A_877 {offsets = [0, 256], sizes = [128, 256], strides = [1, 1]} : vector<128x768xf32> to vector<128x256xf32>
      %slice3A_896 = vector.extract_strided_slice %add3A_887 {offsets = [0, 256], sizes = [128, 256], strides = [1, 1]} : vector<128x768xf32> to vector<128x256xf32>
      %add3A_897 = arith.addf %slice3A_895, %slice3A_896 : vector<128x256xf32>
      %logistic3A_898 = arith.negf %add3A_897 : vector<128x256xf32>
      %logistic3A_899 = math.exp %logistic3A_898 : vector<128x256xf32>
      %logistic3A_900 = arith.constant 1.000000e+00 : f32
      %logistic3A_901 = vector.broadcast %logistic3A_900 : f32 to vector<128x256xf32>
      %logistic3A_902 = arith.addf %logistic3A_901, %logistic3A_899 : vector<128x256xf32>
      %logistic3A_903 = arith.divf %logistic3A_901, %logistic3A_902 : vector<128x256xf32>
      %slice3A_904 = vector.extract_strided_slice %get3A_877 {offsets = [0, 512], sizes = [128, 256], strides = [1, 1]} : vector<128x768xf32> to vector<128x256xf32>
      %slice3A_905 = vector.extract_strided_slice %add3A_887 {offsets = [0, 512], sizes = [128, 256], strides = [1, 1]} : vector<128x768xf32> to vector<128x256xf32>
      %mul3A_906 = arith.mulf %logistic3A_894, %slice3A_905 : vector<128x256xf32>
      %add3A_907 = arith.addf %slice3A_904, %mul3A_906 : vector<128x256xf32>
      %tanh3A = math.tanh %add3A_907 : vector<128x256xf32>
      %sub3A_908 = arith.constant 1.000000e+00 : f32
      %sub3A_909 = vector.broadcast %sub3A_908 : f32 to vector<128x256xf32>
      %sub3A_910 = arith.subf %sub3A_909, %logistic3A_903 : vector<128x256xf32>
      %mul3A_911 = arith.mulf %sub3A_910, %tanh3A : vector<128x256xf32>
      %mul3A_912 = arith.mulf %logistic3A_903, %scan3A_872 : vector<128x256xf32>
      %add3A_913 = arith.addf %mul3A_911, %mul3A_912 : vector<128x256xf32>
      %add3A_914 = arith.constant 40 : i32
      %add3A_915 = arith.addi %add3A_914, %scan3A_871 : i32
      %convert_element_type3A_916 = arith.sitofp %add3A_915 : i32 to f32
      %lt3A_917 = vector.broadcast %convert_element_type3A_916 : f32 to vector<128x1xf32>
      %lt3A_918 = arith.cmpf olt, %lt3A_917, %reduce_sum3A_25 : vector<128x1xf32>
      %broadcast_in_dim3A_919 = vector.shape_cast %lt3A_918 : vector<128x1xi1> to vector<128x1xi1>
      %broadcast_in_dim3A_920 = vector.broadcast %broadcast_in_dim3A_919 : vector<128x1xi1> to vector<128x256xi1>
      %select_n3A_921 = arith.select %broadcast_in_dim3A_920, %add3A_913, %scan3A_872 : vector<128x256xi1>, vector<128x256xf32>
      %scan3A_922 = arith.constant 1 : i32
      %scan3A_923 = arith.addi %scan3A_871, %scan3A_922 : i32
      %mul3A_924 = arith.constant 128 : i32
      %mul3A_925 = arith.muli %scan3A_923, %mul3A_924 : i32
      %get3A_926 = arith.index_cast %mul3A_925 : i32 to index
      %get3A_927 = arith.constant 0 : index
      %get3A_928 = vector.load %arg47[%get3A_926, %get3A_927] : memref<1280x768xf32, #tpu.memory_space<vmem>>, vector<128x768xf32>
      %get3A_929 = arith.constant 0 : index
      %get3A_930 = arith.constant 0 : index
      %get3A_931 = vector.load %arg6[%get3A_929, %get3A_930] : memref<768x256xf32, #tpu.memory_space<vmem>>, vector<768x256xf32>
      %dot_general3A_932 = arith.constant dense<0.000000e+00> : vector<128x768xf32>
      %dot_general3A_933 = tpu.matmul %select_n3A_921, %get3A_931, %dot_general3A_932 {dimension_numbers = #tpu.dot_dimension_numbers<[1], [1], [0], [0], [0, 0, 1, 0], [], []>, transpose_lhs_hint = false} : vector<128x256xf32>, vector<768x256xf32>, vector<128x768xf32> -> vector<128x768xf32>
      %get3A_934 = arith.constant 0 : index
      %get3A_935 = arith.constant 0 : index
      %get3A_936 = vector.load %arg8[%get3A_934, %get3A_935] : memref<1x768xf32, #tpu.memory_space<vmem>>, vector<1x768xf32>
      %add3A_937 = vector.broadcast %get3A_936 : vector<1x768xf32> to vector<128x768xf32>
      %add3A_938 = arith.addf %dot_general3A_933, %add3A_937 : vector<128x768xf32>
      %slice3A_939 = vector.extract_strided_slice %get3A_928 {offsets = [0, 0], sizes = [128, 256], strides = [1, 1]} : vector<128x768xf32> to vector<128x256xf32>
      %slice3A_940 = vector.extract_strided_slice %add3A_938 {offsets = [0, 0], sizes = [128, 256], strides = [1, 1]} : vector<128x768xf32> to vector<128x256xf32>
      %add3A_941 = arith.addf %slice3A_939, %slice3A_940 : vector<128x256xf32>
      %logistic3A_942 = arith.negf %add3A_941 : vector<128x256xf32>
      %logistic3A_943 = math.exp %logistic3A_942 : vector<128x256xf32>
      %logistic3A_944 = arith.constant 1.000000e+00 : f32
      %logistic3A_945 = vector.broadcast %logistic3A_944 : f32 to vector<128x256xf32>
      %logistic3A_946 = arith.addf %logistic3A_945, %logistic3A_943 : vector<128x256xf32>
      %logistic3A_947 = arith.divf %logistic3A_945, %logistic3A_946 : vector<128x256xf32>
      %slice3A_948 = vector.extract_strided_slice %get3A_928 {offsets = [0, 256], sizes = [128, 256], strides = [1, 1]} : vector<128x768xf32> to vector<128x256xf32>
      %slice3A_949 = vector.extract_strided_slice %add3A_938 {offsets = [0, 256], sizes = [128, 256], strides = [1, 1]} : vector<128x768xf32> to vector<128x256xf32>
      %add3A_950 = arith.addf %slice3A_948, %slice3A_949 : vector<128x256xf32>
      %logistic3A_951 = arith.negf %add3A_950 : vector<128x256xf32>
      %logistic3A_952 = math.exp %logistic3A_951 : vector<128x256xf32>
      %logistic3A_953 = arith.constant 1.000000e+00 : f32
      %logistic3A_954 = vector.broadcast %logistic3A_953 : f32 to vector<128x256xf32>
      %logistic3A_955 = arith.addf %logistic3A_954, %logistic3A_952 : vector<128x256xf32>
      %logistic3A_956 = arith.divf %logistic3A_954, %logistic3A_955 : vector<128x256xf32>
      %slice3A_957 = vector.extract_strided_slice %get3A_928 {offsets = [0, 512], sizes = [128, 256], strides = [1, 1]} : vector<128x768xf32> to vector<128x256xf32>
      %slice3A_958 = vector.extract_strided_slice %add3A_938 {offsets = [0, 512], sizes = [128, 256], strides = [1, 1]} : vector<128x768xf32> to vector<128x256xf32>
      %mul3A_959 = arith.mulf %logistic3A_947, %slice3A_958 : vector<128x256xf32>
      %add3A_960 = arith.addf %slice3A_957, %mul3A_959 : vector<128x256xf32>
      %tanh3A_961 = math.tanh %add3A_960 : vector<128x256xf32>
      %sub3A_962 = arith.constant 1.000000e+00 : f32
      %sub3A_963 = vector.broadcast %sub3A_962 : f32 to vector<128x256xf32>
      %sub3A_964 = arith.subf %sub3A_963, %logistic3A_956 : vector<128x256xf32>
      %mul3A_965 = arith.mulf %sub3A_964, %tanh3A_961 : vector<128x256xf32>
      %mul3A_966 = arith.mulf %logistic3A_956, %select_n3A_921 : vector<128x256xf32>
      %add3A_967 = arith.addf %mul3A_965, %mul3A_966 : vector<128x256xf32>
      %add3A_968 = arith.constant 40 : i32
      %add3A_969 = arith.addi %add3A_968, %scan3A_923 : i32
      %convert_element_type3A_970 = arith.sitofp %add3A_969 : i32 to f32
      %lt3A_971 = vector.broadcast %convert_element_type3A_970 : f32 to vector<128x1xf32>
      %lt3A_972 = arith.cmpf olt, %lt3A_971, %reduce_sum3A_25 : vector<128x1xf32>
      %broadcast_in_dim3A_973 = vector.shape_cast %lt3A_972 : vector<128x1xi1> to vector<128x1xi1>
      %broadcast_in_dim3A_974 = vector.broadcast %broadcast_in_dim3A_973 : vector<128x1xi1> to vector<128x256xi1>
      %select_n3A_975 = arith.select %broadcast_in_dim3A_974, %add3A_967, %select_n3A_921 : vector<128x256xi1>, vector<128x256xf32>
      scf.yield %select_n3A_975 : vector<128x256xf32>
    }
    %scan3A_177 = arith.constant 10 : i32
    %get3A_178 = arith.constant 0 : index
    %get3A_179 = arith.constant 1 : index
    %get3A_180 = vector.load %arg2[%get3A_178, %get3A_179] : memref<128x4xi32, #tpu.memory_space<vmem>>, vector<128x1xi32>
    %convert_element_type3A_181 = arith.sitofp %get3A_180 : vector<128x1xi32> to vector<128x1xf32>
    %jit3A_182 = arith.constant 0.000000e+00 : f32
    %broadcast_in_dim3A_183 = vector.shape_cast %convert_element_type3A_181 : vector<128x1xf32> to vector<128x1xf32>
    %broadcast_in_dim3A_184 = vector.broadcast %broadcast_in_dim3A_183 : vector<128x1xf32> to vector<128x128xf32>
    %broadcast_in_dim3A_185 = vector.broadcast %jit3A_182 : f32 to vector<128x128xf32>
    %select_n3A_186 = arith.select %eq3A, %broadcast_in_dim3A_184, %broadcast_in_dim3A_185 : vector<128x128xi1>, vector<128x128xf32>
    %reduce_sum3A_187 = arith.constant dense<0.000000e+00> : vector<128xf32>
    %reduce_sum3A_188 = vector.multi_reduction <add>, %select_n3A_186, %reduce_sum3A_187 [0] : vector<128x128xf32> to vector<128xf32>
    %broadcast_in_dim3A_189 = vector.shape_cast %reduce_sum3A_188 : vector<128xf32> to vector<1x128xf32>
    %lt3A = vector.broadcast %convert_element_type3A_181 : vector<128x1xf32> to vector<128x128xf32>
    %lt3A_190 = vector.broadcast %broadcast_in_dim3A_189 : vector<1x128xf32> to vector<128x128xf32>
    %lt3A_191 = arith.cmpf olt, %lt3A, %lt3A_190 : vector<128x128xf32>
    %jit3A_192 = arith.constant 1.000000e+00 : f32
    %jit3A_193 = arith.constant 0.000000e+00 : f32
    %broadcast_in_dim3A_194 = vector.broadcast %jit3A_192 : f32 to vector<128x128xf32>
    %broadcast_in_dim3A_195 = vector.broadcast %jit3A_193 : f32 to vector<128x128xf32>
    %select_n3A_196 = arith.select %lt3A_191, %broadcast_in_dim3A_194, %broadcast_in_dim3A_195 : vector<128x128xi1>, vector<128x128xf32>
    %eq3A_197 = vector.broadcast %convert_element_type3A_181 : vector<128x1xf32> to vector<128x128xf32>
    %eq3A_198 = vector.broadcast %broadcast_in_dim3A_189 : vector<1x128xf32> to vector<128x128xf32>
    %eq3A_199 = arith.cmpf oeq, %eq3A_197, %eq3A_198 : vector<128x128xf32>
    %lt3A_200 = arith.cmpf olt, %convert_element_type3A, %convert_element_type3A_1 : vector<128x128xf32>
    %and3A = arith.andi %eq3A_199, %lt3A_200 : vector<128x128xi1>
    %jit3A_201 = arith.constant 1.000000e+00 : f32
    %jit3A_202 = arith.constant 0.000000e+00 : f32
    %broadcast_in_dim3A_203 = vector.broadcast %jit3A_201 : f32 to vector<128x128xf32>
    %broadcast_in_dim3A_204 = vector.broadcast %jit3A_202 : f32 to vector<128x128xf32>
    %select_n3A_205 = arith.select %and3A, %broadcast_in_dim3A_203, %broadcast_in_dim3A_204 : vector<128x128xi1>, vector<128x128xf32>
    %add3A_206 = arith.addf %select_n3A_196, %select_n3A_205 : vector<128x128xf32>
    %reduce_sum3A_207 = arith.constant dense<0.000000e+00> : vector<128xf32>
    %reduce_sum3A_208 = vector.multi_reduction <add>, %add3A_206, %reduce_sum3A_207 [0] : vector<128x128xf32> to vector<128xf32>
    %broadcast_in_dim3A_209 = vector.shape_cast %reduce_sum3A_208 : vector<128xf32> to vector<1x128xf32>
    %eq3A_210 = vector.broadcast %broadcast_in_dim3A_209 : vector<1x128xf32> to vector<128x128xf32>
    %eq3A_211 = arith.cmpf oeq, %convert_element_type3A, %eq3A_210 : vector<128x128xf32>
    %jit3A_212 = arith.constant 1.000000e+00 : f32
    %jit3A_213 = arith.constant 0.000000e+00 : f32
    %broadcast_in_dim3A_214 = vector.broadcast %jit3A_212 : f32 to vector<128x128xf32>
    %broadcast_in_dim3A_215 = vector.broadcast %jit3A_213 : f32 to vector<128x128xf32>
    %select_n3A_216 = arith.select %eq3A_211, %broadcast_in_dim3A_214, %broadcast_in_dim3A_215 : vector<128x128xi1>, vector<128x128xf32>
    %dot_general3A_217 = arith.constant dense<0.000000e+00> : vector<128x1xf32>
    %dot_general3A_218 = tpu.matmul %select_n3A_216, %convert_element_type3A_181, %dot_general3A_217 {dimension_numbers = #tpu.dot_dimension_numbers<[1], [0], [0], [1], [0, 0, 1, 1], [], []>, precision = #tpu.contract_precision<fp32>, transpose_lhs_hint = false} : vector<128x128xf32>, vector<128x1xf32>, vector<128x1xf32> -> vector<128x1xf32>
    %dot_general3A_219 = arith.constant dense<0.000000e+00> : vector<128x1xf32>
    %dot_general3A_220 = tpu.matmul %select_n3A_11, %dot_general3A_218, %dot_general3A_219 {dimension_numbers = #tpu.dot_dimension_numbers<[1], [0], [0], [1], [0, 0, 1, 1], [], []>, precision = #tpu.contract_precision<fp32>, transpose_lhs_hint = false} : vector<128x128xf32>, vector<128x1xf32>, vector<128x1xf32> -> vector<128x1xf32>
    %eq3A_221 = arith.constant 0.000000e+00 : f32
    %eq3A_222 = vector.broadcast %eq3A_221 : f32 to vector<128x1xf32>
    %eq3A_223 = arith.cmpf oeq, %convert_element_type3A_21, %eq3A_222 : vector<128x1xf32>
    %ne3A = arith.cmpf one, %dot_general3A_218, %dot_general3A_220 : vector<128x1xf32>
    %or3A = arith.ori %eq3A_223, %ne3A : vector<128x1xi1>
    %jit3A_224 = arith.constant 1.000000e+00 : f32
    %jit3A_225 = arith.constant 0.000000e+00 : f32
    %broadcast_in_dim3A_226 = vector.broadcast %jit3A_224 : f32 to vector<128x1xf32>
    %broadcast_in_dim3A_227 = vector.broadcast %jit3A_225 : f32 to vector<128x1xf32>
    %select_n3A_228 = arith.select %or3A, %broadcast_in_dim3A_226, %broadcast_in_dim3A_227 : vector<128x1xi1>, vector<128x1xf32>
    %broadcast_in_dim3A_229 = vector.shape_cast %select_n3A_228 : vector<128x1xf32> to vector<128x1xf32>
    %broadcast_in_dim3A_230 = vector.broadcast %broadcast_in_dim3A_229 : vector<128x1xf32> to vector<128x128xf32>
    %swap3A_231 = arith.constant 0 : index
    %swap3A_232 = arith.constant 0 : index
    %swap3A_233 = vector.load %arg39[%swap3A_231, %swap3A_232] : memref<128x512xf32, #tpu.memory_space<vmem>>, vector<128x128xf32>
    tpu.vector_store %arg39[%swap3A_231, %swap3A_232], %broadcast_in_dim3A_230 {strides = array<i32>} : memref<128x512xf32, #tpu.memory_space<vmem>>, vector<128x128xf32>,
    %dot_general3A_234 = arith.constant dense<0.000000e+00> : vector<128x1xf32>
    %dot_general3A_235 = tpu.matmul %select_n3A, %select_n3A_228, %dot_general3A_234 {dimension_numbers = #tpu.dot_dimension_numbers<[1], [0], [0], [1], [0, 0, 1, 1], [], []>, precision = #tpu.contract_precision<fp32>, transpose_lhs_hint = false} : vector<128x128xf32>, vector<128x1xf32>, vector<128x1xf32> -> vector<128x1xf32>
    %sub3A_236 = arith.constant 1.000000e+00 : f32
    %sub3A_237 = vector.broadcast %sub3A_236 : f32 to vector<128x1xf32>
    %sub3A_238 = arith.subf %dot_general3A_235, %sub3A_237 : vector<128x1xf32>
    %dot_general3A_239 = arith.constant dense<0.000000e+00> : vector<128x1xf32>
    %dot_general3A_240 = tpu.matmul %select_n3A_19, %select_n3A_228, %dot_general3A_239 {dimension_numbers = #tpu.dot_dimension_numbers<[1], [0], [0], [1], [0, 0, 1, 1], [], []>, precision = #tpu.contract_precision<fp32>, transpose_lhs_hint = false} : vector<128x128xf32>, vector<128x1xf32>, vector<128x1xf32> -> vector<128x1xf32>
    %eq3A_241 = arith.constant 1.270000e+02 : f32
    %eq3A_242 = vector.broadcast %eq3A_241 : f32 to vector<128x1xf32>
    %eq3A_243 = arith.cmpf oeq, %convert_element_type3A_21, %eq3A_242 : vector<128x1xf32>
    %jit3A_244 = arith.constant 1.000000e+00 : f32
    %jit3A_245 = arith.constant 0.000000e+00 : f32
    %broadcast_in_dim3A_246 = vector.broadcast %jit3A_244 : f32 to vector<128x1xf32>
    %broadcast_in_dim3A_247 = vector.broadcast %jit3A_245 : f32 to vector<128x1xf32>
    %select_n3A_248 = arith.select %eq3A_243, %broadcast_in_dim3A_246, %broadcast_in_dim3A_247 : vector<128x1xi1>, vector<128x1xf32>
    %add3A_249 = arith.addf %dot_general3A_240, %select_n3A_248 : vector<128x1xf32>
    %jit3A_250 = arith.constant 0.000000e+00 : f32
    %broadcast_in_dim3A_251 = vector.shape_cast %sub3A_238 : vector<128x1xf32> to vector<128x1xf32>
    %broadcast_in_dim3A_252 = vector.broadcast %broadcast_in_dim3A_251 : vector<128x1xf32> to vector<128x128xf32>
    %broadcast_in_dim3A_253 = vector.broadcast %jit3A_250 : f32 to vector<128x128xf32>
    %select_n3A_254 = arith.select %eq3A, %broadcast_in_dim3A_252, %broadcast_in_dim3A_253 : vector<128x128xi1>, vector<128x128xf32>
    %reduce_sum3A_255 = arith.constant dense<0.000000e+00> : vector<128xf32>
    %reduce_sum3A_256 = vector.multi_reduction <add>, %select_n3A_254, %reduce_sum3A_255 [0] : vector<128x128xf32> to vector<128xf32>
    %broadcast_in_dim3A_257 = vector.shape_cast %reduce_sum3A_256 : vector<128xf32> to vector<1x128xf32>
    %eq3A_258 = vector.broadcast %broadcast_in_dim3A_257 : vector<1x128xf32> to vector<128x128xf32>
    %eq3A_259 = arith.cmpf oeq, %convert_element_type3A, %eq3A_258 : vector<128x128xf32>
    %jit3A_260 = arith.constant 0.000000e+00 : f32
    %broadcast_in_dim3A_261 = vector.shape_cast %add3A_249 : vector<128x1xf32> to vector<128x1xf32>
    %broadcast_in_dim3A_262 = vector.broadcast %broadcast_in_dim3A_261 : vector<128x1xf32> to vector<128x128xf32>
    %broadcast_in_dim3A_263 = vector.broadcast %jit3A_260 : f32 to vector<128x128xf32>
    %select_n3A_264 = arith.select %eq3A, %broadcast_in_dim3A_262, %broadcast_in_dim3A_263 : vector<128x128xi1>, vector<128x128xf32>
    %reduce_sum3A_265 = arith.constant dense<0.000000e+00> : vector<128xf32>
    %reduce_sum3A_266 = vector.multi_reduction <add>, %select_n3A_264, %reduce_sum3A_265 [0] : vector<128x128xf32> to vector<128xf32>
    %broadcast_in_dim3A_267 = vector.shape_cast %reduce_sum3A_266 : vector<128xf32> to vector<1x128xf32>
    %gt3A = arith.constant 5.000000e-01 : f32
    %gt3A_268 = vector.broadcast %gt3A : f32 to vector<1x128xf32>
    %gt3A_269 = arith.cmpf ogt, %broadcast_in_dim3A_267, %gt3A_268 : vector<1x128xf32>
    %and3A_270 = vector.broadcast %gt3A_269 : vector<1x128xi1> to vector<128x128xi1>
    %and3A_271 = arith.andi %eq3A_259, %and3A_270 : vector<128x128xi1>
    %jit3A_272 = arith.constant 1.000000e+00 : f32
    %jit3A_273 = arith.constant 0.000000e+00 : f32
    %broadcast_in_dim3A_274 = vector.broadcast %jit3A_272 : f32 to vector<128x128xf32>
    %broadcast_in_dim3A_275 = vector.broadcast %jit3A_273 : f32 to vector<128x128xf32>
    %select_n3A_276 = arith.select %and3A_271, %broadcast_in_dim3A_274, %broadcast_in_dim3A_275 : vector<128x128xi1>, vector<128x128xf32>
    %swap3A_277 = arith.constant 0 : index
    %swap3A_278 = arith.constant 0 : index
    %swap3A_279 = vector.load %arg48[%swap3A_277, %swap3A_278] : memref<128x128xf32, #tpu.memory_space<vmem>>, vector<128x128xf32>
    tpu.vector_store %arg48[%swap3A_277, %swap3A_278], %select_n3A_276 {strides = array<i32>} : memref<128x128xf32, #tpu.memory_space<vmem>>, vector<128x128xf32>,
    %reduce_sum3A_280 = vector.shape_cast %select_n3A_228 : vector<128x1xf32> to vector<1x128x1xf32>
    %reduce_sum3A_281 = arith.constant dense<0.000000e+00> : vector<1xf32>
    %reduce_sum3A_282 = vector.multi_reduction <add>, %reduce_sum3A_280, %reduce_sum3A_281 [1, 2] : vector<1x128x1xf32> to vector<1xf32>
    %reduce_sum3A_283 = vector.shape_cast %reduce_sum3A_282 : vector<1xf32> to vector<1x1x1xf32>
    %reduce_sum3A_284 = vector.extract %reduce_sum3A_283[0, 0, 0] : f32 from vector<1x1x1xf32>
    %broadcast_in_dim3A_285 = vector.broadcast %reduce_sum3A_284 : f32 to vector<1x1xf32>
    %dot_general3A_286 = arith.constant dense<0.000000e+00> : vector<128x256xf32>
    %dot_general3A_287 = tpu.matmul %select_n3A_216, %scan3A_176, %dot_general3A_286 {dimension_numbers = #tpu.dot_dimension_numbers<[1], [0], [0], [1], [0, 0, 1, 1], [], []>, precision = #tpu.contract_precision<fp32>, transpose_lhs_hint = false} : vector<128x128xf32>, vector<128x256xf32>, vector<128x256xf32> -> vector<128x256xf32>
    %swap3A_288 = arith.constant 0 : index
    %swap3A_289 = arith.constant 0 : index
    %swap3A_290 = vector.load %arg38[%swap3A_288, %swap3A_289] : memref<128x1088xf32, #tpu.memory_space<vmem>>, vector<128x256xf32>
    tpu.vector_store %arg38[%swap3A_288, %swap3A_289], %dot_general3A_287 {strides = array<i32>} : memref<128x1088xf32, #tpu.memory_space<vmem>>, vector<128x256xf32>,
    %get3A_291 = arith.constant 0 : index
    %get3A_292 = arith.constant 2 : index
    %get3A_293 = vector.load %arg2[%get3A_291, %get3A_292] : memref<128x4xi32, #tpu.memory_space<vmem>>, vector<128x1xi32>
    %convert_element_type3A_294 = arith.sitofp %get3A_293 : vector<128x1xi32> to vector<128x1xf32>
    %jit3A_295 = arith.constant 0.000000e+00 : f32
    %broadcast_in_dim3A_296 = vector.shape_cast %convert_element_type3A_294 : vector<128x1xf32> to vector<128x1xf32>
    %broadcast_in_dim3A_297 = vector.broadcast %broadcast_in_dim3A_296 : vector<128x1xf32> to vector<128x128xf32>
    %broadcast_in_dim3A_298 = vector.broadcast %jit3A_295 : f32 to vector<128x128xf32>
    %select_n3A_299 = arith.select %eq3A, %broadcast_in_dim3A_297, %broadcast_in_dim3A_298 : vector<128x128xi1>, vector<128x128xf32>
    %reduce_sum3A_300 = arith.constant dense<0.000000e+00> : vector<128xf32>
    %reduce_sum3A_301 = vector.multi_reduction <add>, %select_n3A_299, %reduce_sum3A_300 [0] : vector<128x128xf32> to vector<128xf32>
    %broadcast_in_dim3A_302 = vector.shape_cast %reduce_sum3A_301 : vector<128xf32> to vector<1x128xf32>
    %lt3A_303 = vector.broadcast %convert_element_type3A_294 : vector<128x1xf32> to vector<128x128xf32>
    %lt3A_304 = vector.broadcast %broadcast_in_dim3A_302 : vector<1x128xf32> to vector<128x128xf32>
    %lt3A_305 = arith.cmpf olt, %lt3A_303, %lt3A_304 : vector<128x128xf32>
    %jit3A_306 = arith.constant 1.000000e+00 : f32
    %jit3A_307 = arith.constant 0.000000e+00 : f32
    %broadcast_in_dim3A_308 = vector.broadcast %jit3A_306 : f32 to vector<128x128xf32>
    %broadcast_in_dim3A_309 = vector.broadcast %jit3A_307 : f32 to vector<128x128xf32>
    %select_n3A_310 = arith.select %lt3A_305, %broadcast_in_dim3A_308, %broadcast_in_dim3A_309 : vector<128x128xi1>, vector<128x128xf32>
    %eq3A_311 = vector.broadcast %convert_element_type3A_294 : vector<128x1xf32> to vector<128x128xf32>
    %eq3A_312 = vector.broadcast %broadcast_in_dim3A_302 : vector<1x128xf32> to vector<128x128xf32>
    %eq3A_313 = arith.cmpf oeq, %eq3A_311, %eq3A_312 : vector<128x128xf32>
    %lt3A_314 = arith.cmpf olt, %convert_element_type3A, %convert_element_type3A_1 : vector<128x128xf32>
    %and3A_315 = arith.andi %eq3A_313, %lt3A_314 : vector<128x128xi1>
    %jit3A_316 = arith.constant 1.000000e+00 : f32
    %jit3A_317 = arith.constant 0.000000e+00 : f32
    %broadcast_in_dim3A_318 = vector.broadcast %jit3A_316 : f32 to vector<128x128xf32>
    %broadcast_in_dim3A_319 = vector.broadcast %jit3A_317 : f32 to vector<128x128xf32>
    %select_n3A_320 = arith.select %and3A_315, %broadcast_in_dim3A_318, %broadcast_in_dim3A_319 : vector<128x128xi1>, vector<128x128xf32>
    %add3A_321 = arith.addf %select_n3A_310, %select_n3A_320 : vector<128x128xf32>
    %reduce_sum3A_322 = arith.constant dense<0.000000e+00> : vector<128xf32>
    %reduce_sum3A_323 = vector.multi_reduction <add>, %add3A_321, %reduce_sum3A_322 [0] : vector<128x128xf32> to vector<128xf32>
    %broadcast_in_dim3A_324 = vector.shape_cast %reduce_sum3A_323 : vector<128xf32> to vector<1x128xf32>
    %eq3A_325 = vector.broadcast %broadcast_in_dim3A_324 : vector<1x128xf32> to vector<128x128xf32>
    %eq3A_326 = arith.cmpf oeq, %convert_element_type3A, %eq3A_325 : vector<128x128xf32>
    %jit3A_327 = arith.constant 1.000000e+00 : f32
    %jit3A_328 = arith.constant 0.000000e+00 : f32
    %broadcast_in_dim3A_329 = vector.broadcast %jit3A_327 : f32 to vector<128x128xf32>
    %broadcast_in_dim3A_330 = vector.broadcast %jit3A_328 : f32 to vector<128x128xf32>
    %select_n3A_331 = arith.select %eq3A_326, %broadcast_in_dim3A_329, %broadcast_in_dim3A_330 : vector<128x128xi1>, vector<128x128xf32>
    %dot_general3A_332 = arith.constant dense<0.000000e+00> : vector<128x1xf32>
    %dot_general3A_333 = tpu.matmul %select_n3A_331, %convert_element_type3A_294, %dot_general3A_332 {dimension_numbers = #tpu.dot_dimension_numbers<[1], [0], [0], [1], [0, 0, 1, 1], [], []>, precision = #tpu.contract_precision<fp32>, transpose_lhs_hint = false} : vector<128x128xf32>, vector<128x1xf32>, vector<128x1xf32> -> vector<128x1xf32>
    %dot_general3A_334 = arith.constant dense<0.000000e+00> : vector<128x1xf32>
    %dot_general3A_335 = tpu.matmul %select_n3A_11, %dot_general3A_333, %dot_general3A_334 {dimension_numbers = #tpu.dot_dimension_numbers<[1], [0], [0], [1], [0, 0, 1, 1], [], []>, precision = #tpu.contract_precision<fp32>, transpose_lhs_hint = false} : vector<128x128xf32>, vector<128x1xf32>, vector<128x1xf32> -> vector<128x1xf32>
    %eq3A_336 = arith.constant 0.000000e+00 : f32
    %eq3A_337 = vector.broadcast %eq3A_336 : f32 to vector<128x1xf32>
    %eq3A_338 = arith.cmpf oeq, %convert_element_type3A_21, %eq3A_337 : vector<128x1xf32>
    %ne3A_339 = arith.cmpf one, %dot_general3A_333, %dot_general3A_335 : vector<128x1xf32>
    %or3A_340 = arith.ori %eq3A_338, %ne3A_339 : vector<128x1xi1>
    %jit3A_341 = arith.constant 1.000000e+00 : f32
    %jit3A_342 = arith.constant 0.000000e+00 : f32
    %broadcast_in_dim3A_343 = vector.broadcast %jit3A_341 : f32 to vector<128x1xf32>
    %broadcast_in_dim3A_344 = vector.broadcast %jit3A_342 : f32 to vector<128x1xf32>
    %select_n3A_345 = arith.select %or3A_340, %broadcast_in_dim3A_343, %broadcast_in_dim3A_344 : vector<128x1xi1>, vector<128x1xf32>
    %broadcast_in_dim3A_346 = vector.shape_cast %select_n3A_345 : vector<128x1xf32> to vector<128x1xf32>
    %broadcast_in_dim3A_347 = vector.broadcast %broadcast_in_dim3A_346 : vector<128x1xf32> to vector<128x128xf32>
    %swap3A_348 = arith.constant 0 : index
    %swap3A_349 = arith.constant 128 : index
    %swap3A_350 = vector.load %arg39[%swap3A_348, %swap3A_349] : memref<128x512xf32, #tpu.memory_space<vmem>>, vector<128x128xf32>
    tpu.vector_store %arg39[%swap3A_348, %swap3A_349], %broadcast_in_dim3A_347 {strides = array<i32>} : memref<128x512xf32, #tpu.memory_space<vmem>>, vector<128x128xf32>,
    %dot_general3A_351 = arith.constant dense<0.000000e+00> : vector<128x1xf32>
    %dot_general3A_352 = tpu.matmul %select_n3A, %select_n3A_345, %dot_general3A_351 {dimension_numbers = #tpu.dot_dimension_numbers<[1], [0], [0], [1], [0, 0, 1, 1], [], []>, precision = #tpu.contract_precision<fp32>, transpose_lhs_hint = false} : vector<128x128xf32>, vector<128x1xf32>, vector<128x1xf32> -> vector<128x1xf32>
    %sub3A_353 = arith.constant 1.000000e+00 : f32
    %sub3A_354 = vector.broadcast %sub3A_353 : f32 to vector<128x1xf32>
    %sub3A_355 = arith.subf %dot_general3A_352, %sub3A_354 : vector<128x1xf32>
    %dot_general3A_356 = arith.constant dense<0.000000e+00> : vector<128x1xf32>
    %dot_general3A_357 = tpu.matmul %select_n3A_19, %select_n3A_345, %dot_general3A_356 {dimension_numbers = #tpu.dot_dimension_numbers<[1], [0], [0], [1], [0, 0, 1, 1], [], []>, precision = #tpu.contract_precision<fp32>, transpose_lhs_hint = false} : vector<128x128xf32>, vector<128x1xf32>, vector<128x1xf32> -> vector<128x1xf32>
    %eq3A_358 = arith.constant 1.270000e+02 : f32
    %eq3A_359 = vector.broadcast %eq3A_358 : f32 to vector<128x1xf32>
    %eq3A_360 = arith.cmpf oeq, %convert_element_type3A_21, %eq3A_359 : vector<128x1xf32>
    %jit3A_361 = arith.constant 1.000000e+00 : f32
    %jit3A_362 = arith.constant 0.000000e+00 : f32
    %broadcast_in_dim3A_363 = vector.broadcast %jit3A_361 : f32 to vector<128x1xf32>
    %broadcast_in_dim3A_364 = vector.broadcast %jit3A_362 : f32 to vector<128x1xf32>
    %select_n3A_365 = arith.select %eq3A_360, %broadcast_in_dim3A_363, %broadcast_in_dim3A_364 : vector<128x1xi1>, vector<128x1xf32>
    %add3A_366 = arith.addf %dot_general3A_357, %select_n3A_365 : vector<128x1xf32>
    %jit3A_367 = arith.constant 0.000000e+00 : f32
    %broadcast_in_dim3A_368 = vector.shape_cast %sub3A_355 : vector<128x1xf32> to vector<128x1xf32>
    %broadcast_in_dim3A_369 = vector.broadcast %broadcast_in_dim3A_368 : vector<128x1xf32> to vector<128x128xf32>
    %broadcast_in_dim3A_370 = vector.broadcast %jit3A_367 : f32 to vector<128x128xf32>
    %select_n3A_371 = arith.select %eq3A, %broadcast_in_dim3A_369, %broadcast_in_dim3A_370 : vector<128x128xi1>, vector<128x128xf32>
    %reduce_sum3A_372 = arith.constant dense<0.000000e+00> : vector<128xf32>
    %reduce_sum3A_373 = vector.multi_reduction <add>, %select_n3A_371, %reduce_sum3A_372 [0] : vector<128x128xf32> to vector<128xf32>
    %broadcast_in_dim3A_374 = vector.shape_cast %reduce_sum3A_373 : vector<128xf32> to vector<1x128xf32>
    %eq3A_375 = vector.broadcast %broadcast_in_dim3A_374 : vector<1x128xf32> to vector<128x128xf32>
    %eq3A_376 = arith.cmpf oeq, %convert_element_type3A, %eq3A_375 : vector<128x128xf32>
    %jit3A_377 = arith.constant 0.000000e+00 : f32
    %broadcast_in_dim3A_378 = vector.shape_cast %add3A_366 : vector<128x1xf32> to vector<128x1xf32>
    %broadcast_in_dim3A_379 = vector.broadcast %broadcast_in_dim3A_378 : vector<128x1xf32> to vector<128x128xf32>
    %broadcast_in_dim3A_380 = vector.broadcast %jit3A_377 : f32 to vector<128x128xf32>
    %select_n3A_381 = arith.select %eq3A, %broadcast_in_dim3A_379, %broadcast_in_dim3A_380 : vector<128x128xi1>, vector<128x128xf32>
    %reduce_sum3A_382 = arith.constant dense<0.000000e+00> : vector<128xf32>
    %reduce_sum3A_383 = vector.multi_reduction <add>, %select_n3A_381, %reduce_sum3A_382 [0] : vector<128x128xf32> to vector<128xf32>
    %broadcast_in_dim3A_384 = vector.shape_cast %reduce_sum3A_383 : vector<128xf32> to vector<1x128xf32>
    %gt3A_385 = arith.constant 5.000000e-01 : f32
    %gt3A_386 = vector.broadcast %gt3A_385 : f32 to vector<1x128xf32>
    %gt3A_387 = arith.cmpf ogt, %broadcast_in_dim3A_384, %gt3A_386 : vector<1x128xf32>
    %and3A_388 = vector.broadcast %gt3A_387 : vector<1x128xi1> to vector<128x128xi1>
    %and3A_389 = arith.andi %eq3A_376, %and3A_388 : vector<128x128xi1>
    %jit3A_390 = arith.constant 1.000000e+00 : f32
    %jit3A_391 = arith.constant 0.000000e+00 : f32
    %broadcast_in_dim3A_392 = vector.broadcast %jit3A_390 : f32 to vector<128x128xf32>
    %broadcast_in_dim3A_393 = vector.broadcast %jit3A_391 : f32 to vector<128x128xf32>
    %select_n3A_394 = arith.select %and3A_389, %broadcast_in_dim3A_392, %broadcast_in_dim3A_393 : vector<128x128xi1>, vector<128x128xf32>
    %swap3A_395 = arith.constant 0 : index
    %swap3A_396 = arith.constant 0 : index
    %swap3A_397 = vector.load %arg49[%swap3A_395, %swap3A_396] : memref<128x128xf32, #tpu.memory_space<vmem>>, vector<128x128xf32>
    tpu.vector_store %arg49[%swap3A_395, %swap3A_396], %select_n3A_394 {strides = array<i32>} : memref<128x128xf32, #tpu.memory_space<vmem>>, vector<128x128xf32>,
    %reduce_sum3A_398 = vector.shape_cast %select_n3A_345 : vector<128x1xf32> to vector<1x128x1xf32>
    %reduce_sum3A_399 = arith.constant dense<0.000000e+00> : vector<1xf32>
    %reduce_sum3A_400 = vector.multi_reduction <add>, %reduce_sum3A_398, %reduce_sum3A_399 [1, 2] : vector<1x128x1xf32> to vector<1xf32>
    %reduce_sum3A_401 = vector.shape_cast %reduce_sum3A_400 : vector<1xf32> to vector<1x1x1xf32>
    %reduce_sum3A_402 = vector.extract %reduce_sum3A_401[0, 0, 0] : f32 from vector<1x1x1xf32>
    %broadcast_in_dim3A_403 = vector.broadcast %reduce_sum3A_402 : f32 to vector<1x1xf32>
    %dot_general3A_404 = arith.constant dense<0.000000e+00> : vector<128x256xf32>
    %dot_general3A_405 = tpu.matmul %select_n3A_331, %scan3A_176, %dot_general3A_404 {dimension_numbers = #tpu.dot_dimension_numbers<[1], [0], [0], [1], [0, 0, 1, 1], [], []>, precision = #tpu.contract_precision<fp32>, transpose_lhs_hint = false} : vector<128x128xf32>, vector<128x256xf32>, vector<128x256xf32> -> vector<128x256xf32>
    %swap3A_406 = arith.constant 0 : index
    %swap3A_407 = arith.constant 256 : index
    %swap3A_408 = vector.load %arg38[%swap3A_406, %swap3A_407] : memref<128x1088xf32, #tpu.memory_space<vmem>>, vector<128x256xf32>
    tpu.vector_store %arg38[%swap3A_406, %swap3A_407], %dot_general3A_405 {strides = array<i32>} : memref<128x1088xf32, #tpu.memory_space<vmem>>, vector<128x256xf32>,
    %get3A_409 = arith.constant 0 : index
    %get3A_410 = arith.constant 3 : index
    %get3A_411 = vector.load %arg2[%get3A_409, %get3A_410] : memref<128x4xi32, #tpu.memory_space<vmem>>, vector<128x1xi32>
    %convert_element_type3A_412 = arith.sitofp %get3A_411 : vector<128x1xi32> to vector<128x1xf32>
    %jit3A_413 = arith.constant 0.000000e+00 : f32
    %broadcast_in_dim3A_414 = vector.shape_cast %convert_element_type3A_412 : vector<128x1xf32> to vector<128x1xf32>
    %broadcast_in_dim3A_415 = vector.broadcast %broadcast_in_dim3A_414 : vector<128x1xf32> to vector<128x128xf32>
    %broadcast_in_dim3A_416 = vector.broadcast %jit3A_413 : f32 to vector<128x128xf32>
    %select_n3A_417 = arith.select %eq3A, %broadcast_in_dim3A_415, %broadcast_in_dim3A_416 : vector<128x128xi1>, vector<128x128xf32>
    %reduce_sum3A_418 = arith.constant dense<0.000000e+00> : vector<128xf32>
    %reduce_sum3A_419 = vector.multi_reduction <add>, %select_n3A_417, %reduce_sum3A_418 [0] : vector<128x128xf32> to vector<128xf32>
    %broadcast_in_dim3A_420 = vector.shape_cast %reduce_sum3A_419 : vector<128xf32> to vector<1x128xf32>
    %lt3A_421 = vector.broadcast %convert_element_type3A_412 : vector<128x1xf32> to vector<128x128xf32>
    %lt3A_422 = vector.broadcast %broadcast_in_dim3A_420 : vector<1x128xf32> to vector<128x128xf32>
    %lt3A_423 = arith.cmpf olt, %lt3A_421, %lt3A_422 : vector<128x128xf32>
    %jit3A_424 = arith.constant 1.000000e+00 : f32
    %jit3A_425 = arith.constant 0.000000e+00 : f32
    %broadcast_in_dim3A_426 = vector.broadcast %jit3A_424 : f32 to vector<128x128xf32>
    %broadcast_in_dim3A_427 = vector.broadcast %jit3A_425 : f32 to vector<128x128xf32>
    %select_n3A_428 = arith.select %lt3A_423, %broadcast_in_dim3A_426, %broadcast_in_dim3A_427 : vector<128x128xi1>, vector<128x128xf32>
    %eq3A_429 = vector.broadcast %convert_element_type3A_412 : vector<128x1xf32> to vector<128x128xf32>
    %eq3A_430 = vector.broadcast %broadcast_in_dim3A_420 : vector<1x128xf32> to vector<128x128xf32>
    %eq3A_431 = arith.cmpf oeq, %eq3A_429, %eq3A_430 : vector<128x128xf32>
    %lt3A_432 = arith.cmpf olt, %convert_element_type3A, %convert_element_type3A_1 : vector<128x128xf32>
    %and3A_433 = arith.andi %eq3A_431, %lt3A_432 : vector<128x128xi1>
    %jit3A_434 = arith.constant 1.000000e+00 : f32
    %jit3A_435 = arith.constant 0.000000e+00 : f32
    %broadcast_in_dim3A_436 = vector.broadcast %jit3A_434 : f32 to vector<128x128xf32>
    %broadcast_in_dim3A_437 = vector.broadcast %jit3A_435 : f32 to vector<128x128xf32>
    %select_n3A_438 = arith.select %and3A_433, %broadcast_in_dim3A_436, %broadcast_in_dim3A_437 : vector<128x128xi1>, vector<128x128xf32>
    %add3A_439 = arith.addf %select_n3A_428, %select_n3A_438 : vector<128x128xf32>
    %reduce_sum3A_440 = arith.constant dense<0.000000e+00> : vector<128xf32>
    %reduce_sum3A_441 = vector.multi_reduction <add>, %add3A_439, %reduce_sum3A_440 [0] : vector<128x128xf32> to vector<128xf32>
    %broadcast_in_dim3A_442 = vector.shape_cast %reduce_sum3A_441 : vector<128xf32> to vector<1x128xf32>
    %eq3A_443 = vector.broadcast %broadcast_in_dim3A_442 : vector<1x128xf32> to vector<128x128xf32>
    %eq3A_444 = arith.cmpf oeq, %convert_element_type3A, %eq3A_443 : vector<128x128xf32>
    %jit3A_445 = arith.constant 1.000000e+00 : f32
    %jit3A_446 = arith.constant 0.000000e+00 : f32
    %broadcast_in_dim3A_447 = vector.broadcast %jit3A_445 : f32 to vector<128x128xf32>
    %broadcast_in_dim3A_448 = vector.broadcast %jit3A_446 : f32 to vector<128x128xf32>
    %select_n3A_449 = arith.select %eq3A_444, %broadcast_in_dim3A_447, %broadcast_in_dim3A_448 : vector<128x128xi1>, vector<128x128xf32>
    %dot_general3A_450 = arith.constant dense<0.000000e+00> : vector<128x1xf32>
    %dot_general3A_451 = tpu.matmul %select_n3A_449, %convert_element_type3A_412, %dot_general3A_450 {dimension_numbers = #tpu.dot_dimension_numbers<[1], [0], [0], [1], [0, 0, 1, 1], [], []>, precision = #tpu.contract_precision<fp32>, transpose_lhs_hint = false} : vector<128x128xf32>, vector<128x1xf32>, vector<128x1xf32> -> vector<128x1xf32>
    %dot_general3A_452 = arith.constant dense<0.000000e+00> : vector<128x1xf32>
    %dot_general3A_453 = tpu.matmul %select_n3A_11, %dot_general3A_451, %dot_general3A_452 {dimension_numbers = #tpu.dot_dimension_numbers<[1], [0], [0], [1], [0, 0, 1, 1], [], []>, precision = #tpu.contract_precision<fp32>, transpose_lhs_hint = false} : vector<128x128xf32>, vector<128x1xf32>, vector<128x1xf32> -> vector<128x1xf32>
    %eq3A_454 = arith.constant 0.000000e+00 : f32
    %eq3A_455 = vector.broadcast %eq3A_454 : f32 to vector<128x1xf32>
    %eq3A_456 = arith.cmpf oeq, %convert_element_type3A_21, %eq3A_455 : vector<128x1xf32>
    %ne3A_457 = arith.cmpf one, %dot_general3A_451, %dot_general3A_453 : vector<128x1xf32>
    %or3A_458 = arith.ori %eq3A_456, %ne3A_457 : vector<128x1xi1>
    %jit3A_459 = arith.constant 1.000000e+00 : f32
    %jit3A_460 = arith.constant 0.000000e+00 : f32
    %broadcast_in_dim3A_461 = vector.broadcast %jit3A_459 : f32 to vector<128x1xf32>
    %broadcast_in_dim3A_462 = vector.broadcast %jit3A_460 : f32 to vector<128x1xf32>
    %select_n3A_463 = arith.select %or3A_458, %broadcast_in_dim3A_461, %broadcast_in_dim3A_462 : vector<128x1xi1>, vector<128x1xf32>
    %broadcast_in_dim3A_464 = vector.shape_cast %select_n3A_463 : vector<128x1xf32> to vector<128x1xf32>
    %broadcast_in_dim3A_465 = vector.broadcast %broadcast_in_dim3A_464 : vector<128x1xf32> to vector<128x128xf32>
    %swap3A_466 = arith.constant 0 : index
    %swap3A_467 = arith.constant 256 : index
    %swap3A_468 = vector.load %arg39[%swap3A_466, %swap3A_467] : memref<128x512xf32, #tpu.memory_space<vmem>>, vector<128x128xf32>
    tpu.vector_store %arg39[%swap3A_466, %swap3A_467], %broadcast_in_dim3A_465 {strides = array<i32>} : memref<128x512xf32, #tpu.memory_space<vmem>>, vector<128x128xf32>,
    %dot_general3A_469 = arith.constant dense<0.000000e+00> : vector<128x1xf32>
    %dot_general3A_470 = tpu.matmul %select_n3A, %select_n3A_463, %dot_general3A_469 {dimension_numbers = #tpu.dot_dimension_numbers<[1], [0], [0], [1], [0, 0, 1, 1], [], []>, precision = #tpu.contract_precision<fp32>, transpose_lhs_hint = false} : vector<128x128xf32>, vector<128x1xf32>, vector<128x1xf32> -> vector<128x1xf32>
    %sub3A_471 = arith.constant 1.000000e+00 : f32
    %sub3A_472 = vector.broadcast %sub3A_471 : f32 to vector<128x1xf32>
    %sub3A_473 = arith.subf %dot_general3A_470, %sub3A_472 : vector<128x1xf32>
    %dot_general3A_474 = arith.constant dense<0.000000e+00> : vector<128x1xf32>
    %dot_general3A_475 = tpu.matmul %select_n3A_19, %select_n3A_463, %dot_general3A_474 {dimension_numbers = #tpu.dot_dimension_numbers<[1], [0], [0], [1], [0, 0, 1, 1], [], []>, precision = #tpu.contract_precision<fp32>, transpose_lhs_hint = false} : vector<128x128xf32>, vector<128x1xf32>, vector<128x1xf32> -> vector<128x1xf32>
    %eq3A_476 = arith.constant 1.270000e+02 : f32
    %eq3A_477 = vector.broadcast %eq3A_476 : f32 to vector<128x1xf32>
    %eq3A_478 = arith.cmpf oeq, %convert_element_type3A_21, %eq3A_477 : vector<128x1xf32>
    %jit3A_479 = arith.constant 1.000000e+00 : f32
    %jit3A_480 = arith.constant 0.000000e+00 : f32
    %broadcast_in_dim3A_481 = vector.broadcast %jit3A_479 : f32 to vector<128x1xf32>
    %broadcast_in_dim3A_482 = vector.broadcast %jit3A_480 : f32 to vector<128x1xf32>
    %select_n3A_483 = arith.select %eq3A_478, %broadcast_in_dim3A_481, %broadcast_in_dim3A_482 : vector<128x1xi1>, vector<128x1xf32>
    %add3A_484 = arith.addf %dot_general3A_475, %select_n3A_483 : vector<128x1xf32>
    %jit3A_485 = arith.constant 0.000000e+00 : f32
    %broadcast_in_dim3A_486 = vector.shape_cast %sub3A_473 : vector<128x1xf32> to vector<128x1xf32>
    %broadcast_in_dim3A_487 = vector.broadcast %broadcast_in_dim3A_486 : vector<128x1xf32> to vector<128x128xf32>
    %broadcast_in_dim3A_488 = vector.broadcast %jit3A_485 : f32 to vector<128x128xf32>
    %select_n3A_489 = arith.select %eq3A, %broadcast_in_dim3A_487, %broadcast_in_dim3A_488 : vector<128x128xi1>, vector<128x128xf32>
    %reduce_sum3A_490 = arith.constant dense<0.000000e+00> : vector<128xf32>
    %reduce_sum3A_491 = vector.multi_reduction <add>, %select_n3A_489, %reduce_sum3A_490 [0] : vector<128x128xf32> to vector<128xf32>
    %broadcast_in_dim3A_492 = vector.shape_cast %reduce_sum3A_491 : vector<128xf32> to vector<1x128xf32>
    %eq3A_493 = vector.broadcast %broadcast_in_dim3A_492 : vector<1x128xf32> to vector<128x128xf32>
    %eq3A_494 = arith.cmpf oeq, %convert_element_type3A, %eq3A_493 : vector<128x128xf32>
    %jit3A_495 = arith.constant 0.000000e+00 : f32
    %broadcast_in_dim3A_496 = vector.shape_cast %add3A_484 : vector<128x1xf32> to vector<128x1xf32>
    %broadcast_in_dim3A_497 = vector.broadcast %broadcast_in_dim3A_496 : vector<128x1xf32> to vector<128x128xf32>
    %broadcast_in_dim3A_498 = vector.broadcast %jit3A_495 : f32 to vector<128x128xf32>
    %select_n3A_499 = arith.select %eq3A, %broadcast_in_dim3A_497, %broadcast_in_dim3A_498 : vector<128x128xi1>, vector<128x128xf32>
    %reduce_sum3A_500 = arith.constant dense<0.000000e+00> : vector<128xf32>
    %reduce_sum3A_501 = vector.multi_reduction <add>, %select_n3A_499, %reduce_sum3A_500 [0] : vector<128x128xf32> to vector<128xf32>
    %broadcast_in_dim3A_502 = vector.shape_cast %reduce_sum3A_501 : vector<128xf32> to vector<1x128xf32>
    %gt3A_503 = arith.constant 5.000000e-01 : f32
    %gt3A_504 = vector.broadcast %gt3A_503 : f32 to vector<1x128xf32>
    %gt3A_505 = arith.cmpf ogt, %broadcast_in_dim3A_502, %gt3A_504 : vector<1x128xf32>
    %and3A_506 = vector.broadcast %gt3A_505 : vector<1x128xi1> to vector<128x128xi1>
    %and3A_507 = arith.andi %eq3A_494, %and3A_506 : vector<128x128xi1>
    %jit3A_508 = arith.constant 1.000000e+00 : f32
    %jit3A_509 = arith.constant 0.000000e+00 : f32
    %broadcast_in_dim3A_510 = vector.broadcast %jit3A_508 : f32 to vector<128x128xf32>
    %broadcast_in_dim3A_511 = vector.broadcast %jit3A_509 : f32 to vector<128x128xf32>
    %select_n3A_512 = arith.select %and3A_507, %broadcast_in_dim3A_510, %broadcast_in_dim3A_511 : vector<128x128xi1>, vector<128x128xf32>
    %swap3A_513 = arith.constant 0 : index
    %swap3A_514 = arith.constant 0 : index
    %swap3A_515 = vector.load %arg50[%swap3A_513, %swap3A_514] : memref<128x128xf32, #tpu.memory_space<vmem>>, vector<128x128xf32>
    tpu.vector_store %arg50[%swap3A_513, %swap3A_514], %select_n3A_512 {strides = array<i32>} : memref<128x128xf32, #tpu.memory_space<vmem>>, vector<128x128xf32>,
    %reduce_sum3A_516 = vector.shape_cast %select_n3A_463 : vector<128x1xf32> to vector<1x128x1xf32>
    %reduce_sum3A_517 = arith.constant dense<0.000000e+00> : vector<1xf32>
    %reduce_sum3A_518 = vector.multi_reduction <add>, %reduce_sum3A_516, %reduce_sum3A_517 [1, 2] : vector<1x128x1xf32> to vector<1xf32>
    %reduce_sum3A_519 = vector.shape_cast %reduce_sum3A_518 : vector<1xf32> to vector<1x1x1xf32>
    %reduce_sum3A_520 = vector.extract %reduce_sum3A_519[0, 0, 0] : f32 from vector<1x1x1xf32>
    %broadcast_in_dim3A_521 = vector.broadcast %reduce_sum3A_520 : f32 to vector<1x1xf32>
    %dot_general3A_522 = arith.constant dense<0.000000e+00> : vector<128x256xf32>
    %dot_general3A_523 = tpu.matmul %select_n3A_449, %scan3A_176, %dot_general3A_522 {dimension_numbers = #tpu.dot_dimension_numbers<[1], [0], [0], [1], [0, 0, 1, 1], [], []>, precision = #tpu.contract_precision<fp32>, transpose_lhs_hint = false} : vector<128x128xf32>, vector<128x256xf32>, vector<128x256xf32> -> vector<128x256xf32>
    %swap3A_524 = arith.constant 0 : index
    %swap3A_525 = arith.constant 512 : index
    %swap3A_526 = vector.load %arg38[%swap3A_524, %swap3A_525] : memref<128x1088xf32, #tpu.memory_space<vmem>>, vector<128x256xf32>
    tpu.vector_store %arg38[%swap3A_524, %swap3A_525], %dot_general3A_523 {strides = array<i32>} : memref<128x1088xf32, #tpu.memory_space<vmem>>, vector<128x256xf32>,
    %get3A_527 = arith.constant 0 : index
    %get3A_528 = arith.constant 0 : index
    %get3A_529 = vector.load %arg3[%get3A_527, %get3A_528] : memref<128x1xi32, #tpu.memory_space<vmem>>, vector<128x1xi32>
    %convert_element_type3A_530 = arith.sitofp %get3A_529 : vector<128x1xi32> to vector<128x1xf32>
    %jit3A_531 = arith.constant 0.000000e+00 : f32
    %broadcast_in_dim3A_532 = vector.shape_cast %convert_element_type3A_530 : vector<128x1xf32> to vector<128x1xf32>
    %broadcast_in_dim3A_533 = vector.broadcast %broadcast_in_dim3A_532 : vector<128x1xf32> to vector<128x128xf32>
    %broadcast_in_dim3A_534 = vector.broadcast %jit3A_531 : f32 to vector<128x128xf32>
    %select_n3A_535 = arith.select %eq3A, %broadcast_in_dim3A_533, %broadcast_in_dim3A_534 : vector<128x128xi1>, vector<128x128xf32>
    %reduce_sum3A_536 = arith.constant dense<0.000000e+00> : vector<128xf32>
    %reduce_sum3A_537 = vector.multi_reduction <add>, %select_n3A_535, %reduce_sum3A_536 [0] : vector<128x128xf32> to vector<128xf32>
    %broadcast_in_dim3A_538 = vector.shape_cast %reduce_sum3A_537 : vector<128xf32> to vector<1x128xf32>
    %lt3A_539 = vector.broadcast %convert_element_type3A_530 : vector<128x1xf32> to vector<128x128xf32>
    %lt3A_540 = vector.broadcast %broadcast_in_dim3A_538 : vector<1x128xf32> to vector<128x128xf32>
    %lt3A_541 = arith.cmpf olt, %lt3A_539, %lt3A_540 : vector<128x128xf32>
    %jit3A_542 = arith.constant 1.000000e+00 : f32
    %jit3A_543 = arith.constant 0.000000e+00 : f32
    %broadcast_in_dim3A_544 = vector.broadcast %jit3A_542 : f32 to vector<128x128xf32>
    %broadcast_in_dim3A_545 = vector.broadcast %jit3A_543 : f32 to vector<128x128xf32>
    %select_n3A_546 = arith.select %lt3A_541, %broadcast_in_dim3A_544, %broadcast_in_dim3A_545 : vector<128x128xi1>, vector<128x128xf32>
    %eq3A_547 = vector.broadcast %convert_element_type3A_530 : vector<128x1xf32> to vector<128x128xf32>
    %eq3A_548 = vector.broadcast %broadcast_in_dim3A_538 : vector<1x128xf32> to vector<128x128xf32>
    %eq3A_549 = arith.cmpf oeq, %eq3A_547, %eq3A_548 : vector<128x128xf32>
    %lt3A_550 = arith.cmpf olt, %convert_element_type3A, %convert_element_type3A_1 : vector<128x128xf32>
    %and3A_551 = arith.andi %eq3A_549, %lt3A_550 : vector<128x128xi1>
    %jit3A_552 = arith.constant 1.000000e+00 : f32
    %jit3A_553 = arith.constant 0.000000e+00 : f32
    %broadcast_in_dim3A_554 = vector.broadcast %jit3A_552 : f32 to vector<128x128xf32>
    %broadcast_in_dim3A_555 = vector.broadcast %jit3A_553 : f32 to vector<128x128xf32>
    %select_n3A_556 = arith.select %and3A_551, %broadcast_in_dim3A_554, %broadcast_in_dim3A_555 : vector<128x128xi1>, vector<128x128xf32>
    %add3A_557 = arith.addf %select_n3A_546, %select_n3A_556 : vector<128x128xf32>
    %reduce_sum3A_558 = arith.constant dense<0.000000e+00> : vector<128xf32>
    %reduce_sum3A_559 = vector.multi_reduction <add>, %add3A_557, %reduce_sum3A_558 [0] : vector<128x128xf32> to vector<128xf32>
    %broadcast_in_dim3A_560 = vector.shape_cast %reduce_sum3A_559 : vector<128xf32> to vector<1x128xf32>
    %eq3A_561 = vector.broadcast %broadcast_in_dim3A_560 : vector<1x128xf32> to vector<128x128xf32>
    %eq3A_562 = arith.cmpf oeq, %convert_element_type3A, %eq3A_561 : vector<128x128xf32>
    %jit3A_563 = arith.constant 1.000000e+00 : f32
    %jit3A_564 = arith.constant 0.000000e+00 : f32
    %broadcast_in_dim3A_565 = vector.broadcast %jit3A_563 : f32 to vector<128x128xf32>
    %broadcast_in_dim3A_566 = vector.broadcast %jit3A_564 : f32 to vector<128x128xf32>
    %select_n3A_567 = arith.select %eq3A_562, %broadcast_in_dim3A_565, %broadcast_in_dim3A_566 : vector<128x128xi1>, vector<128x128xf32>
    %dot_general3A_568 = arith.constant dense<0.000000e+00> : vector<128x1xf32>
    %dot_general3A_569 = tpu.matmul %select_n3A_567, %convert_element_type3A_530, %dot_general3A_568 {dimension_numbers = #tpu.dot_dimension_numbers<[1], [0], [0], [1], [0, 0, 1, 1], [], []>, precision = #tpu.contract_precision<fp32>, transpose_lhs_hint = false} : vector<128x128xf32>, vector<128x1xf32>, vector<128x1xf32> -> vector<128x1xf32>
    %dot_general3A_570 = arith.constant dense<0.000000e+00> : vector<128x1xf32>
    %dot_general3A_571 = tpu.matmul %select_n3A_11, %dot_general3A_569, %dot_general3A_570 {dimension_numbers = #tpu.dot_dimension_numbers<[1], [0], [0], [1], [0, 0, 1, 1], [], []>, precision = #tpu.contract_precision<fp32>, transpose_lhs_hint = false} : vector<128x128xf32>, vector<128x1xf32>, vector<128x1xf32> -> vector<128x1xf32>
    %eq3A_572 = arith.constant 0.000000e+00 : f32
    %eq3A_573 = vector.broadcast %eq3A_572 : f32 to vector<128x1xf32>
    %eq3A_574 = arith.cmpf oeq, %convert_element_type3A_21, %eq3A_573 : vector<128x1xf32>
    %ne3A_575 = arith.cmpf one, %dot_general3A_569, %dot_general3A_571 : vector<128x1xf32>
    %or3A_576 = arith.ori %eq3A_574, %ne3A_575 : vector<128x1xi1>
    %jit3A_577 = arith.constant 1.000000e+00 : f32
    %jit3A_578 = arith.constant 0.000000e+00 : f32
    %broadcast_in_dim3A_579 = vector.broadcast %jit3A_577 : f32 to vector<128x1xf32>
    %broadcast_in_dim3A_580 = vector.broadcast %jit3A_578 : f32 to vector<128x1xf32>
    %select_n3A_581 = arith.select %or3A_576, %broadcast_in_dim3A_579, %broadcast_in_dim3A_580 : vector<128x1xi1>, vector<128x1xf32>
    %broadcast_in_dim3A_582 = vector.shape_cast %select_n3A_581 : vector<128x1xf32> to vector<128x1xf32>
    %broadcast_in_dim3A_583 = vector.broadcast %broadcast_in_dim3A_582 : vector<128x1xf32> to vector<128x128xf32>
    %swap3A_584 = arith.constant 0 : index
    %swap3A_585 = arith.constant 384 : index
    %swap3A_586 = vector.load %arg39[%swap3A_584, %swap3A_585] : memref<128x512xf32, #tpu.memory_space<vmem>>, vector<128x128xf32>
    tpu.vector_store %arg39[%swap3A_584, %swap3A_585], %broadcast_in_dim3A_583 {strides = array<i32>} : memref<128x512xf32, #tpu.memory_space<vmem>>, vector<128x128xf32>,
    %dot_general3A_587 = arith.constant dense<0.000000e+00> : vector<128x1xf32>
    %dot_general3A_588 = tpu.matmul %select_n3A, %select_n3A_581, %dot_general3A_587 {dimension_numbers = #tpu.dot_dimension_numbers<[1], [0], [0], [1], [0, 0, 1, 1], [], []>, precision = #tpu.contract_precision<fp32>, transpose_lhs_hint = false} : vector<128x128xf32>, vector<128x1xf32>, vector<128x1xf32> -> vector<128x1xf32>
    %sub3A_589 = arith.constant 1.000000e+00 : f32
    %sub3A_590 = vector.broadcast %sub3A_589 : f32 to vector<128x1xf32>
    %sub3A_591 = arith.subf %dot_general3A_588, %sub3A_590 : vector<128x1xf32>
    %dot_general3A_592 = arith.constant dense<0.000000e+00> : vector<128x1xf32>
    %dot_general3A_593 = tpu.matmul %select_n3A_19, %select_n3A_581, %dot_general3A_592 {dimension_numbers = #tpu.dot_dimension_numbers<[1], [0], [0], [1], [0, 0, 1, 1], [], []>, precision = #tpu.contract_precision<fp32>, transpose_lhs_hint = false} : vector<128x128xf32>, vector<128x1xf32>, vector<128x1xf32> -> vector<128x1xf32>
    %eq3A_594 = arith.constant 1.270000e+02 : f32
    %eq3A_595 = vector.broadcast %eq3A_594 : f32 to vector<128x1xf32>
    %eq3A_596 = arith.cmpf oeq, %convert_element_type3A_21, %eq3A_595 : vector<128x1xf32>
    %jit3A_597 = arith.constant 1.000000e+00 : f32
    %jit3A_598 = arith.constant 0.000000e+00 : f32
    %broadcast_in_dim3A_599 = vector.broadcast %jit3A_597 : f32 to vector<128x1xf32>
    %broadcast_in_dim3A_600 = vector.broadcast %jit3A_598 : f32 to vector<128x1xf32>
    %select_n3A_601 = arith.select %eq3A_596, %broadcast_in_dim3A_599, %broadcast_in_dim3A_600 : vector<128x1xi1>, vector<128x1xf32>
    %add3A_602 = arith.addf %dot_general3A_593, %select_n3A_601 : vector<128x1xf32>
    %jit3A_603 = arith.constant 0.000000e+00 : f32
    %broadcast_in_dim3A_604 = vector.shape_cast %sub3A_591 : vector<128x1xf32> to vector<128x1xf32>
    %broadcast_in_dim3A_605 = vector.broadcast %broadcast_in_dim3A_604 : vector<128x1xf32> to vector<128x128xf32>
    %broadcast_in_dim3A_606 = vector.broadcast %jit3A_603 : f32 to vector<128x128xf32>
    %select_n3A_607 = arith.select %eq3A, %broadcast_in_dim3A_605, %broadcast_in_dim3A_606 : vector<128x128xi1>, vector<128x128xf32>
    %reduce_sum3A_608 = arith.constant dense<0.000000e+00> : vector<128xf32>
    %reduce_sum3A_609 = vector.multi_reduction <add>, %select_n3A_607, %reduce_sum3A_608 [0] : vector<128x128xf32> to vector<128xf32>
    %broadcast_in_dim3A_610 = vector.shape_cast %reduce_sum3A_609 : vector<128xf32> to vector<1x128xf32>
    %eq3A_611 = vector.broadcast %broadcast_in_dim3A_610 : vector<1x128xf32> to vector<128x128xf32>
    %eq3A_612 = arith.cmpf oeq, %convert_element_type3A, %eq3A_611 : vector<128x128xf32>
    %jit3A_613 = arith.constant 0.000000e+00 : f32
    %broadcast_in_dim3A_614 = vector.shape_cast %add3A_602 : vector<128x1xf32> to vector<128x1xf32>
    %broadcast_in_dim3A_615 = vector.broadcast %broadcast_in_dim3A_614 : vector<128x1xf32> to vector<128x128xf32>
    %broadcast_in_dim3A_616 = vector.broadcast %jit3A_613 : f32 to vector<128x128xf32>
    %select_n3A_617 = arith.select %eq3A, %broadcast_in_dim3A_615, %broadcast_in_dim3A_616 : vector<128x128xi1>, vector<128x128xf32>
    %reduce_sum3A_618 = arith.constant dense<0.000000e+00> : vector<128xf32>
    %reduce_sum3A_619 = vector.multi_reduction <add>, %select_n3A_617, %reduce_sum3A_618 [0] : vector<128x128xf32> to vector<128xf32>
    %broadcast_in_dim3A_620 = vector.shape_cast %reduce_sum3A_619 : vector<128xf32> to vector<1x128xf32>
    %gt3A_621 = arith.constant 5.000000e-01 : f32
    %gt3A_622 = vector.broadcast %gt3A_621 : f32 to vector<1x128xf32>
    %gt3A_623 = arith.cmpf ogt, %broadcast_in_dim3A_620, %gt3A_622 : vector<1x128xf32>
    %and3A_624 = vector.broadcast %gt3A_623 : vector<1x128xi1> to vector<128x128xi1>
    %and3A_625 = arith.andi %eq3A_612, %and3A_624 : vector<128x128xi1>
    %jit3A_626 = arith.constant 1.000000e+00 : f32
    %jit3A_627 = arith.constant 0.000000e+00 : f32
    %broadcast_in_dim3A_628 = vector.broadcast %jit3A_626 : f32 to vector<128x128xf32>
    %broadcast_in_dim3A_629 = vector.broadcast %jit3A_627 : f32 to vector<128x128xf32>
    %select_n3A_630 = arith.select %and3A_625, %broadcast_in_dim3A_628, %broadcast_in_dim3A_629 : vector<128x128xi1>, vector<128x128xf32>
    %swap3A_631 = arith.constant 0 : index
    %swap3A_632 = arith.constant 0 : index
    %swap3A_633 = vector.load %arg51[%swap3A_631, %swap3A_632] : memref<128x128xf32, #tpu.memory_space<vmem>>, vector<128x128xf32>
    tpu.vector_store %arg51[%swap3A_631, %swap3A_632], %select_n3A_630 {strides = array<i32>} : memref<128x128xf32, #tpu.memory_space<vmem>>, vector<128x128xf32>,
    %reduce_sum3A_634 = vector.shape_cast %select_n3A_581 : vector<128x1xf32> to vector<1x128x1xf32>
    %reduce_sum3A_635 = arith.constant dense<0.000000e+00> : vector<1xf32>
    %reduce_sum3A_636 = vector.multi_reduction <add>, %reduce_sum3A_634, %reduce_sum3A_635 [1, 2] : vector<1x128x1xf32> to vector<1xf32>
    %reduce_sum3A_637 = vector.shape_cast %reduce_sum3A_636 : vector<1xf32> to vector<1x1x1xf32>
    %reduce_sum3A_638 = vector.extract %reduce_sum3A_637[0, 0, 0] : f32 from vector<1x1x1xf32>
    %broadcast_in_dim3A_639 = vector.broadcast %reduce_sum3A_638 : f32 to vector<1x1xf32>
    %dot_general3A_640 = arith.constant dense<0.000000e+00> : vector<128x256xf32>
    %dot_general3A_641 = tpu.matmul %select_n3A_567, %scan3A_176, %dot_general3A_640 {dimension_numbers = #tpu.dot_dimension_numbers<[1], [0], [0], [1], [0, 0, 1, 1], [], []>, precision = #tpu.contract_precision<fp32>, transpose_lhs_hint = false} : vector<128x128xf32>, vector<128x256xf32>, vector<128x256xf32> -> vector<128x256xf32>
    %swap3A_642 = arith.constant 0 : index
    %swap3A_643 = arith.constant 768 : index
    %swap3A_644 = vector.load %arg38[%swap3A_642, %swap3A_643] : memref<128x1088xf32, #tpu.memory_space<vmem>>, vector<128x256xf32>
    tpu.vector_store %arg38[%swap3A_642, %swap3A_643], %dot_general3A_641 {strides = array<i32>} : memref<128x1088xf32, #tpu.memory_space<vmem>>, vector<128x256xf32>,
    %iota3A_645 = tpu.iota {dimensions = array<i32: 1>} : vector<128x1000xi32>
    %convert_element_type3A_646 = arith.sitofp %iota3A_645 : vector<128x1000xi32> to vector<128x1000xf32>
    %eq3A_647 = vector.broadcast %convert_element_type3A_530 : vector<128x1xf32> to vector<128x1000xf32>
    %eq3A_648 = arith.cmpf oeq, %eq3A_647, %convert_element_type3A_646 : vector<128x1000xf32>
    %jit3A_649 = arith.constant 1.000000e+00 : f32
    %jit3A_650 = arith.constant 0.000000e+00 : f32
    %broadcast_in_dim3A_651 = vector.broadcast %jit3A_649 : f32 to vector<128x1000xf32>
    %broadcast_in_dim3A_652 = vector.broadcast %jit3A_650 : f32 to vector<128x1000xf32>
    %select_n3A_653 = arith.select %eq3A_648, %broadcast_in_dim3A_651, %broadcast_in_dim3A_652 : vector<128x1000xi1>, vector<128x1000xf32>
    %get3A_654 = arith.constant 0 : index
    %get3A_655 = arith.constant 0 : index
    %get3A_656 = vector.load %arg4[%get3A_654, %get3A_655] : memref<1000x64xf32, #tpu.memory_space<vmem>>, vector<1000x64xf32>
    %dot_general3A_657 = arith.constant dense<0.000000e+00> : vector<128x64xf32>
    %dot_general3A_658 = tpu.matmul %select_n3A_653, %get3A_656, %dot_general3A_657 {dimension_numbers = #tpu.dot_dimension_numbers<[1], [0], [0], [1], [0, 0, 1, 1], [], []>, precision = #tpu.contract_precision<fp32>, transpose_lhs_hint = false} : vector<128x1000xf32>, vector<1000x64xf32>, vector<128x64xf32> -> vector<128x64xf32>
    %dot_general3A_659 = arith.constant dense<0.000000e+00> : vector<128x64xf32>
    %dot_general3A_660 = tpu.matmul %select_n3A_567, %dot_general3A_658, %dot_general3A_659 {dimension_numbers = #tpu.dot_dimension_numbers<[1], [0], [0], [1], [0, 0, 1, 1], [], []>, precision = #tpu.contract_precision<fp32>, transpose_lhs_hint = false} : vector<128x128xf32>, vector<128x64xf32>, vector<128x64xf32> -> vector<128x64xf32>
    %swap3A_661 = arith.constant 0 : index
    %swap3A_662 = arith.constant 1024 : index
    %swap3A_663 = vector.load %arg38[%swap3A_661, %swap3A_662] : memref<128x1088xf32, #tpu.memory_space<vmem>>, vector<128x64xf32>
    tpu.vector_store %arg38[%swap3A_661, %swap3A_662], %dot_general3A_660 {strides = array<i32>} : memref<128x1088xf32, #tpu.memory_space<vmem>>, vector<128x64xf32>,
    %get3A_664 = arith.constant 0 : index
    %get3A_665 = arith.constant 0 : index
    %get3A_666 = vector.load %arg38[%get3A_664, %get3A_665] : memref<128x1088xf32, #tpu.memory_space<vmem>>, vector<128x256xf32>
    %get3A_667 = arith.constant 0 : index
    %get3A_668 = arith.constant 0 : index
    %get3A_669 = vector.load %arg9[%get3A_667, %get3A_668] : memref<384x256xf32, #tpu.memory_space<vmem>>, vector<384x256xf32>
    %dot_general3A_670 = arith.constant dense<0.000000e+00> : vector<128x384xf32>
    %dot_general3A_671 = tpu.matmul %get3A_666, %get3A_669, %dot_general3A_670 {dimension_numbers = #tpu.dot_dimension_numbers<[1], [1], [0], [0], [0, 0, 1, 0], [], []>, transpose_lhs_hint = false} : vector<128x256xf32>, vector<384x256xf32>, vector<128x384xf32> -> vector<128x384xf32>
    %get3A_672 = arith.constant 0 : index
    %get3A_673 = arith.constant 0 : index
    %get3A_674 = vector.load %arg13[%get3A_672, %get3A_673] : memref<1x384xf32, #tpu.memory_space<vmem>>, vector<1x384xf32>
    %add3A_675 = vector.broadcast %get3A_674 : vector<1x384xf32> to vector<128x384xf32>
    %add3A_676 = arith.addf %dot_general3A_671, %add3A_675 : vector<128x384xf32>
    %swap3A_677 = arith.constant 0 : index
    %swap3A_678 = arith.constant 0 : index
    %swap3A_679 = vector.load %arg45[%swap3A_677, %swap3A_678] : memref<128x1536xf32, #tpu.memory_space<vmem>>, vector<128x384xf32>
    tpu.vector_store %arg45[%swap3A_677, %swap3A_678], %add3A_676 {strides = array<i32>} : memref<128x1536xf32, #tpu.memory_space<vmem>>, vector<128x384xf32>,
    %get3A_680 = arith.constant 0 : index
    %get3A_681 = arith.constant 256 : index
    %get3A_682 = vector.load %arg38[%get3A_680, %get3A_681] : memref<128x1088xf32, #tpu.memory_space<vmem>>, vector<128x256xf32>
    %get3A_683 = arith.constant 0 : index
    %get3A_684 = arith.constant 0 : index
    %get3A_685 = vector.load %arg10[%get3A_683, %get3A_684] : memref<384x256xf32, #tpu.memory_space<vmem>>, vector<384x256xf32>
    %dot_general3A_686 = arith.constant dense<0.000000e+00> : vector<128x384xf32>
    %dot_general3A_687 = tpu.matmul %get3A_682, %get3A_685, %dot_general3A_686 {dimension_numbers = #tpu.dot_dimension_numbers<[1], [1], [0], [0], [0, 0, 1, 0], [], []>, transpose_lhs_hint = false} : vector<128x256xf32>, vector<384x256xf32>, vector<128x384xf32> -> vector<128x384xf32>
    %get3A_688 = arith.constant 0 : index
    %get3A_689 = arith.constant 0 : index
    %get3A_690 = vector.load %arg14[%get3A_688, %get3A_689] : memref<1x384xf32, #tpu.memory_space<vmem>>, vector<1x384xf32>
    %add3A_691 = vector.broadcast %get3A_690 : vector<1x384xf32> to vector<128x384xf32>
    %add3A_692 = arith.addf %dot_general3A_687, %add3A_691 : vector<128x384xf32>
    %swap3A_693 = arith.constant 0 : index
    %swap3A_694 = arith.constant 384 : index
    %swap3A_695 = vector.load %arg45[%swap3A_693, %swap3A_694] : memref<128x1536xf32, #tpu.memory_space<vmem>>, vector<128x384xf32>
    tpu.vector_store %arg45[%swap3A_693, %swap3A_694], %add3A_692 {strides = array<i32>} : memref<128x1536xf32, #tpu.memory_space<vmem>>, vector<128x384xf32>,
    %get3A_696 = arith.constant 0 : index
    %get3A_697 = arith.constant 512 : index
    %get3A_698 = vector.load %arg38[%get3A_696, %get3A_697] : memref<128x1088xf32, #tpu.memory_space<vmem>>, vector<128x256xf32>
    %get3A_699 = arith.constant 0 : index
    %get3A_700 = arith.constant 0 : index
    %get3A_701 = vector.load %arg11[%get3A_699, %get3A_700] : memref<384x256xf32, #tpu.memory_space<vmem>>, vector<384x256xf32>
    %dot_general3A_702 = arith.constant dense<0.000000e+00> : vector<128x384xf32>
    %dot_general3A_703 = tpu.matmul %get3A_698, %get3A_701, %dot_general3A_702 {dimension_numbers = #tpu.dot_dimension_numbers<[1], [1], [0], [0], [0, 0, 1, 0], [], []>, transpose_lhs_hint = false} : vector<128x256xf32>, vector<384x256xf32>, vector<128x384xf32> -> vector<128x384xf32>
    %get3A_704 = arith.constant 0 : index
    %get3A_705 = arith.constant 0 : index
    %get3A_706 = vector.load %arg15[%get3A_704, %get3A_705] : memref<1x384xf32, #tpu.memory_space<vmem>>, vector<1x384xf32>
    %add3A_707 = vector.broadcast %get3A_706 : vector<1x384xf32> to vector<128x384xf32>
    %add3A_708 = arith.addf %dot_general3A_703, %add3A_707 : vector<128x384xf32>
    %swap3A_709 = arith.constant 0 : index
    %swap3A_710 = arith.constant 768 : index
    %swap3A_711 = vector.load %arg45[%swap3A_709, %swap3A_710] : memref<128x1536xf32, #tpu.memory_space<vmem>>, vector<128x384xf32>
    tpu.vector_store %arg45[%swap3A_709, %swap3A_710], %add3A_708 {strides = array<i32>} : memref<128x1536xf32, #tpu.memory_space<vmem>>, vector<128x384xf32>,
    %get3A_712 = arith.constant 0 : index
    %get3A_713 = arith.constant 768 : index
    %get3A_714 = vector.load %arg38[%get3A_712, %get3A_713] : memref<128x1088xf32, #tpu.memory_space<vmem>>, vector<128x320xf32>
    %get3A_715 = arith.constant 0 : index
    %get3A_716 = arith.constant 0 : index
    %get3A_717 = vector.load %arg12[%get3A_715, %get3A_716] : memref<384x320xf32, #tpu.memory_space<vmem>>, vector<384x320xf32>
    %dot_general3A_718 = arith.constant dense<0.000000e+00> : vector<128x384xf32>
    %dot_general3A_719 = tpu.matmul %get3A_714, %get3A_717, %dot_general3A_718 {dimension_numbers = #tpu.dot_dimension_numbers<[1], [1], [0], [0], [0, 0, 1, 0], [], []>, transpose_lhs_hint = false} : vector<128x320xf32>, vector<384x320xf32>, vector<128x384xf32> -> vector<128x384xf32>
    %get3A_720 = arith.constant 0 : index
    %get3A_721 = arith.constant 0 : index
    %get3A_722 = vector.load %arg16[%get3A_720, %get3A_721] : memref<1x384xf32, #tpu.memory_space<vmem>>, vector<1x384xf32>
    %add3A_723 = vector.broadcast %get3A_722 : vector<1x384xf32> to vector<128x384xf32>
    %add3A_724 = arith.addf %dot_general3A_719, %add3A_723 : vector<128x384xf32>
    %swap3A_725 = arith.constant 0 : index
    %swap3A_726 = arith.constant 1152 : index
    %swap3A_727 = vector.load %arg45[%swap3A_725, %swap3A_726] : memref<128x1536xf32, #tpu.memory_space<vmem>>, vector<128x384xf32>
    tpu.vector_store %arg45[%swap3A_725, %swap3A_726], %add3A_724 {strides = array<i32>} : memref<128x1536xf32, #tpu.memory_space<vmem>>, vector<128x384xf32>,
    %broadcast_in_dim3A_728 = arith.constant 0.000000e+00 : f32
    %broadcast_in_dim3A_729 = vector.broadcast %broadcast_in_dim3A_728 : f32 to vector<1x128xf32>
    %scan3A_730 = arith.constant 0 : i32
    %scan3A_731 = arith.constant 128 : i32
    %scan3A_732 = arith.addi %scan3A_730, %scan3A_731 : i32
    %scan3A_733 = arith.constant 4 : i32
    %scan3A_734:4 = scf.for %scan3A_871 = %scan3A_730 to %scan3A_732 step %scan3A_733 iter_args(%scan3A_872 = %broadcast_in_dim3A_729, %scan3A_873 = %broadcast_in_dim3A_729, %scan3A_874 = %broadcast_in_dim3A_729, %scan3A_875 = %broadcast_in_dim3A_729) -> (vector<1x128xf32>, vector<1x128xf32>, vector<1x128xf32>, vector<1x128xf32>)  : i32 {
      %get3A_876 = arith.index_cast %scan3A_871 : i32 to index
      %get3A_877 = arith.constant 0 : index
      %get3A_878 = vector.load %arg39[%get3A_876, %get3A_877] : memref<128x512xf32, #tpu.memory_space<vmem>>, vector<1x512xf32>
      %get3A_879 = arith.index_cast %scan3A_871 : i32 to index
      %get3A_880 = arith.constant 0 : index
      %get3A_881 = vector.load %arg45[%get3A_879, %get3A_880] : memref<128x1536xf32, #tpu.memory_space<vmem>>, vector<1x1536xf32>
      %slice3A = vector.extract_strided_slice %get3A_878 {offsets = [0, 0], sizes = [1, 128], strides = [1, 1]} : vector<1x512xf32> to vector<1x128xf32>
      %sub3A_882 = arith.constant 1.000000e+00 : f32
      %sub3A_883 = vector.broadcast %sub3A_882 : f32 to vector<1x128xf32>
      %sub3A_884 = arith.subf %sub3A_883, %slice3A : vector<1x128xf32>
      %mul3A_885 = arith.mulf %scan3A_872, %sub3A_884 : vector<1x128xf32>
      %slice3A_886 = vector.extract_strided_slice %get3A_881 {offsets = [0, 0], sizes = [1, 384], strides = [1, 1]} : vector<1x1536xf32> to vector<1x384xf32>
      %get3A_887 = arith.constant 0 : index
      %get3A_888 = arith.constant 0 : index
      %get3A_889 = vector.load %arg17[%get3A_887, %get3A_888] : memref<384x128xf32, #tpu.memory_space<vmem>>, vector<384x128xf32>
      %dot_general3A_890 = arith.constant dense<0.000000e+00> : vector<1x384xf32>
      %dot_general3A_891 = tpu.matmul %mul3A_885, %get3A_889, %dot_general3A_890 {dimension_numbers = #tpu.dot_dimension_numbers<[1], [1], [0], [0], [0, 0, 1, 0], [], []>, transpose_lhs_hint = false} : vector<1x128xf32>, vector<384x128xf32>, vector<1x384xf32> -> vector<1x384xf32>
      %get3A_892 = arith.constant 0 : index
      %get3A_893 = arith.constant 0 : index
      %get3A_894 = vector.load %arg21[%get3A_892, %get3A_893] : memref<1x1536xf32, #tpu.memory_space<vmem>>, vector<1x384xf32>
      %add3A_895 = arith.addf %dot_general3A_891, %get3A_894 : vector<1x384xf32>
      %slice3A_896 = vector.extract_strided_slice %slice3A_886 {offsets = [0, 0], sizes = [1, 128], strides = [1, 1]} : vector<1x384xf32> to vector<1x128xf32>
      %slice3A_897 = vector.extract_strided_slice %add3A_895 {offsets = [0, 0], sizes = [1, 128], strides = [1, 1]} : vector<1x384xf32> to vector<1x128xf32>
      %add3A_898 = arith.addf %slice3A_896, %slice3A_897 : vector<1x128xf32>
      %logistic3A = arith.negf %add3A_898 : vector<1x128xf32>
      %logistic3A_899 = math.exp %logistic3A : vector<1x128xf32>
      %logistic3A_900 = arith.constant 1.000000e+00 : f32
      %logistic3A_901 = vector.broadcast %logistic3A_900 : f32 to vector<1x128xf32>
      %logistic3A_902 = arith.addf %logistic3A_901, %logistic3A_899 : vector<1x128xf32>
      %logistic3A_903 = arith.divf %logistic3A_901, %logistic3A_902 : vector<1x128xf32>
      %slice3A_904 = vector.extract_strided_slice %slice3A_886 {offsets = [0, 128], sizes = [1, 128], strides = [1, 1]} : vector<1x384xf32> to vector<1x128xf32>
      %slice3A_905 = vector.extract_strided_slice %add3A_895 {offsets = [0, 128], sizes = [1, 128], strides = [1, 1]} : vector<1x384xf32> to vector<1x128xf32>
      %add3A_906 = arith.addf %slice3A_904, %slice3A_905 : vector<1x128xf32>
      %logistic3A_907 = arith.negf %add3A_906 : vector<1x128xf32>
      %logistic3A_908 = math.exp %logistic3A_907 : vector<1x128xf32>
      %logistic3A_909 = arith.constant 1.000000e+00 : f32
      %logistic3A_910 = vector.broadcast %logistic3A_909 : f32 to vector<1x128xf32>
      %logistic3A_911 = arith.addf %logistic3A_910, %logistic3A_908 : vector<1x128xf32>
      %logistic3A_912 = arith.divf %logistic3A_910, %logistic3A_911 : vector<1x128xf32>
      %slice3A_913 = vector.extract_strided_slice %slice3A_886 {offsets = [0, 256], sizes = [1, 128], strides = [1, 1]} : vector<1x384xf32> to vector<1x128xf32>
      %slice3A_914 = vector.extract_strided_slice %add3A_895 {offsets = [0, 256], sizes = [1, 128], strides = [1, 1]} : vector<1x384xf32> to vector<1x128xf32>
      %mul3A_915 = arith.mulf %logistic3A_903, %slice3A_914 : vector<1x128xf32>
      %add3A_916 = arith.addf %slice3A_913, %mul3A_915 : vector<1x128xf32>
      %tanh3A = math.tanh %add3A_916 : vector<1x128xf32>
      %sub3A_917 = arith.constant 1.000000e+00 : f32
      %sub3A_918 = vector.broadcast %sub3A_917 : f32 to vector<1x128xf32>
      %sub3A_919 = arith.subf %sub3A_918, %logistic3A_912 : vector<1x128xf32>
      %mul3A_920 = arith.mulf %sub3A_919, %tanh3A : vector<1x128xf32>
      %mul3A_921 = arith.mulf %logistic3A_912, %mul3A_885 : vector<1x128xf32>
      %add3A_922 = arith.addf %mul3A_920, %mul3A_921 : vector<1x128xf32>
      %swap3A_923 = arith.index_cast %scan3A_871 : i32 to index
      %swap3A_924 = arith.constant 0 : index
      %swap3A_925 = vector.load %arg40[%swap3A_923, %swap3A_924] : memref<128x128xf32, #tpu.memory_space<vmem>>, vector<1x128xf32>
      tpu.vector_store %arg40[%swap3A_923, %swap3A_924], %add3A_922 {strides = array<i32>} : memref<128x128xf32, #tpu.memory_space<vmem>>, vector<1x128xf32>,
      %slice3A_926 = vector.extract_strided_slice %get3A_878 {offsets = [0, 128], sizes = [1, 128], strides = [1, 1]} : vector<1x512xf32> to vector<1x128xf32>
      %sub3A_927 = arith.constant 1.000000e+00 : f32
      %sub3A_928 = vector.broadcast %sub3A_927 : f32 to vector<1x128xf32>
      %sub3A_929 = arith.subf %sub3A_928, %slice3A_926 : vector<1x128xf32>
      %mul3A_930 = arith.mulf %scan3A_873, %sub3A_929 : vector<1x128xf32>
      %slice3A_931 = vector.extract_strided_slice %get3A_881 {offsets = [0, 384], sizes = [1, 384], strides = [1, 1]} : vector<1x1536xf32> to vector<1x384xf32>
      %get3A_932 = arith.constant 0 : index
      %get3A_933 = arith.constant 0 : index
      %get3A_934 = vector.load %arg18[%get3A_932, %get3A_933] : memref<384x128xf32, #tpu.memory_space<vmem>>, vector<384x128xf32>
      %dot_general3A_935 = arith.constant dense<0.000000e+00> : vector<1x384xf32>
      %dot_general3A_936 = tpu.matmul %mul3A_930, %get3A_934, %dot_general3A_935 {dimension_numbers = #tpu.dot_dimension_numbers<[1], [1], [0], [0], [0, 0, 1, 0], [], []>, transpose_lhs_hint = false} : vector<1x128xf32>, vector<384x128xf32>, vector<1x384xf32> -> vector<1x384xf32>
      %get3A_937 = arith.constant 0 : index
      %get3A_938 = arith.constant 384 : index
      %get3A_939 = vector.load %arg21[%get3A_937, %get3A_938] : memref<1x1536xf32, #tpu.memory_space<vmem>>, vector<1x384xf32>
      %add3A_940 = arith.addf %dot_general3A_936, %get3A_939 : vector<1x384xf32>
      %slice3A_941 = vector.extract_strided_slice %slice3A_931 {offsets = [0, 0], sizes = [1, 128], strides = [1, 1]} : vector<1x384xf32> to vector<1x128xf32>
      %slice3A_942 = vector.extract_strided_slice %add3A_940 {offsets = [0, 0], sizes = [1, 128], strides = [1, 1]} : vector<1x384xf32> to vector<1x128xf32>
      %add3A_943 = arith.addf %slice3A_941, %slice3A_942 : vector<1x128xf32>
      %logistic3A_944 = arith.negf %add3A_943 : vector<1x128xf32>
      %logistic3A_945 = math.exp %logistic3A_944 : vector<1x128xf32>
      %logistic3A_946 = arith.constant 1.000000e+00 : f32
      %logistic3A_947 = vector.broadcast %logistic3A_946 : f32 to vector<1x128xf32>
      %logistic3A_948 = arith.addf %logistic3A_947, %logistic3A_945 : vector<1x128xf32>
      %logistic3A_949 = arith.divf %logistic3A_947, %logistic3A_948 : vector<1x128xf32>
      %slice3A_950 = vector.extract_strided_slice %slice3A_931 {offsets = [0, 128], sizes = [1, 128], strides = [1, 1]} : vector<1x384xf32> to vector<1x128xf32>
      %slice3A_951 = vector.extract_strided_slice %add3A_940 {offsets = [0, 128], sizes = [1, 128], strides = [1, 1]} : vector<1x384xf32> to vector<1x128xf32>
      %add3A_952 = arith.addf %slice3A_950, %slice3A_951 : vector<1x128xf32>
      %logistic3A_953 = arith.negf %add3A_952 : vector<1x128xf32>
      %logistic3A_954 = math.exp %logistic3A_953 : vector<1x128xf32>
      %logistic3A_955 = arith.constant 1.000000e+00 : f32
      %logistic3A_956 = vector.broadcast %logistic3A_955 : f32 to vector<1x128xf32>
      %logistic3A_957 = arith.addf %logistic3A_956, %logistic3A_954 : vector<1x128xf32>
      %logistic3A_958 = arith.divf %logistic3A_956, %logistic3A_957 : vector<1x128xf32>
      %slice3A_959 = vector.extract_strided_slice %slice3A_931 {offsets = [0, 256], sizes = [1, 128], strides = [1, 1]} : vector<1x384xf32> to vector<1x128xf32>
      %slice3A_960 = vector.extract_strided_slice %add3A_940 {offsets = [0, 256], sizes = [1, 128], strides = [1, 1]} : vector<1x384xf32> to vector<1x128xf32>
      %mul3A_961 = arith.mulf %logistic3A_949, %slice3A_960 : vector<1x128xf32>
      %add3A_962 = arith.addf %slice3A_959, %mul3A_961 : vector<1x128xf32>
      %tanh3A_963 = math.tanh %add3A_962 : vector<1x128xf32>
      %sub3A_964 = arith.constant 1.000000e+00 : f32
      %sub3A_965 = vector.broadcast %sub3A_964 : f32 to vector<1x128xf32>
      %sub3A_966 = arith.subf %sub3A_965, %logistic3A_958 : vector<1x128xf32>
      %mul3A_967 = arith.mulf %sub3A_966, %tanh3A_963 : vector<1x128xf32>
      %mul3A_968 = arith.mulf %logistic3A_958, %mul3A_930 : vector<1x128xf32>
      %add3A_969 = arith.addf %mul3A_967, %mul3A_968 : vector<1x128xf32>
      %swap3A_970 = arith.index_cast %scan3A_871 : i32 to index
      %swap3A_971 = arith.constant 0 : index
      %swap3A_972 = vector.load %arg41[%swap3A_970, %swap3A_971] : memref<128x128xf32, #tpu.memory_space<vmem>>, vector<1x128xf32>
      tpu.vector_store %arg41[%swap3A_970, %swap3A_971], %add3A_969 {strides = array<i32>} : memref<128x128xf32, #tpu.memory_space<vmem>>, vector<1x128xf32>,
      %slice3A_973 = vector.extract_strided_slice %get3A_878 {offsets = [0, 256], sizes = [1, 128], strides = [1, 1]} : vector<1x512xf32> to vector<1x128xf32>
      %sub3A_974 = arith.constant 1.000000e+00 : f32
      %sub3A_975 = vector.broadcast %sub3A_974 : f32 to vector<1x128xf32>
      %sub3A_976 = arith.subf %sub3A_975, %slice3A_973 : vector<1x128xf32>
      %mul3A_977 = arith.mulf %scan3A_874, %sub3A_976 : vector<1x128xf32>
      %slice3A_978 = vector.extract_strided_slice %get3A_881 {offsets = [0, 768], sizes = [1, 384], strides = [1, 1]} : vector<1x1536xf32> to vector<1x384xf32>
      %get3A_979 = arith.constant 0 : index
      %get3A_980 = arith.constant 0 : index
      %get3A_981 = vector.load %arg19[%get3A_979, %get3A_980] : memref<384x128xf32, #tpu.memory_space<vmem>>, vector<384x128xf32>
      %dot_general3A_982 = arith.constant dense<0.000000e+00> : vector<1x384xf32>
      %dot_general3A_983 = tpu.matmul %mul3A_977, %get3A_981, %dot_general3A_982 {dimension_numbers = #tpu.dot_dimension_numbers<[1], [1], [0], [0], [0, 0, 1, 0], [], []>, transpose_lhs_hint = false} : vector<1x128xf32>, vector<384x128xf32>, vector<1x384xf32> -> vector<1x384xf32>
      %get3A_984 = arith.constant 0 : index
      %get3A_985 = arith.constant 768 : index
      %get3A_986 = vector.load %arg21[%get3A_984, %get3A_985] : memref<1x1536xf32, #tpu.memory_space<vmem>>, vector<1x384xf32>
      %add3A_987 = arith.addf %dot_general3A_983, %get3A_986 : vector<1x384xf32>
      %slice3A_988 = vector.extract_strided_slice %slice3A_978 {offsets = [0, 0], sizes = [1, 128], strides = [1, 1]} : vector<1x384xf32> to vector<1x128xf32>
      %slice3A_989 = vector.extract_strided_slice %add3A_987 {offsets = [0, 0], sizes = [1, 128], strides = [1, 1]} : vector<1x384xf32> to vector<1x128xf32>
      %add3A_990 = arith.addf %slice3A_988, %slice3A_989 : vector<1x128xf32>
      %logistic3A_991 = arith.negf %add3A_990 : vector<1x128xf32>
      %logistic3A_992 = math.exp %logistic3A_991 : vector<1x128xf32>
      %logistic3A_993 = arith.constant 1.000000e+00 : f32
      %logistic3A_994 = vector.broadcast %logistic3A_993 : f32 to vector<1x128xf32>
      %logistic3A_995 = arith.addf %logistic3A_994, %logistic3A_992 : vector<1x128xf32>
      %logistic3A_996 = arith.divf %logistic3A_994, %logistic3A_995 : vector<1x128xf32>
      %slice3A_997 = vector.extract_strided_slice %slice3A_978 {offsets = [0, 128], sizes = [1, 128], strides = [1, 1]} : vector<1x384xf32> to vector<1x128xf32>
      %slice3A_998 = vector.extract_strided_slice %add3A_987 {offsets = [0, 128], sizes = [1, 128], strides = [1, 1]} : vector<1x384xf32> to vector<1x128xf32>
      %add3A_999 = arith.addf %slice3A_997, %slice3A_998 : vector<1x128xf32>
      %logistic3A_1000 = arith.negf %add3A_999 : vector<1x128xf32>
      %logistic3A_1001 = math.exp %logistic3A_1000 : vector<1x128xf32>
      %logistic3A_1002 = arith.constant 1.000000e+00 : f32
      %logistic3A_1003 = vector.broadcast %logistic3A_1002 : f32 to vector<1x128xf32>
      %logistic3A_1004 = arith.addf %logistic3A_1003, %logistic3A_1001 : vector<1x128xf32>
      %logistic3A_1005 = arith.divf %logistic3A_1003, %logistic3A_1004 : vector<1x128xf32>
      %slice3A_1006 = vector.extract_strided_slice %slice3A_978 {offsets = [0, 256], sizes = [1, 128], strides = [1, 1]} : vector<1x384xf32> to vector<1x128xf32>
      %slice3A_1007 = vector.extract_strided_slice %add3A_987 {offsets = [0, 256], sizes = [1, 128], strides = [1, 1]} : vector<1x384xf32> to vector<1x128xf32>
      %mul3A_1008 = arith.mulf %logistic3A_996, %slice3A_1007 : vector<1x128xf32>
      %add3A_1009 = arith.addf %slice3A_1006, %mul3A_1008 : vector<1x128xf32>
      %tanh3A_1010 = math.tanh %add3A_1009 : vector<1x128xf32>
      %sub3A_1011 = arith.constant 1.000000e+00 : f32
      %sub3A_1012 = vector.broadcast %sub3A_1011 : f32 to vector<1x128xf32>
      %sub3A_1013 = arith.subf %sub3A_1012, %logistic3A_1005 : vector<1x128xf32>
      %mul3A_1014 = arith.mulf %sub3A_1013, %tanh3A_1010 : vector<1x128xf32>
      %mul3A_1015 = arith.mulf %logistic3A_1005, %mul3A_977 : vector<1x128xf32>
      %add3A_1016 = arith.addf %mul3A_1014, %mul3A_1015 : vector<1x128xf32>
      %swap3A_1017 = arith.index_cast %scan3A_871 : i32 to index
      %swap3A_1018 = arith.constant 0 : index
      %swap3A_1019 = vector.load %arg42[%swap3A_1017, %swap3A_1018] : memref<128x128xf32, #tpu.memory_space<vmem>>, vector<1x128xf32>
      tpu.vector_store %arg42[%swap3A_1017, %swap3A_1018], %add3A_1016 {strides = array<i32>} : memref<128x128xf32, #tpu.memory_space<vmem>>, vector<1x128xf32>,
      %slice3A_1020 = vector.extract_strided_slice %get3A_878 {offsets = [0, 384], sizes = [1, 128], strides = [1, 1]} : vector<1x512xf32> to vector<1x128xf32>
      %sub3A_1021 = arith.constant 1.000000e+00 : f32
      %sub3A_1022 = vector.broadcast %sub3A_1021 : f32 to vector<1x128xf32>
      %sub3A_1023 = arith.subf %sub3A_1022, %slice3A_1020 : vector<1x128xf32>
      %mul3A_1024 = arith.mulf %scan3A_875, %sub3A_1023 : vector<1x128xf32>
      %slice3A_1025 = vector.extract_strided_slice %get3A_881 {offsets = [0, 1152], sizes = [1, 384], strides = [1, 1]} : vector<1x1536xf32> to vector<1x384xf32>
      %get3A_1026 = arith.constant 0 : index
      %get3A_1027 = arith.constant 0 : index
      %get3A_1028 = vector.load %arg20[%get3A_1026, %get3A_1027] : memref<384x128xf32, #tpu.memory_space<vmem>>, vector<384x128xf32>
      %dot_general3A_1029 = arith.constant dense<0.000000e+00> : vector<1x384xf32>
      %dot_general3A_1030 = tpu.matmul %mul3A_1024, %get3A_1028, %dot_general3A_1029 {dimension_numbers = #tpu.dot_dimension_numbers<[1], [1], [0], [0], [0, 0, 1, 0], [], []>, transpose_lhs_hint = false} : vector<1x128xf32>, vector<384x128xf32>, vector<1x384xf32> -> vector<1x384xf32>
      %get3A_1031 = arith.constant 0 : index
      %get3A_1032 = arith.constant 1152 : index
      %get3A_1033 = vector.load %arg21[%get3A_1031, %get3A_1032] : memref<1x1536xf32, #tpu.memory_space<vmem>>, vector<1x384xf32>
      %add3A_1034 = arith.addf %dot_general3A_1030, %get3A_1033 : vector<1x384xf32>
      %slice3A_1035 = vector.extract_strided_slice %slice3A_1025 {offsets = [0, 0], sizes = [1, 128], strides = [1, 1]} : vector<1x384xf32> to vector<1x128xf32>
      %slice3A_1036 = vector.extract_strided_slice %add3A_1034 {offsets = [0, 0], sizes = [1, 128], strides = [1, 1]} : vector<1x384xf32> to vector<1x128xf32>
      %add3A_1037 = arith.addf %slice3A_1035, %slice3A_1036 : vector<1x128xf32>
      %logistic3A_1038 = arith.negf %add3A_1037 : vector<1x128xf32>
      %logistic3A_1039 = math.exp %logistic3A_1038 : vector<1x128xf32>
      %logistic3A_1040 = arith.constant 1.000000e+00 : f32
      %logistic3A_1041 = vector.broadcast %logistic3A_1040 : f32 to vector<1x128xf32>
      %logistic3A_1042 = arith.addf %logistic3A_1041, %logistic3A_1039 : vector<1x128xf32>
      %logistic3A_1043 = arith.divf %logistic3A_1041, %logistic3A_1042 : vector<1x128xf32>
      %slice3A_1044 = vector.extract_strided_slice %slice3A_1025 {offsets = [0, 128], sizes = [1, 128], strides = [1, 1]} : vector<1x384xf32> to vector<1x128xf32>
      %slice3A_1045 = vector.extract_strided_slice %add3A_1034 {offsets = [0, 128], sizes = [1, 128], strides = [1, 1]} : vector<1x384xf32> to vector<1x128xf32>
      %add3A_1046 = arith.addf %slice3A_1044, %slice3A_1045 : vector<1x128xf32>
      %logistic3A_1047 = arith.negf %add3A_1046 : vector<1x128xf32>
      %logistic3A_1048 = math.exp %logistic3A_1047 : vector<1x128xf32>
      %logistic3A_1049 = arith.constant 1.000000e+00 : f32
      %logistic3A_1050 = vector.broadcast %logistic3A_1049 : f32 to vector<1x128xf32>
      %logistic3A_1051 = arith.addf %logistic3A_1050, %logistic3A_1048 : vector<1x128xf32>
      %logistic3A_1052 = arith.divf %logistic3A_1050, %logistic3A_1051 : vector<1x128xf32>
      %slice3A_1053 = vector.extract_strided_slice %slice3A_1025 {offsets = [0, 256], sizes = [1, 128], strides = [1, 1]} : vector<1x384xf32> to vector<1x128xf32>
      %slice3A_1054 = vector.extract_strided_slice %add3A_1034 {offsets = [0, 256], sizes = [1, 128], strides = [1, 1]} : vector<1x384xf32> to vector<1x128xf32>
      %mul3A_1055 = arith.mulf %logistic3A_1043, %slice3A_1054 : vector<1x128xf32>
      %add3A_1056 = arith.addf %slice3A_1053, %mul3A_1055 : vector<1x128xf32>
      %tanh3A_1057 = math.tanh %add3A_1056 : vector<1x128xf32>
      %sub3A_1058 = arith.constant 1.000000e+00 : f32
      %sub3A_1059 = vector.broadcast %sub3A_1058 : f32 to vector<1x128xf32>
      %sub3A_1060 = arith.subf %sub3A_1059, %logistic3A_1052 : vector<1x128xf32>
      %mul3A_1061 = arith.mulf %sub3A_1060, %tanh3A_1057 : vector<1x128xf32>
      %mul3A_1062 = arith.mulf %logistic3A_1052, %mul3A_1024 : vector<1x128xf32>
      %add3A_1063 = arith.addf %mul3A_1061, %mul3A_1062 : vector<1x128xf32>
      %swap3A_1064 = arith.index_cast %scan3A_871 : i32 to index
      %swap3A_1065 = arith.constant 0 : index
      %swap3A_1066 = vector.load %arg43[%swap3A_1064, %swap3A_1065] : memref<128x128xf32, #tpu.memory_space<vmem>>, vector<1x128xf32>
      tpu.vector_store %arg43[%swap3A_1064, %swap3A_1065], %add3A_1063 {strides = array<i32>} : memref<128x128xf32, #tpu.memory_space<vmem>>, vector<1x128xf32>,
      %scan3A_1067 = arith.constant 1 : i32
      %scan3A_1068 = arith.addi %scan3A_871, %scan3A_1067 : i32
      %get3A_1069 = arith.index_cast %scan3A_1068 : i32 to index
      %get3A_1070 = arith.constant 0 : index
      %get3A_1071 = vector.load %arg39[%get3A_1069, %get3A_1070] : memref<128x512xf32, #tpu.memory_space<vmem>>, vector<1x512xf32>
      %get3A_1072 = arith.index_cast %scan3A_1068 : i32 to index
      %get3A_1073 = arith.constant 0 : index
      %get3A_1074 = vector.load %arg45[%get3A_1072, %get3A_1073] : memref<128x1536xf32, #tpu.memory_space<vmem>>, vector<1x1536xf32>
      %slice3A_1075 = vector.extract_strided_slice %get3A_1071 {offsets = [0, 0], sizes = [1, 128], strides = [1, 1]} : vector<1x512xf32> to vector<1x128xf32>
      %sub3A_1076 = arith.constant 1.000000e+00 : f32
      %sub3A_1077 = vector.broadcast %sub3A_1076 : f32 to vector<1x128xf32>
      %sub3A_1078 = arith.subf %sub3A_1077, %slice3A_1075 : vector<1x128xf32>
      %mul3A_1079 = arith.mulf %add3A_922, %sub3A_1078 : vector<1x128xf32>
      %slice3A_1080 = vector.extract_strided_slice %get3A_1074 {offsets = [0, 0], sizes = [1, 384], strides = [1, 1]} : vector<1x1536xf32> to vector<1x384xf32>
      %get3A_1081 = arith.constant 0 : index
      %get3A_1082 = arith.constant 0 : index
      %get3A_1083 = vector.load %arg17[%get3A_1081, %get3A_1082] : memref<384x128xf32, #tpu.memory_space<vmem>>, vector<384x128xf32>
      %dot_general3A_1084 = arith.constant dense<0.000000e+00> : vector<1x384xf32>
      %dot_general3A_1085 = tpu.matmul %mul3A_1079, %get3A_1083, %dot_general3A_1084 {dimension_numbers = #tpu.dot_dimension_numbers<[1], [1], [0], [0], [0, 0, 1, 0], [], []>, transpose_lhs_hint = false} : vector<1x128xf32>, vector<384x128xf32>, vector<1x384xf32> -> vector<1x384xf32>
      %get3A_1086 = arith.constant 0 : index
      %get3A_1087 = arith.constant 0 : index
      %get3A_1088 = vector.load %arg21[%get3A_1086, %get3A_1087] : memref<1x1536xf32, #tpu.memory_space<vmem>>, vector<1x384xf32>
      %add3A_1089 = arith.addf %dot_general3A_1085, %get3A_1088 : vector<1x384xf32>
      %slice3A_1090 = vector.extract_strided_slice %slice3A_1080 {offsets = [0, 0], sizes = [1, 128], strides = [1, 1]} : vector<1x384xf32> to vector<1x128xf32>
      %slice3A_1091 = vector.extract_strided_slice %add3A_1089 {offsets = [0, 0], sizes = [1, 128], strides = [1, 1]} : vector<1x384xf32> to vector<1x128xf32>
      %add3A_1092 = arith.addf %slice3A_1090, %slice3A_1091 : vector<1x128xf32>
      %logistic3A_1093 = arith.negf %add3A_1092 : vector<1x128xf32>
      %logistic3A_1094 = math.exp %logistic3A_1093 : vector<1x128xf32>
      %logistic3A_1095 = arith.constant 1.000000e+00 : f32
      %logistic3A_1096 = vector.broadcast %logistic3A_1095 : f32 to vector<1x128xf32>
      %logistic3A_1097 = arith.addf %logistic3A_1096, %logistic3A_1094 : vector<1x128xf32>
      %logistic3A_1098 = arith.divf %logistic3A_1096, %logistic3A_1097 : vector<1x128xf32>
      %slice3A_1099 = vector.extract_strided_slice %slice3A_1080 {offsets = [0, 128], sizes = [1, 128], strides = [1, 1]} : vector<1x384xf32> to vector<1x128xf32>
      %slice3A_1100 = vector.extract_strided_slice %add3A_1089 {offsets = [0, 128], sizes = [1, 128], strides = [1, 1]} : vector<1x384xf32> to vector<1x128xf32>
      %add3A_1101 = arith.addf %slice3A_1099, %slice3A_1100 : vector<1x128xf32>
      %logistic3A_1102 = arith.negf %add3A_1101 : vector<1x128xf32>
      %logistic3A_1103 = math.exp %logistic3A_1102 : vector<1x128xf32>
      %logistic3A_1104 = arith.constant 1.000000e+00 : f32
      %logistic3A_1105 = vector.broadcast %logistic3A_1104 : f32 to vector<1x128xf32>
      %logistic3A_1106 = arith.addf %logistic3A_1105, %logistic3A_1103 : vector<1x128xf32>
      %logistic3A_1107 = arith.divf %logistic3A_1105, %logistic3A_1106 : vector<1x128xf32>
      %slice3A_1108 = vector.extract_strided_slice %slice3A_1080 {offsets = [0, 256], sizes = [1, 128], strides = [1, 1]} : vector<1x384xf32> to vector<1x128xf32>
      %slice3A_1109 = vector.extract_strided_slice %add3A_1089 {offsets = [0, 256], sizes = [1, 128], strides = [1, 1]} : vector<1x384xf32> to vector<1x128xf32>
      %mul3A_1110 = arith.mulf %logistic3A_1098, %slice3A_1109 : vector<1x128xf32>
      %add3A_1111 = arith.addf %slice3A_1108, %mul3A_1110 : vector<1x128xf32>
      %tanh3A_1112 = math.tanh %add3A_1111 : vector<1x128xf32>
      %sub3A_1113 = arith.constant 1.000000e+00 : f32
      %sub3A_1114 = vector.broadcast %sub3A_1113 : f32 to vector<1x128xf32>
      %sub3A_1115 = arith.subf %sub3A_1114, %logistic3A_1107 : vector<1x128xf32>
      %mul3A_1116 = arith.mulf %sub3A_1115, %tanh3A_1112 : vector<1x128xf32>
      %mul3A_1117 = arith.mulf %logistic3A_1107, %mul3A_1079 : vector<1x128xf32>
      %add3A_1118 = arith.addf %mul3A_1116, %mul3A_1117 : vector<1x128xf32>
      %swap3A_1119 = arith.index_cast %scan3A_1068 : i32 to index
      %swap3A_1120 = arith.constant 0 : index
      %swap3A_1121 = vector.load %arg40[%swap3A_1119, %swap3A_1120] : memref<128x128xf32, #tpu.memory_space<vmem>>, vector<1x128xf32>
      tpu.vector_store %arg40[%swap3A_1119, %swap3A_1120], %add3A_1118 {strides = array<i32>} : memref<128x128xf32, #tpu.memory_space<vmem>>, vector<1x128xf32>,
      %slice3A_1122 = vector.extract_strided_slice %get3A_1071 {offsets = [0, 128], sizes = [1, 128], strides = [1, 1]} : vector<1x512xf32> to vector<1x128xf32>
      %sub3A_1123 = arith.constant 1.000000e+00 : f32
      %sub3A_1124 = vector.broadcast %sub3A_1123 : f32 to vector<1x128xf32>
      %sub3A_1125 = arith.subf %sub3A_1124, %slice3A_1122 : vector<1x128xf32>
      %mul3A_1126 = arith.mulf %add3A_969, %sub3A_1125 : vector<1x128xf32>
      %slice3A_1127 = vector.extract_strided_slice %get3A_1074 {offsets = [0, 384], sizes = [1, 384], strides = [1, 1]} : vector<1x1536xf32> to vector<1x384xf32>
      %get3A_1128 = arith.constant 0 : index
      %get3A_1129 = arith.constant 0 : index
      %get3A_1130 = vector.load %arg18[%get3A_1128, %get3A_1129] : memref<384x128xf32, #tpu.memory_space<vmem>>, vector<384x128xf32>
      %dot_general3A_1131 = arith.constant dense<0.000000e+00> : vector<1x384xf32>
      %dot_general3A_1132 = tpu.matmul %mul3A_1126, %get3A_1130, %dot_general3A_1131 {dimension_numbers = #tpu.dot_dimension_numbers<[1], [1], [0], [0], [0, 0, 1, 0], [], []>, transpose_lhs_hint = false} : vector<1x128xf32>, vector<384x128xf32>, vector<1x384xf32> -> vector<1x384xf32>
      %get3A_1133 = arith.constant 0 : index
      %get3A_1134 = arith.constant 384 : index
      %get3A_1135 = vector.load %arg21[%get3A_1133, %get3A_1134] : memref<1x1536xf32, #tpu.memory_space<vmem>>, vector<1x384xf32>
      %add3A_1136 = arith.addf %dot_general3A_1132, %get3A_1135 : vector<1x384xf32>
      %slice3A_1137 = vector.extract_strided_slice %slice3A_1127 {offsets = [0, 0], sizes = [1, 128], strides = [1, 1]} : vector<1x384xf32> to vector<1x128xf32>
      %slice3A_1138 = vector.extract_strided_slice %add3A_1136 {offsets = [0, 0], sizes = [1, 128], strides = [1, 1]} : vector<1x384xf32> to vector<1x128xf32>
      %add3A_1139 = arith.addf %slice3A_1137, %slice3A_1138 : vector<1x128xf32>
      %logistic3A_1140 = arith.negf %add3A_1139 : vector<1x128xf32>
      %logistic3A_1141 = math.exp %logistic3A_1140 : vector<1x128xf32>
      %logistic3A_1142 = arith.constant 1.000000e+00 : f32
      %logistic3A_1143 = vector.broadcast %logistic3A_1142 : f32 to vector<1x128xf32>
      %logistic3A_1144 = arith.addf %logistic3A_1143, %logistic3A_1141 : vector<1x128xf32>
      %logistic3A_1145 = arith.divf %logistic3A_1143, %logistic3A_1144 : vector<1x128xf32>
      %slice3A_1146 = vector.extract_strided_slice %slice3A_1127 {offsets = [0, 128], sizes = [1, 128], strides = [1, 1]} : vector<1x384xf32> to vector<1x128xf32>
      %slice3A_1147 = vector.extract_strided_slice %add3A_1136 {offsets = [0, 128], sizes = [1, 128], strides = [1, 1]} : vector<1x384xf32> to vector<1x128xf32>
      %add3A_1148 = arith.addf %slice3A_1146, %slice3A_1147 : vector<1x128xf32>
      %logistic3A_1149 = arith.negf %add3A_1148 : vector<1x128xf32>
      %logistic3A_1150 = math.exp %logistic3A_1149 : vector<1x128xf32>
      %logistic3A_1151 = arith.constant 1.000000e+00 : f32
      %logistic3A_1152 = vector.broadcast %logistic3A_1151 : f32 to vector<1x128xf32>
      %logistic3A_1153 = arith.addf %logistic3A_1152, %logistic3A_1150 : vector<1x128xf32>
      %logistic3A_1154 = arith.divf %logistic3A_1152, %logistic3A_1153 : vector<1x128xf32>
      %slice3A_1155 = vector.extract_strided_slice %slice3A_1127 {offsets = [0, 256], sizes = [1, 128], strides = [1, 1]} : vector<1x384xf32> to vector<1x128xf32>
      %slice3A_1156 = vector.extract_strided_slice %add3A_1136 {offsets = [0, 256], sizes = [1, 128], strides = [1, 1]} : vector<1x384xf32> to vector<1x128xf32>
      %mul3A_1157 = arith.mulf %logistic3A_1145, %slice3A_1156 : vector<1x128xf32>
      %add3A_1158 = arith.addf %slice3A_1155, %mul3A_1157 : vector<1x128xf32>
      %tanh3A_1159 = math.tanh %add3A_1158 : vector<1x128xf32>
      %sub3A_1160 = arith.constant 1.000000e+00 : f32
      %sub3A_1161 = vector.broadcast %sub3A_1160 : f32 to vector<1x128xf32>
      %sub3A_1162 = arith.subf %sub3A_1161, %logistic3A_1154 : vector<1x128xf32>
      %mul3A_1163 = arith.mulf %sub3A_1162, %tanh3A_1159 : vector<1x128xf32>
      %mul3A_1164 = arith.mulf %logistic3A_1154, %mul3A_1126 : vector<1x128xf32>
      %add3A_1165 = arith.addf %mul3A_1163, %mul3A_1164 : vector<1x128xf32>
      %swap3A_1166 = arith.index_cast %scan3A_1068 : i32 to index
      %swap3A_1167 = arith.constant 0 : index
      %swap3A_1168 = vector.load %arg41[%swap3A_1166, %swap3A_1167] : memref<128x128xf32, #tpu.memory_space<vmem>>, vector<1x128xf32>
      tpu.vector_store %arg41[%swap3A_1166, %swap3A_1167], %add3A_1165 {strides = array<i32>} : memref<128x128xf32, #tpu.memory_space<vmem>>, vector<1x128xf32>,
      %slice3A_1169 = vector.extract_strided_slice %get3A_1071 {offsets = [0, 256], sizes = [1, 128], strides = [1, 1]} : vector<1x512xf32> to vector<1x128xf32>
      %sub3A_1170 = arith.constant 1.000000e+00 : f32
      %sub3A_1171 = vector.broadcast %sub3A_1170 : f32 to vector<1x128xf32>
      %sub3A_1172 = arith.subf %sub3A_1171, %slice3A_1169 : vector<1x128xf32>
      %mul3A_1173 = arith.mulf %add3A_1016, %sub3A_1172 : vector<1x128xf32>
      %slice3A_1174 = vector.extract_strided_slice %get3A_1074 {offsets = [0, 768], sizes = [1, 384], strides = [1, 1]} : vector<1x1536xf32> to vector<1x384xf32>
      %get3A_1175 = arith.constant 0 : index
      %get3A_1176 = arith.constant 0 : index
      %get3A_1177 = vector.load %arg19[%get3A_1175, %get3A_1176] : memref<384x128xf32, #tpu.memory_space<vmem>>, vector<384x128xf32>
      %dot_general3A_1178 = arith.constant dense<0.000000e+00> : vector<1x384xf32>
      %dot_general3A_1179 = tpu.matmul %mul3A_1173, %get3A_1177, %dot_general3A_1178 {dimension_numbers = #tpu.dot_dimension_numbers<[1], [1], [0], [0], [0, 0, 1, 0], [], []>, transpose_lhs_hint = false} : vector<1x128xf32>, vector<384x128xf32>, vector<1x384xf32> -> vector<1x384xf32>
      %get3A_1180 = arith.constant 0 : index
      %get3A_1181 = arith.constant 768 : index
      %get3A_1182 = vector.load %arg21[%get3A_1180, %get3A_1181] : memref<1x1536xf32, #tpu.memory_space<vmem>>, vector<1x384xf32>
      %add3A_1183 = arith.addf %dot_general3A_1179, %get3A_1182 : vector<1x384xf32>
      %slice3A_1184 = vector.extract_strided_slice %slice3A_1174 {offsets = [0, 0], sizes = [1, 128], strides = [1, 1]} : vector<1x384xf32> to vector<1x128xf32>
      %slice3A_1185 = vector.extract_strided_slice %add3A_1183 {offsets = [0, 0], sizes = [1, 128], strides = [1, 1]} : vector<1x384xf32> to vector<1x128xf32>
      %add3A_1186 = arith.addf %slice3A_1184, %slice3A_1185 : vector<1x128xf32>
      %logistic3A_1187 = arith.negf %add3A_1186 : vector<1x128xf32>
      %logistic3A_1188 = math.exp %logistic3A_1187 : vector<1x128xf32>
      %logistic3A_1189 = arith.constant 1.000000e+00 : f32
      %logistic3A_1190 = vector.broadcast %logistic3A_1189 : f32 to vector<1x128xf32>
      %logistic3A_1191 = arith.addf %logistic3A_1190, %logistic3A_1188 : vector<1x128xf32>
      %logistic3A_1192 = arith.divf %logistic3A_1190, %logistic3A_1191 : vector<1x128xf32>
      %slice3A_1193 = vector.extract_strided_slice %slice3A_1174 {offsets = [0, 128], sizes = [1, 128], strides = [1, 1]} : vector<1x384xf32> to vector<1x128xf32>
      %slice3A_1194 = vector.extract_strided_slice %add3A_1183 {offsets = [0, 128], sizes = [1, 128], strides = [1, 1]} : vector<1x384xf32> to vector<1x128xf32>
      %add3A_1195 = arith.addf %slice3A_1193, %slice3A_1194 : vector<1x128xf32>
      %logistic3A_1196 = arith.negf %add3A_1195 : vector<1x128xf32>
      %logistic3A_1197 = math.exp %logistic3A_1196 : vector<1x128xf32>
      %logistic3A_1198 = arith.constant 1.000000e+00 : f32
      %logistic3A_1199 = vector.broadcast %logistic3A_1198 : f32 to vector<1x128xf32>
      %logistic3A_1200 = arith.addf %logistic3A_1199, %logistic3A_1197 : vector<1x128xf32>
      %logistic3A_1201 = arith.divf %logistic3A_1199, %logistic3A_1200 : vector<1x128xf32>
      %slice3A_1202 = vector.extract_strided_slice %slice3A_1174 {offsets = [0, 256], sizes = [1, 128], strides = [1, 1]} : vector<1x384xf32> to vector<1x128xf32>
      %slice3A_1203 = vector.extract_strided_slice %add3A_1183 {offsets = [0, 256], sizes = [1, 128], strides = [1, 1]} : vector<1x384xf32> to vector<1x128xf32>
      %mul3A_1204 = arith.mulf %logistic3A_1192, %slice3A_1203 : vector<1x128xf32>
      %add3A_1205 = arith.addf %slice3A_1202, %mul3A_1204 : vector<1x128xf32>
      %tanh3A_1206 = math.tanh %add3A_1205 : vector<1x128xf32>
      %sub3A_1207 = arith.constant 1.000000e+00 : f32
      %sub3A_1208 = vector.broadcast %sub3A_1207 : f32 to vector<1x128xf32>
      %sub3A_1209 = arith.subf %sub3A_1208, %logistic3A_1201 : vector<1x128xf32>
      %mul3A_1210 = arith.mulf %sub3A_1209, %tanh3A_1206 : vector<1x128xf32>
      %mul3A_1211 = arith.mulf %logistic3A_1201, %mul3A_1173 : vector<1x128xf32>
      %add3A_1212 = arith.addf %mul3A_1210, %mul3A_1211 : vector<1x128xf32>
      %swap3A_1213 = arith.index_cast %scan3A_1068 : i32 to index
      %swap3A_1214 = arith.constant 0 : index
      %swap3A_1215 = vector.load %arg42[%swap3A_1213, %swap3A_1214] : memref<128x128xf32, #tpu.memory_space<vmem>>, vector<1x128xf32>
      tpu.vector_store %arg42[%swap3A_1213, %swap3A_1214], %add3A_1212 {strides = array<i32>} : memref<128x128xf32, #tpu.memory_space<vmem>>, vector<1x128xf32>,
      %slice3A_1216 = vector.extract_strided_slice %get3A_1071 {offsets = [0, 384], sizes = [1, 128], strides = [1, 1]} : vector<1x512xf32> to vector<1x128xf32>
      %sub3A_1217 = arith.constant 1.000000e+00 : f32
      %sub3A_1218 = vector.broadcast %sub3A_1217 : f32 to vector<1x128xf32>
      %sub3A_1219 = arith.subf %sub3A_1218, %slice3A_1216 : vector<1x128xf32>
      %mul3A_1220 = arith.mulf %add3A_1063, %sub3A_1219 : vector<1x128xf32>
      %slice3A_1221 = vector.extract_strided_slice %get3A_1074 {offsets = [0, 1152], sizes = [1, 384], strides = [1, 1]} : vector<1x1536xf32> to vector<1x384xf32>
      %get3A_1222 = arith.constant 0 : index
      %get3A_1223 = arith.constant 0 : index
      %get3A_1224 = vector.load %arg20[%get3A_1222, %get3A_1223] : memref<384x128xf32, #tpu.memory_space<vmem>>, vector<384x128xf32>
      %dot_general3A_1225 = arith.constant dense<0.000000e+00> : vector<1x384xf32>
      %dot_general3A_1226 = tpu.matmul %mul3A_1220, %get3A_1224, %dot_general3A_1225 {dimension_numbers = #tpu.dot_dimension_numbers<[1], [1], [0], [0], [0, 0, 1, 0], [], []>, transpose_lhs_hint = false} : vector<1x128xf32>, vector<384x128xf32>, vector<1x384xf32> -> vector<1x384xf32>
      %get3A_1227 = arith.constant 0 : index
      %get3A_1228 = arith.constant 1152 : index
      %get3A_1229 = vector.load %arg21[%get3A_1227, %get3A_1228] : memref<1x1536xf32, #tpu.memory_space<vmem>>, vector<1x384xf32>
      %add3A_1230 = arith.addf %dot_general3A_1226, %get3A_1229 : vector<1x384xf32>
      %slice3A_1231 = vector.extract_strided_slice %slice3A_1221 {offsets = [0, 0], sizes = [1, 128], strides = [1, 1]} : vector<1x384xf32> to vector<1x128xf32>
      %slice3A_1232 = vector.extract_strided_slice %add3A_1230 {offsets = [0, 0], sizes = [1, 128], strides = [1, 1]} : vector<1x384xf32> to vector<1x128xf32>
      %add3A_1233 = arith.addf %slice3A_1231, %slice3A_1232 : vector<1x128xf32>
      %logistic3A_1234 = arith.negf %add3A_1233 : vector<1x128xf32>
      %logistic3A_1235 = math.exp %logistic3A_1234 : vector<1x128xf32>
      %logistic3A_1236 = arith.constant 1.000000e+00 : f32
      %logistic3A_1237 = vector.broadcast %logistic3A_1236 : f32 to vector<1x128xf32>
      %logistic3A_1238 = arith.addf %logistic3A_1237, %logistic3A_1235 : vector<1x128xf32>
      %logistic3A_1239 = arith.divf %logistic3A_1237, %logistic3A_1238 : vector<1x128xf32>
      %slice3A_1240 = vector.extract_strided_slice %slice3A_1221 {offsets = [0, 128], sizes = [1, 128], strides = [1, 1]} : vector<1x384xf32> to vector<1x128xf32>
      %slice3A_1241 = vector.extract_strided_slice %add3A_1230 {offsets = [0, 128], sizes = [1, 128], strides = [1, 1]} : vector<1x384xf32> to vector<1x128xf32>
      %add3A_1242 = arith.addf %slice3A_1240, %slice3A_1241 : vector<1x128xf32>
      %logistic3A_1243 = arith.negf %add3A_1242 : vector<1x128xf32>
      %logistic3A_1244 = math.exp %logistic3A_1243 : vector<1x128xf32>
      %logistic3A_1245 = arith.constant 1.000000e+00 : f32
      %logistic3A_1246 = vector.broadcast %logistic3A_1245 : f32 to vector<1x128xf32>
      %logistic3A_1247 = arith.addf %logistic3A_1246, %logistic3A_1244 : vector<1x128xf32>
      %logistic3A_1248 = arith.divf %logistic3A_1246, %logistic3A_1247 : vector<1x128xf32>
      %slice3A_1249 = vector.extract_strided_slice %slice3A_1221 {offsets = [0, 256], sizes = [1, 128], strides = [1, 1]} : vector<1x384xf32> to vector<1x128xf32>
      %slice3A_1250 = vector.extract_strided_slice %add3A_1230 {offsets = [0, 256], sizes = [1, 128], strides = [1, 1]} : vector<1x384xf32> to vector<1x128xf32>
      %mul3A_1251 = arith.mulf %logistic3A_1239, %slice3A_1250 : vector<1x128xf32>
      %add3A_1252 = arith.addf %slice3A_1249, %mul3A_1251 : vector<1x128xf32>
      %tanh3A_1253 = math.tanh %add3A_1252 : vector<1x128xf32>
      %sub3A_1254 = arith.constant 1.000000e+00 : f32
      %sub3A_1255 = vector.broadcast %sub3A_1254 : f32 to vector<1x128xf32>
      %sub3A_1256 = arith.subf %sub3A_1255, %logistic3A_1248 : vector<1x128xf32>
      %mul3A_1257 = arith.mulf %sub3A_1256, %tanh3A_1253 : vector<1x128xf32>
      %mul3A_1258 = arith.mulf %logistic3A_1248, %mul3A_1220 : vector<1x128xf32>
      %add3A_1259 = arith.addf %mul3A_1257, %mul3A_1258 : vector<1x128xf32>
      %swap3A_1260 = arith.index_cast %scan3A_1068 : i32 to index
      %swap3A_1261 = arith.constant 0 : index
      %swap3A_1262 = vector.load %arg43[%swap3A_1260, %swap3A_1261] : memref<128x128xf32, #tpu.memory_space<vmem>>, vector<1x128xf32>
      tpu.vector_store %arg43[%swap3A_1260, %swap3A_1261], %add3A_1259 {strides = array<i32>} : memref<128x128xf32, #tpu.memory_space<vmem>>, vector<1x128xf32>,
      %scan3A_1263 = arith.constant 2 : i32
      %scan3A_1264 = arith.addi %scan3A_871, %scan3A_1263 : i32
      %get3A_1265 = arith.index_cast %scan3A_1264 : i32 to index
      %get3A_1266 = arith.constant 0 : index
      %get3A_1267 = vector.load %arg39[%get3A_1265, %get3A_1266] : memref<128x512xf32, #tpu.memory_space<vmem>>, vector<1x512xf32>
      %get3A_1268 = arith.index_cast %scan3A_1264 : i32 to index
      %get3A_1269 = arith.constant 0 : index
      %get3A_1270 = vector.load %arg45[%get3A_1268, %get3A_1269] : memref<128x1536xf32, #tpu.memory_space<vmem>>, vector<1x1536xf32>
      %slice3A_1271 = vector.extract_strided_slice %get3A_1267 {offsets = [0, 0], sizes = [1, 128], strides = [1, 1]} : vector<1x512xf32> to vector<1x128xf32>
      %sub3A_1272 = arith.constant 1.000000e+00 : f32
      %sub3A_1273 = vector.broadcast %sub3A_1272 : f32 to vector<1x128xf32>
      %sub3A_1274 = arith.subf %sub3A_1273, %slice3A_1271 : vector<1x128xf32>
      %mul3A_1275 = arith.mulf %add3A_1118, %sub3A_1274 : vector<1x128xf32>
      %slice3A_1276 = vector.extract_strided_slice %get3A_1270 {offsets = [0, 0], sizes = [1, 384], strides = [1, 1]} : vector<1x1536xf32> to vector<1x384xf32>
      %get3A_1277 = arith.constant 0 : index
      %get3A_1278 = arith.constant 0 : index
      %get3A_1279 = vector.load %arg17[%get3A_1277, %get3A_1278] : memref<384x128xf32, #tpu.memory_space<vmem>>, vector<384x128xf32>
      %dot_general3A_1280 = arith.constant dense<0.000000e+00> : vector<1x384xf32>
      %dot_general3A_1281 = tpu.matmul %mul3A_1275, %get3A_1279, %dot_general3A_1280 {dimension_numbers = #tpu.dot_dimension_numbers<[1], [1], [0], [0], [0, 0, 1, 0], [], []>, transpose_lhs_hint = false} : vector<1x128xf32>, vector<384x128xf32>, vector<1x384xf32> -> vector<1x384xf32>
      %get3A_1282 = arith.constant 0 : index
      %get3A_1283 = arith.constant 0 : index
      %get3A_1284 = vector.load %arg21[%get3A_1282, %get3A_1283] : memref<1x1536xf32, #tpu.memory_space<vmem>>, vector<1x384xf32>
      %add3A_1285 = arith.addf %dot_general3A_1281, %get3A_1284 : vector<1x384xf32>
      %slice3A_1286 = vector.extract_strided_slice %slice3A_1276 {offsets = [0, 0], sizes = [1, 128], strides = [1, 1]} : vector<1x384xf32> to vector<1x128xf32>
      %slice3A_1287 = vector.extract_strided_slice %add3A_1285 {offsets = [0, 0], sizes = [1, 128], strides = [1, 1]} : vector<1x384xf32> to vector<1x128xf32>
      %add3A_1288 = arith.addf %slice3A_1286, %slice3A_1287 : vector<1x128xf32>
      %logistic3A_1289 = arith.negf %add3A_1288 : vector<1x128xf32>
      %logistic3A_1290 = math.exp %logistic3A_1289 : vector<1x128xf32>
      %logistic3A_1291 = arith.constant 1.000000e+00 : f32
      %logistic3A_1292 = vector.broadcast %logistic3A_1291 : f32 to vector<1x128xf32>
      %logistic3A_1293 = arith.addf %logistic3A_1292, %logistic3A_1290 : vector<1x128xf32>
      %logistic3A_1294 = arith.divf %logistic3A_1292, %logistic3A_1293 : vector<1x128xf32>
      %slice3A_1295 = vector.extract_strided_slice %slice3A_1276 {offsets = [0, 128], sizes = [1, 128], strides = [1, 1]} : vector<1x384xf32> to vector<1x128xf32>
      %slice3A_1296 = vector.extract_strided_slice %add3A_1285 {offsets = [0, 128], sizes = [1, 128], strides = [1, 1]} : vector<1x384xf32> to vector<1x128xf32>
      %add3A_1297 = arith.addf %slice3A_1295, %slice3A_1296 : vector<1x128xf32>
      %logistic3A_1298 = arith.negf %add3A_1297 : vector<1x128xf32>
      %logistic3A_1299 = math.exp %logistic3A_1298 : vector<1x128xf32>
      %logistic3A_1300 = arith.constant 1.000000e+00 : f32
      %logistic3A_1301 = vector.broadcast %logistic3A_1300 : f32 to vector<1x128xf32>
      %logistic3A_1302 = arith.addf %logistic3A_1301, %logistic3A_1299 : vector<1x128xf32>
      %logistic3A_1303 = arith.divf %logistic3A_1301, %logistic3A_1302 : vector<1x128xf32>
      %slice3A_1304 = vector.extract_strided_slice %slice3A_1276 {offsets = [0, 256], sizes = [1, 128], strides = [1, 1]} : vector<1x384xf32> to vector<1x128xf32>
      %slice3A_1305 = vector.extract_strided_slice %add3A_1285 {offsets = [0, 256], sizes = [1, 128], strides = [1, 1]} : vector<1x384xf32> to vector<1x128xf32>
      %mul3A_1306 = arith.mulf %logistic3A_1294, %slice3A_1305 : vector<1x128xf32>
      %add3A_1307 = arith.addf %slice3A_1304, %mul3A_1306 : vector<1x128xf32>
      %tanh3A_1308 = math.tanh %add3A_1307 : vector<1x128xf32>
      %sub3A_1309 = arith.constant 1.000000e+00 : f32
      %sub3A_1310 = vector.broadcast %sub3A_1309 : f32 to vector<1x128xf32>
      %sub3A_1311 = arith.subf %sub3A_1310, %logistic3A_1303 : vector<1x128xf32>
      %mul3A_1312 = arith.mulf %sub3A_1311, %tanh3A_1308 : vector<1x128xf32>
      %mul3A_1313 = arith.mulf %logistic3A_1303, %mul3A_1275 : vector<1x128xf32>
      %add3A_1314 = arith.addf %mul3A_1312, %mul3A_1313 : vector<1x128xf32>
      %swap3A_1315 = arith.index_cast %scan3A_1264 : i32 to index
      %swap3A_1316 = arith.constant 0 : index
      %swap3A_1317 = vector.load %arg40[%swap3A_1315, %swap3A_1316] : memref<128x128xf32, #tpu.memory_space<vmem>>, vector<1x128xf32>
      tpu.vector_store %arg40[%swap3A_1315, %swap3A_1316], %add3A_1314 {strides = array<i32>} : memref<128x128xf32, #tpu.memory_space<vmem>>, vector<1x128xf32>,
      %slice3A_1318 = vector.extract_strided_slice %get3A_1267 {offsets = [0, 128], sizes = [1, 128], strides = [1, 1]} : vector<1x512xf32> to vector<1x128xf32>
      %sub3A_1319 = arith.constant 1.000000e+00 : f32
      %sub3A_1320 = vector.broadcast %sub3A_1319 : f32 to vector<1x128xf32>
      %sub3A_1321 = arith.subf %sub3A_1320, %slice3A_1318 : vector<1x128xf32>
      %mul3A_1322 = arith.mulf %add3A_1165, %sub3A_1321 : vector<1x128xf32>
      %slice3A_1323 = vector.extract_strided_slice %get3A_1270 {offsets = [0, 384], sizes = [1, 384], strides = [1, 1]} : vector<1x1536xf32> to vector<1x384xf32>
      %get3A_1324 = arith.constant 0 : index
      %get3A_1325 = arith.constant 0 : index
      %get3A_1326 = vector.load %arg18[%get3A_1324, %get3A_1325] : memref<384x128xf32, #tpu.memory_space<vmem>>, vector<384x128xf32>
      %dot_general3A_1327 = arith.constant dense<0.000000e+00> : vector<1x384xf32>
      %dot_general3A_1328 = tpu.matmul %mul3A_1322, %get3A_1326, %dot_general3A_1327 {dimension_numbers = #tpu.dot_dimension_numbers<[1], [1], [0], [0], [0, 0, 1, 0], [], []>, transpose_lhs_hint = false} : vector<1x128xf32>, vector<384x128xf32>, vector<1x384xf32> -> vector<1x384xf32>
      %get3A_1329 = arith.constant 0 : index
      %get3A_1330 = arith.constant 384 : index
      %get3A_1331 = vector.load %arg21[%get3A_1329, %get3A_1330] : memref<1x1536xf32, #tpu.memory_space<vmem>>, vector<1x384xf32>
      %add3A_1332 = arith.addf %dot_general3A_1328, %get3A_1331 : vector<1x384xf32>
      %slice3A_1333 = vector.extract_strided_slice %slice3A_1323 {offsets = [0, 0], sizes = [1, 128], strides = [1, 1]} : vector<1x384xf32> to vector<1x128xf32>
      %slice3A_1334 = vector.extract_strided_slice %add3A_1332 {offsets = [0, 0], sizes = [1, 128], strides = [1, 1]} : vector<1x384xf32> to vector<1x128xf32>
      %add3A_1335 = arith.addf %slice3A_1333, %slice3A_1334 : vector<1x128xf32>
      %logistic3A_1336 = arith.negf %add3A_1335 : vector<1x128xf32>
      %logistic3A_1337 = math.exp %logistic3A_1336 : vector<1x128xf32>
      %logistic3A_1338 = arith.constant 1.000000e+00 : f32
      %logistic3A_1339 = vector.broadcast %logistic3A_1338 : f32 to vector<1x128xf32>
      %logistic3A_1340 = arith.addf %logistic3A_1339, %logistic3A_1337 : vector<1x128xf32>
      %logistic3A_1341 = arith.divf %logistic3A_1339, %logistic3A_1340 : vector<1x128xf32>
      %slice3A_1342 = vector.extract_strided_slice %slice3A_1323 {offsets = [0, 128], sizes = [1, 128], strides = [1, 1]} : vector<1x384xf32> to vector<1x128xf32>
      %slice3A_1343 = vector.extract_strided_slice %add3A_1332 {offsets = [0, 128], sizes = [1, 128], strides = [1, 1]} : vector<1x384xf32> to vector<1x128xf32>
      %add3A_1344 = arith.addf %slice3A_1342, %slice3A_1343 : vector<1x128xf32>
      %logistic3A_1345 = arith.negf %add3A_1344 : vector<1x128xf32>
      %logistic3A_1346 = math.exp %logistic3A_1345 : vector<1x128xf32>
      %logistic3A_1347 = arith.constant 1.000000e+00 : f32
      %logistic3A_1348 = vector.broadcast %logistic3A_1347 : f32 to vector<1x128xf32>
      %logistic3A_1349 = arith.addf %logistic3A_1348, %logistic3A_1346 : vector<1x128xf32>
      %logistic3A_1350 = arith.divf %logistic3A_1348, %logistic3A_1349 : vector<1x128xf32>
      %slice3A_1351 = vector.extract_strided_slice %slice3A_1323 {offsets = [0, 256], sizes = [1, 128], strides = [1, 1]} : vector<1x384xf32> to vector<1x128xf32>
      %slice3A_1352 = vector.extract_strided_slice %add3A_1332 {offsets = [0, 256], sizes = [1, 128], strides = [1, 1]} : vector<1x384xf32> to vector<1x128xf32>
      %mul3A_1353 = arith.mulf %logistic3A_1341, %slice3A_1352 : vector<1x128xf32>
      %add3A_1354 = arith.addf %slice3A_1351, %mul3A_1353 : vector<1x128xf32>
      %tanh3A_1355 = math.tanh %add3A_1354 : vector<1x128xf32>
      %sub3A_1356 = arith.constant 1.000000e+00 : f32
      %sub3A_1357 = vector.broadcast %sub3A_1356 : f32 to vector<1x128xf32>
      %sub3A_1358 = arith.subf %sub3A_1357, %logistic3A_1350 : vector<1x128xf32>
      %mul3A_1359 = arith.mulf %sub3A_1358, %tanh3A_1355 : vector<1x128xf32>
      %mul3A_1360 = arith.mulf %logistic3A_1350, %mul3A_1322 : vector<1x128xf32>
      %add3A_1361 = arith.addf %mul3A_1359, %mul3A_1360 : vector<1x128xf32>
      %swap3A_1362 = arith.index_cast %scan3A_1264 : i32 to index
      %swap3A_1363 = arith.constant 0 : index
      %swap3A_1364 = vector.load %arg41[%swap3A_1362, %swap3A_1363] : memref<128x128xf32, #tpu.memory_space<vmem>>, vector<1x128xf32>
      tpu.vector_store %arg41[%swap3A_1362, %swap3A_1363], %add3A_1361 {strides = array<i32>} : memref<128x128xf32, #tpu.memory_space<vmem>>, vector<1x128xf32>,
      %slice3A_1365 = vector.extract_strided_slice %get3A_1267 {offsets = [0, 256], sizes = [1, 128], strides = [1, 1]} : vector<1x512xf32> to vector<1x128xf32>
      %sub3A_1366 = arith.constant 1.000000e+00 : f32
      %sub3A_1367 = vector.broadcast %sub3A_1366 : f32 to vector<1x128xf32>
      %sub3A_1368 = arith.subf %sub3A_1367, %slice3A_1365 : vector<1x128xf32>
      %mul3A_1369 = arith.mulf %add3A_1212, %sub3A_1368 : vector<1x128xf32>
      %slice3A_1370 = vector.extract_strided_slice %get3A_1270 {offsets = [0, 768], sizes = [1, 384], strides = [1, 1]} : vector<1x1536xf32> to vector<1x384xf32>
      %get3A_1371 = arith.constant 0 : index
      %get3A_1372 = arith.constant 0 : index
      %get3A_1373 = vector.load %arg19[%get3A_1371, %get3A_1372] : memref<384x128xf32, #tpu.memory_space<vmem>>, vector<384x128xf32>
      %dot_general3A_1374 = arith.constant dense<0.000000e+00> : vector<1x384xf32>
      %dot_general3A_1375 = tpu.matmul %mul3A_1369, %get3A_1373, %dot_general3A_1374 {dimension_numbers = #tpu.dot_dimension_numbers<[1], [1], [0], [0], [0, 0, 1, 0], [], []>, transpose_lhs_hint = false} : vector<1x128xf32>, vector<384x128xf32>, vector<1x384xf32> -> vector<1x384xf32>
      %get3A_1376 = arith.constant 0 : index
      %get3A_1377 = arith.constant 768 : index
      %get3A_1378 = vector.load %arg21[%get3A_1376, %get3A_1377] : memref<1x1536xf32, #tpu.memory_space<vmem>>, vector<1x384xf32>
      %add3A_1379 = arith.addf %dot_general3A_1375, %get3A_1378 : vector<1x384xf32>
      %slice3A_1380 = vector.extract_strided_slice %slice3A_1370 {offsets = [0, 0], sizes = [1, 128], strides = [1, 1]} : vector<1x384xf32> to vector<1x128xf32>
      %slice3A_1381 = vector.extract_strided_slice %add3A_1379 {offsets = [0, 0], sizes = [1, 128], strides = [1, 1]} : vector<1x384xf32> to vector<1x128xf32>
      %add3A_1382 = arith.addf %slice3A_1380, %slice3A_1381 : vector<1x128xf32>
      %logistic3A_1383 = arith.negf %add3A_1382 : vector<1x128xf32>
      %logistic3A_1384 = math.exp %logistic3A_1383 : vector<1x128xf32>
      %logistic3A_1385 = arith.constant 1.000000e+00 : f32
      %logistic3A_1386 = vector.broadcast %logistic3A_1385 : f32 to vector<1x128xf32>
      %logistic3A_1387 = arith.addf %logistic3A_1386, %logistic3A_1384 : vector<1x128xf32>
      %logistic3A_1388 = arith.divf %logistic3A_1386, %logistic3A_1387 : vector<1x128xf32>
      %slice3A_1389 = vector.extract_strided_slice %slice3A_1370 {offsets = [0, 128], sizes = [1, 128], strides = [1, 1]} : vector<1x384xf32> to vector<1x128xf32>
      %slice3A_1390 = vector.extract_strided_slice %add3A_1379 {offsets = [0, 128], sizes = [1, 128], strides = [1, 1]} : vector<1x384xf32> to vector<1x128xf32>
      %add3A_1391 = arith.addf %slice3A_1389, %slice3A_1390 : vector<1x128xf32>
      %logistic3A_1392 = arith.negf %add3A_1391 : vector<1x128xf32>
      %logistic3A_1393 = math.exp %logistic3A_1392 : vector<1x128xf32>
      %logistic3A_1394 = arith.constant 1.000000e+00 : f32
      %logistic3A_1395 = vector.broadcast %logistic3A_1394 : f32 to vector<1x128xf32>
      %logistic3A_1396 = arith.addf %logistic3A_1395, %logistic3A_1393 : vector<1x128xf32>
      %logistic3A_1397 = arith.divf %logistic3A_1395, %logistic3A_1396 : vector<1x128xf32>
      %slice3A_1398 = vector.extract_strided_slice %slice3A_1370 {offsets = [0, 256], sizes = [1, 128], strides = [1, 1]} : vector<1x384xf32> to vector<1x128xf32>
      %slice3A_1399 = vector.extract_strided_slice %add3A_1379 {offsets = [0, 256], sizes = [1, 128], strides = [1, 1]} : vector<1x384xf32> to vector<1x128xf32>
      %mul3A_1400 = arith.mulf %logistic3A_1388, %slice3A_1399 : vector<1x128xf32>
      %add3A_1401 = arith.addf %slice3A_1398, %mul3A_1400 : vector<1x128xf32>
      %tanh3A_1402 = math.tanh %add3A_1401 : vector<1x128xf32>
      %sub3A_1403 = arith.constant 1.000000e+00 : f32
      %sub3A_1404 = vector.broadcast %sub3A_1403 : f32 to vector<1x128xf32>
      %sub3A_1405 = arith.subf %sub3A_1404, %logistic3A_1397 : vector<1x128xf32>
      %mul3A_1406 = arith.mulf %sub3A_1405, %tanh3A_1402 : vector<1x128xf32>
      %mul3A_1407 = arith.mulf %logistic3A_1397, %mul3A_1369 : vector<1x128xf32>
      %add3A_1408 = arith.addf %mul3A_1406, %mul3A_1407 : vector<1x128xf32>
      %swap3A_1409 = arith.index_cast %scan3A_1264 : i32 to index
      %swap3A_1410 = arith.constant 0 : index
      %swap3A_1411 = vector.load %arg42[%swap3A_1409, %swap3A_1410] : memref<128x128xf32, #tpu.memory_space<vmem>>, vector<1x128xf32>
      tpu.vector_store %arg42[%swap3A_1409, %swap3A_1410], %add3A_1408 {strides = array<i32>} : memref<128x128xf32, #tpu.memory_space<vmem>>, vector<1x128xf32>,
      %slice3A_1412 = vector.extract_strided_slice %get3A_1267 {offsets = [0, 384], sizes = [1, 128], strides = [1, 1]} : vector<1x512xf32> to vector<1x128xf32>
      %sub3A_1413 = arith.constant 1.000000e+00 : f32
      %sub3A_1414 = vector.broadcast %sub3A_1413 : f32 to vector<1x128xf32>
      %sub3A_1415 = arith.subf %sub3A_1414, %slice3A_1412 : vector<1x128xf32>
      %mul3A_1416 = arith.mulf %add3A_1259, %sub3A_1415 : vector<1x128xf32>
      %slice3A_1417 = vector.extract_strided_slice %get3A_1270 {offsets = [0, 1152], sizes = [1, 384], strides = [1, 1]} : vector<1x1536xf32> to vector<1x384xf32>
      %get3A_1418 = arith.constant 0 : index
      %get3A_1419 = arith.constant 0 : index
      %get3A_1420 = vector.load %arg20[%get3A_1418, %get3A_1419] : memref<384x128xf32, #tpu.memory_space<vmem>>, vector<384x128xf32>
      %dot_general3A_1421 = arith.constant dense<0.000000e+00> : vector<1x384xf32>
      %dot_general3A_1422 = tpu.matmul %mul3A_1416, %get3A_1420, %dot_general3A_1421 {dimension_numbers = #tpu.dot_dimension_numbers<[1], [1], [0], [0], [0, 0, 1, 0], [], []>, transpose_lhs_hint = false} : vector<1x128xf32>, vector<384x128xf32>, vector<1x384xf32> -> vector<1x384xf32>
      %get3A_1423 = arith.constant 0 : index
      %get3A_1424 = arith.constant 1152 : index
      %get3A_1425 = vector.load %arg21[%get3A_1423, %get3A_1424] : memref<1x1536xf32, #tpu.memory_space<vmem>>, vector<1x384xf32>
      %add3A_1426 = arith.addf %dot_general3A_1422, %get3A_1425 : vector<1x384xf32>
      %slice3A_1427 = vector.extract_strided_slice %slice3A_1417 {offsets = [0, 0], sizes = [1, 128], strides = [1, 1]} : vector<1x384xf32> to vector<1x128xf32>
      %slice3A_1428 = vector.extract_strided_slice %add3A_1426 {offsets = [0, 0], sizes = [1, 128], strides = [1, 1]} : vector<1x384xf32> to vector<1x128xf32>
      %add3A_1429 = arith.addf %slice3A_1427, %slice3A_1428 : vector<1x128xf32>
      %logistic3A_1430 = arith.negf %add3A_1429 : vector<1x128xf32>
      %logistic3A_1431 = math.exp %logistic3A_1430 : vector<1x128xf32>
      %logistic3A_1432 = arith.constant 1.000000e+00 : f32
      %logistic3A_1433 = vector.broadcast %logistic3A_1432 : f32 to vector<1x128xf32>
      %logistic3A_1434 = arith.addf %logistic3A_1433, %logistic3A_1431 : vector<1x128xf32>
      %logistic3A_1435 = arith.divf %logistic3A_1433, %logistic3A_1434 : vector<1x128xf32>
      %slice3A_1436 = vector.extract_strided_slice %slice3A_1417 {offsets = [0, 128], sizes = [1, 128], strides = [1, 1]} : vector<1x384xf32> to vector<1x128xf32>
      %slice3A_1437 = vector.extract_strided_slice %add3A_1426 {offsets = [0, 128], sizes = [1, 128], strides = [1, 1]} : vector<1x384xf32> to vector<1x128xf32>
      %add3A_1438 = arith.addf %slice3A_1436, %slice3A_1437 : vector<1x128xf32>
      %logistic3A_1439 = arith.negf %add3A_1438 : vector<1x128xf32>
      %logistic3A_1440 = math.exp %logistic3A_1439 : vector<1x128xf32>
      %logistic3A_1441 = arith.constant 1.000000e+00 : f32
      %logistic3A_1442 = vector.broadcast %logistic3A_1441 : f32 to vector<1x128xf32>
      %logistic3A_1443 = arith.addf %logistic3A_1442, %logistic3A_1440 : vector<1x128xf32>
      %logistic3A_1444 = arith.divf %logistic3A_1442, %logistic3A_1443 : vector<1x128xf32>
      %slice3A_1445 = vector.extract_strided_slice %slice3A_1417 {offsets = [0, 256], sizes = [1, 128], strides = [1, 1]} : vector<1x384xf32> to vector<1x128xf32>
      %slice3A_1446 = vector.extract_strided_slice %add3A_1426 {offsets = [0, 256], sizes = [1, 128], strides = [1, 1]} : vector<1x384xf32> to vector<1x128xf32>
      %mul3A_1447 = arith.mulf %logistic3A_1435, %slice3A_1446 : vector<1x128xf32>
      %add3A_1448 = arith.addf %slice3A_1445, %mul3A_1447 : vector<1x128xf32>
      %tanh3A_1449 = math.tanh %add3A_1448 : vector<1x128xf32>
      %sub3A_1450 = arith.constant 1.000000e+00 : f32
      %sub3A_1451 = vector.broadcast %sub3A_1450 : f32 to vector<1x128xf32>
      %sub3A_1452 = arith.subf %sub3A_1451, %logistic3A_1444 : vector<1x128xf32>
      %mul3A_1453 = arith.mulf %sub3A_1452, %tanh3A_1449 : vector<1x128xf32>
      %mul3A_1454 = arith.mulf %logistic3A_1444, %mul3A_1416 : vector<1x128xf32>
      %add3A_1455 = arith.addf %mul3A_1453, %mul3A_1454 : vector<1x128xf32>
      %swap3A_1456 = arith.index_cast %scan3A_1264 : i32 to index
      %swap3A_1457 = arith.constant 0 : index
      %swap3A_1458 = vector.load %arg43[%swap3A_1456, %swap3A_1457] : memref<128x128xf32, #tpu.memory_space<vmem>>, vector<1x128xf32>
      tpu.vector_store %arg43[%swap3A_1456, %swap3A_1457], %add3A_1455 {strides = array<i32>} : memref<128x128xf32, #tpu.memory_space<vmem>>, vector<1x128xf32>,
      %scan3A_1459 = arith.constant 3 : i32
      %scan3A_1460 = arith.addi %scan3A_871, %scan3A_1459 : i32
      %get3A_1461 = arith.index_cast %scan3A_1460 : i32 to index
      %get3A_1462 = arith.constant 0 : index
      %get3A_1463 = vector.load %arg39[%get3A_1461, %get3A_1462] : memref<128x512xf32, #tpu.memory_space<vmem>>, vector<1x512xf32>
      %get3A_1464 = arith.index_cast %scan3A_1460 : i32 to index
      %get3A_1465 = arith.constant 0 : index
      %get3A_1466 = vector.load %arg45[%get3A_1464, %get3A_1465] : memref<128x1536xf32, #tpu.memory_space<vmem>>, vector<1x1536xf32>
      %slice3A_1467 = vector.extract_strided_slice %get3A_1463 {offsets = [0, 0], sizes = [1, 128], strides = [1, 1]} : vector<1x512xf32> to vector<1x128xf32>
      %sub3A_1468 = arith.constant 1.000000e+00 : f32
      %sub3A_1469 = vector.broadcast %sub3A_1468 : f32 to vector<1x128xf32>
      %sub3A_1470 = arith.subf %sub3A_1469, %slice3A_1467 : vector<1x128xf32>
      %mul3A_1471 = arith.mulf %add3A_1314, %sub3A_1470 : vector<1x128xf32>
      %slice3A_1472 = vector.extract_strided_slice %get3A_1466 {offsets = [0, 0], sizes = [1, 384], strides = [1, 1]} : vector<1x1536xf32> to vector<1x384xf32>
      %get3A_1473 = arith.constant 0 : index
      %get3A_1474 = arith.constant 0 : index
      %get3A_1475 = vector.load %arg17[%get3A_1473, %get3A_1474] : memref<384x128xf32, #tpu.memory_space<vmem>>, vector<384x128xf32>
      %dot_general3A_1476 = arith.constant dense<0.000000e+00> : vector<1x384xf32>
      %dot_general3A_1477 = tpu.matmul %mul3A_1471, %get3A_1475, %dot_general3A_1476 {dimension_numbers = #tpu.dot_dimension_numbers<[1], [1], [0], [0], [0, 0, 1, 0], [], []>, transpose_lhs_hint = false} : vector<1x128xf32>, vector<384x128xf32>, vector<1x384xf32> -> vector<1x384xf32>
      %get3A_1478 = arith.constant 0 : index
      %get3A_1479 = arith.constant 0 : index
      %get3A_1480 = vector.load %arg21[%get3A_1478, %get3A_1479] : memref<1x1536xf32, #tpu.memory_space<vmem>>, vector<1x384xf32>
      %add3A_1481 = arith.addf %dot_general3A_1477, %get3A_1480 : vector<1x384xf32>
      %slice3A_1482 = vector.extract_strided_slice %slice3A_1472 {offsets = [0, 0], sizes = [1, 128], strides = [1, 1]} : vector<1x384xf32> to vector<1x128xf32>
      %slice3A_1483 = vector.extract_strided_slice %add3A_1481 {offsets = [0, 0], sizes = [1, 128], strides = [1, 1]} : vector<1x384xf32> to vector<1x128xf32>
      %add3A_1484 = arith.addf %slice3A_1482, %slice3A_1483 : vector<1x128xf32>
      %logistic3A_1485 = arith.negf %add3A_1484 : vector<1x128xf32>
      %logistic3A_1486 = math.exp %logistic3A_1485 : vector<1x128xf32>
      %logistic3A_1487 = arith.constant 1.000000e+00 : f32
      %logistic3A_1488 = vector.broadcast %logistic3A_1487 : f32 to vector<1x128xf32>
      %logistic3A_1489 = arith.addf %logistic3A_1488, %logistic3A_1486 : vector<1x128xf32>
      %logistic3A_1490 = arith.divf %logistic3A_1488, %logistic3A_1489 : vector<1x128xf32>
      %slice3A_1491 = vector.extract_strided_slice %slice3A_1472 {offsets = [0, 128], sizes = [1, 128], strides = [1, 1]} : vector<1x384xf32> to vector<1x128xf32>
      %slice3A_1492 = vector.extract_strided_slice %add3A_1481 {offsets = [0, 128], sizes = [1, 128], strides = [1, 1]} : vector<1x384xf32> to vector<1x128xf32>
      %add3A_1493 = arith.addf %slice3A_1491, %slice3A_1492 : vector<1x128xf32>
      %logistic3A_1494 = arith.negf %add3A_1493 : vector<1x128xf32>
      %logistic3A_1495 = math.exp %logistic3A_1494 : vector<1x128xf32>
      %logistic3A_1496 = arith.constant 1.000000e+00 : f32
      %logistic3A_1497 = vector.broadcast %logistic3A_1496 : f32 to vector<1x128xf32>
      %logistic3A_1498 = arith.addf %logistic3A_1497, %logistic3A_1495 : vector<1x128xf32>
      %logistic3A_1499 = arith.divf %logistic3A_1497, %logistic3A_1498 : vector<1x128xf32>
      %slice3A_1500 = vector.extract_strided_slice %slice3A_1472 {offsets = [0, 256], sizes = [1, 128], strides = [1, 1]} : vector<1x384xf32> to vector<1x128xf32>
      %slice3A_1501 = vector.extract_strided_slice %add3A_1481 {offsets = [0, 256], sizes = [1, 128], strides = [1, 1]} : vector<1x384xf32> to vector<1x128xf32>
      %mul3A_1502 = arith.mulf %logistic3A_1490, %slice3A_1501 : vector<1x128xf32>
      %add3A_1503 = arith.addf %slice3A_1500, %mul3A_1502 : vector<1x128xf32>
      %tanh3A_1504 = math.tanh %add3A_1503 : vector<1x128xf32>
      %sub3A_1505 = arith.constant 1.000000e+00 : f32
      %sub3A_1506 = vector.broadcast %sub3A_1505 : f32 to vector<1x128xf32>
      %sub3A_1507 = arith.subf %sub3A_1506, %logistic3A_1499 : vector<1x128xf32>
      %mul3A_1508 = arith.mulf %sub3A_1507, %tanh3A_1504 : vector<1x128xf32>
      %mul3A_1509 = arith.mulf %logistic3A_1499, %mul3A_1471 : vector<1x128xf32>
      %add3A_1510 = arith.addf %mul3A_1508, %mul3A_1509 : vector<1x128xf32>
      %swap3A_1511 = arith.index_cast %scan3A_1460 : i32 to index
      %swap3A_1512 = arith.constant 0 : index
      %swap3A_1513 = vector.load %arg40[%swap3A_1511, %swap3A_1512] : memref<128x128xf32, #tpu.memory_space<vmem>>, vector<1x128xf32>
      tpu.vector_store %arg40[%swap3A_1511, %swap3A_1512], %add3A_1510 {strides = array<i32>} : memref<128x128xf32, #tpu.memory_space<vmem>>, vector<1x128xf32>,
      %slice3A_1514 = vector.extract_strided_slice %get3A_1463 {offsets = [0, 128], sizes = [1, 128], strides = [1, 1]} : vector<1x512xf32> to vector<1x128xf32>
      %sub3A_1515 = arith.constant 1.000000e+00 : f32
      %sub3A_1516 = vector.broadcast %sub3A_1515 : f32 to vector<1x128xf32>
      %sub3A_1517 = arith.subf %sub3A_1516, %slice3A_1514 : vector<1x128xf32>
      %mul3A_1518 = arith.mulf %add3A_1361, %sub3A_1517 : vector<1x128xf32>
      %slice3A_1519 = vector.extract_strided_slice %get3A_1466 {offsets = [0, 384], sizes = [1, 384], strides = [1, 1]} : vector<1x1536xf32> to vector<1x384xf32>
      %get3A_1520 = arith.constant 0 : index
      %get3A_1521 = arith.constant 0 : index
      %get3A_1522 = vector.load %arg18[%get3A_1520, %get3A_1521] : memref<384x128xf32, #tpu.memory_space<vmem>>, vector<384x128xf32>
      %dot_general3A_1523 = arith.constant dense<0.000000e+00> : vector<1x384xf32>
      %dot_general3A_1524 = tpu.matmul %mul3A_1518, %get3A_1522, %dot_general3A_1523 {dimension_numbers = #tpu.dot_dimension_numbers<[1], [1], [0], [0], [0, 0, 1, 0], [], []>, transpose_lhs_hint = false} : vector<1x128xf32>, vector<384x128xf32>, vector<1x384xf32> -> vector<1x384xf32>
      %get3A_1525 = arith.constant 0 : index
      %get3A_1526 = arith.constant 384 : index
      %get3A_1527 = vector.load %arg21[%get3A_1525, %get3A_1526] : memref<1x1536xf32, #tpu.memory_space<vmem>>, vector<1x384xf32>
      %add3A_1528 = arith.addf %dot_general3A_1524, %get3A_1527 : vector<1x384xf32>
      %slice3A_1529 = vector.extract_strided_slice %slice3A_1519 {offsets = [0, 0], sizes = [1, 128], strides = [1, 1]} : vector<1x384xf32> to vector<1x128xf32>
      %slice3A_1530 = vector.extract_strided_slice %add3A_1528 {offsets = [0, 0], sizes = [1, 128], strides = [1, 1]} : vector<1x384xf32> to vector<1x128xf32>
      %add3A_1531 = arith.addf %slice3A_1529, %slice3A_1530 : vector<1x128xf32>
      %logistic3A_1532 = arith.negf %add3A_1531 : vector<1x128xf32>
      %logistic3A_1533 = math.exp %logistic3A_1532 : vector<1x128xf32>
      %logistic3A_1534 = arith.constant 1.000000e+00 : f32
      %logistic3A_1535 = vector.broadcast %logistic3A_1534 : f32 to vector<1x128xf32>
      %logistic3A_1536 = arith.addf %logistic3A_1535, %logistic3A_1533 : vector<1x128xf32>
      %logistic3A_1537 = arith.divf %logistic3A_1535, %logistic3A_1536 : vector<1x128xf32>
      %slice3A_1538 = vector.extract_strided_slice %slice3A_1519 {offsets = [0, 128], sizes = [1, 128], strides = [1, 1]} : vector<1x384xf32> to vector<1x128xf32>
      %slice3A_1539 = vector.extract_strided_slice %add3A_1528 {offsets = [0, 128], sizes = [1, 128], strides = [1, 1]} : vector<1x384xf32> to vector<1x128xf32>
      %add3A_1540 = arith.addf %slice3A_1538, %slice3A_1539 : vector<1x128xf32>
      %logistic3A_1541 = arith.negf %add3A_1540 : vector<1x128xf32>
      %logistic3A_1542 = math.exp %logistic3A_1541 : vector<1x128xf32>
      %logistic3A_1543 = arith.constant 1.000000e+00 : f32
      %logistic3A_1544 = vector.broadcast %logistic3A_1543 : f32 to vector<1x128xf32>
      %logistic3A_1545 = arith.addf %logistic3A_1544, %logistic3A_1542 : vector<1x128xf32>
      %logistic3A_1546 = arith.divf %logistic3A_1544, %logistic3A_1545 : vector<1x128xf32>
      %slice3A_1547 = vector.extract_strided_slice %slice3A_1519 {offsets = [0, 256], sizes = [1, 128], strides = [1, 1]} : vector<1x384xf32> to vector<1x128xf32>
      %slice3A_1548 = vector.extract_strided_slice %add3A_1528 {offsets = [0, 256], sizes = [1, 128], strides = [1, 1]} : vector<1x384xf32> to vector<1x128xf32>
      %mul3A_1549 = arith.mulf %logistic3A_1537, %slice3A_1548 : vector<1x128xf32>
      %add3A_1550 = arith.addf %slice3A_1547, %mul3A_1549 : vector<1x128xf32>
      %tanh3A_1551 = math.tanh %add3A_1550 : vector<1x128xf32>
      %sub3A_1552 = arith.constant 1.000000e+00 : f32
      %sub3A_1553 = vector.broadcast %sub3A_1552 : f32 to vector<1x128xf32>
      %sub3A_1554 = arith.subf %sub3A_1553, %logistic3A_1546 : vector<1x128xf32>
      %mul3A_1555 = arith.mulf %sub3A_1554, %tanh3A_1551 : vector<1x128xf32>
      %mul3A_1556 = arith.mulf %logistic3A_1546, %mul3A_1518 : vector<1x128xf32>
      %add3A_1557 = arith.addf %mul3A_1555, %mul3A_1556 : vector<1x128xf32>
      %swap3A_1558 = arith.index_cast %scan3A_1460 : i32 to index
      %swap3A_1559 = arith.constant 0 : index
      %swap3A_1560 = vector.load %arg41[%swap3A_1558, %swap3A_1559] : memref<128x128xf32, #tpu.memory_space<vmem>>, vector<1x128xf32>
      tpu.vector_store %arg41[%swap3A_1558, %swap3A_1559], %add3A_1557 {strides = array<i32>} : memref<128x128xf32, #tpu.memory_space<vmem>>, vector<1x128xf32>,
      %slice3A_1561 = vector.extract_strided_slice %get3A_1463 {offsets = [0, 256], sizes = [1, 128], strides = [1, 1]} : vector<1x512xf32> to vector<1x128xf32>
      %sub3A_1562 = arith.constant 1.000000e+00 : f32
      %sub3A_1563 = vector.broadcast %sub3A_1562 : f32 to vector<1x128xf32>
      %sub3A_1564 = arith.subf %sub3A_1563, %slice3A_1561 : vector<1x128xf32>
      %mul3A_1565 = arith.mulf %add3A_1408, %sub3A_1564 : vector<1x128xf32>
      %slice3A_1566 = vector.extract_strided_slice %get3A_1466 {offsets = [0, 768], sizes = [1, 384], strides = [1, 1]} : vector<1x1536xf32> to vector<1x384xf32>
      %get3A_1567 = arith.constant 0 : index
      %get3A_1568 = arith.constant 0 : index
      %get3A_1569 = vector.load %arg19[%get3A_1567, %get3A_1568] : memref<384x128xf32, #tpu.memory_space<vmem>>, vector<384x128xf32>
      %dot_general3A_1570 = arith.constant dense<0.000000e+00> : vector<1x384xf32>
      %dot_general3A_1571 = tpu.matmul %mul3A_1565, %get3A_1569, %dot_general3A_1570 {dimension_numbers = #tpu.dot_dimension_numbers<[1], [1], [0], [0], [0, 0, 1, 0], [], []>, transpose_lhs_hint = false} : vector<1x128xf32>, vector<384x128xf32>, vector<1x384xf32> -> vector<1x384xf32>
      %get3A_1572 = arith.constant 0 : index
      %get3A_1573 = arith.constant 768 : index
      %get3A_1574 = vector.load %arg21[%get3A_1572, %get3A_1573] : memref<1x1536xf32, #tpu.memory_space<vmem>>, vector<1x384xf32>
      %add3A_1575 = arith.addf %dot_general3A_1571, %get3A_1574 : vector<1x384xf32>
      %slice3A_1576 = vector.extract_strided_slice %slice3A_1566 {offsets = [0, 0], sizes = [1, 128], strides = [1, 1]} : vector<1x384xf32> to vector<1x128xf32>
      %slice3A_1577 = vector.extract_strided_slice %add3A_1575 {offsets = [0, 0], sizes = [1, 128], strides = [1, 1]} : vector<1x384xf32> to vector<1x128xf32>
      %add3A_1578 = arith.addf %slice3A_1576, %slice3A_1577 : vector<1x128xf32>
      %logistic3A_1579 = arith.negf %add3A_1578 : vector<1x128xf32>
      %logistic3A_1580 = math.exp %logistic3A_1579 : vector<1x128xf32>
      %logistic3A_1581 = arith.constant 1.000000e+00 : f32
      %logistic3A_1582 = vector.broadcast %logistic3A_1581 : f32 to vector<1x128xf32>
      %logistic3A_1583 = arith.addf %logistic3A_1582, %logistic3A_1580 : vector<1x128xf32>
      %logistic3A_1584 = arith.divf %logistic3A_1582, %logistic3A_1583 : vector<1x128xf32>
      %slice3A_1585 = vector.extract_strided_slice %slice3A_1566 {offsets = [0, 128], sizes = [1, 128], strides = [1, 1]} : vector<1x384xf32> to vector<1x128xf32>
      %slice3A_1586 = vector.extract_strided_slice %add3A_1575 {offsets = [0, 128], sizes = [1, 128], strides = [1, 1]} : vector<1x384xf32> to vector<1x128xf32>
      %add3A_1587 = arith.addf %slice3A_1585, %slice3A_1586 : vector<1x128xf32>
      %logistic3A_1588 = arith.negf %add3A_1587 : vector<1x128xf32>
      %logistic3A_1589 = math.exp %logistic3A_1588 : vector<1x128xf32>
      %logistic3A_1590 = arith.constant 1.000000e+00 : f32
      %logistic3A_1591 = vector.broadcast %logistic3A_1590 : f32 to vector<1x128xf32>
      %logistic3A_1592 = arith.addf %logistic3A_1591, %logistic3A_1589 : vector<1x128xf32>
      %logistic3A_1593 = arith.divf %logistic3A_1591, %logistic3A_1592 : vector<1x128xf32>
      %slice3A_1594 = vector.extract_strided_slice %slice3A_1566 {offsets = [0, 256], sizes = [1, 128], strides = [1, 1]} : vector<1x384xf32> to vector<1x128xf32>
      %slice3A_1595 = vector.extract_strided_slice %add3A_1575 {offsets = [0, 256], sizes = [1, 128], strides = [1, 1]} : vector<1x384xf32> to vector<1x128xf32>
      %mul3A_1596 = arith.mulf %logistic3A_1584, %slice3A_1595 : vector<1x128xf32>
      %add3A_1597 = arith.addf %slice3A_1594, %mul3A_1596 : vector<1x128xf32>
      %tanh3A_1598 = math.tanh %add3A_1597 : vector<1x128xf32>
      %sub3A_1599 = arith.constant 1.000000e+00 : f32
      %sub3A_1600 = vector.broadcast %sub3A_1599 : f32 to vector<1x128xf32>
      %sub3A_1601 = arith.subf %sub3A_1600, %logistic3A_1593 : vector<1x128xf32>
      %mul3A_1602 = arith.mulf %sub3A_1601, %tanh3A_1598 : vector<1x128xf32>
      %mul3A_1603 = arith.mulf %logistic3A_1593, %mul3A_1565 : vector<1x128xf32>
      %add3A_1604 = arith.addf %mul3A_1602, %mul3A_1603 : vector<1x128xf32>
      %swap3A_1605 = arith.index_cast %scan3A_1460 : i32 to index
      %swap3A_1606 = arith.constant 0 : index
      %swap3A_1607 = vector.load %arg42[%swap3A_1605, %swap3A_1606] : memref<128x128xf32, #tpu.memory_space<vmem>>, vector<1x128xf32>
      tpu.vector_store %arg42[%swap3A_1605, %swap3A_1606], %add3A_1604 {strides = array<i32>} : memref<128x128xf32, #tpu.memory_space<vmem>>, vector<1x128xf32>,
      %slice3A_1608 = vector.extract_strided_slice %get3A_1463 {offsets = [0, 384], sizes = [1, 128], strides = [1, 1]} : vector<1x512xf32> to vector<1x128xf32>
      %sub3A_1609 = arith.constant 1.000000e+00 : f32
      %sub3A_1610 = vector.broadcast %sub3A_1609 : f32 to vector<1x128xf32>
      %sub3A_1611 = arith.subf %sub3A_1610, %slice3A_1608 : vector<1x128xf32>
      %mul3A_1612 = arith.mulf %add3A_1455, %sub3A_1611 : vector<1x128xf32>
      %slice3A_1613 = vector.extract_strided_slice %get3A_1466 {offsets = [0, 1152], sizes = [1, 384], strides = [1, 1]} : vector<1x1536xf32> to vector<1x384xf32>
      %get3A_1614 = arith.constant 0 : index
      %get3A_1615 = arith.constant 0 : index
      %get3A_1616 = vector.load %arg20[%get3A_1614, %get3A_1615] : memref<384x128xf32, #tpu.memory_space<vmem>>, vector<384x128xf32>
      %dot_general3A_1617 = arith.constant dense<0.000000e+00> : vector<1x384xf32>
      %dot_general3A_1618 = tpu.matmul %mul3A_1612, %get3A_1616, %dot_general3A_1617 {dimension_numbers = #tpu.dot_dimension_numbers<[1], [1], [0], [0], [0, 0, 1, 0], [], []>, transpose_lhs_hint = false} : vector<1x128xf32>, vector<384x128xf32>, vector<1x384xf32> -> vector<1x384xf32>
      %get3A_1619 = arith.constant 0 : index
      %get3A_1620 = arith.constant 1152 : index
      %get3A_1621 = vector.load %arg21[%get3A_1619, %get3A_1620] : memref<1x1536xf32, #tpu.memory_space<vmem>>, vector<1x384xf32>
      %add3A_1622 = arith.addf %dot_general3A_1618, %get3A_1621 : vector<1x384xf32>
      %slice3A_1623 = vector.extract_strided_slice %slice3A_1613 {offsets = [0, 0], sizes = [1, 128], strides = [1, 1]} : vector<1x384xf32> to vector<1x128xf32>
      %slice3A_1624 = vector.extract_strided_slice %add3A_1622 {offsets = [0, 0], sizes = [1, 128], strides = [1, 1]} : vector<1x384xf32> to vector<1x128xf32>
      %add3A_1625 = arith.addf %slice3A_1623, %slice3A_1624 : vector<1x128xf32>
      %logistic3A_1626 = arith.negf %add3A_1625 : vector<1x128xf32>
      %logistic3A_1627 = math.exp %logistic3A_1626 : vector<1x128xf32>
      %logistic3A_1628 = arith.constant 1.000000e+00 : f32
      %logistic3A_1629 = vector.broadcast %logistic3A_1628 : f32 to vector<1x128xf32>
      %logistic3A_1630 = arith.addf %logistic3A_1629, %logistic3A_1627 : vector<1x128xf32>
      %logistic3A_1631 = arith.divf %logistic3A_1629, %logistic3A_1630 : vector<1x128xf32>
      %slice3A_1632 = vector.extract_strided_slice %slice3A_1613 {offsets = [0, 128], sizes = [1, 128], strides = [1, 1]} : vector<1x384xf32> to vector<1x128xf32>
      %slice3A_1633 = vector.extract_strided_slice %add3A_1622 {offsets = [0, 128], sizes = [1, 128], strides = [1, 1]} : vector<1x384xf32> to vector<1x128xf32>
      %add3A_1634 = arith.addf %slice3A_1632, %slice3A_1633 : vector<1x128xf32>
      %logistic3A_1635 = arith.negf %add3A_1634 : vector<1x128xf32>
      %logistic3A_1636 = math.exp %logistic3A_1635 : vector<1x128xf32>
      %logistic3A_1637 = arith.constant 1.000000e+00 : f32
      %logistic3A_1638 = vector.broadcast %logistic3A_1637 : f32 to vector<1x128xf32>
      %logistic3A_1639 = arith.addf %logistic3A_1638, %logistic3A_1636 : vector<1x128xf32>
      %logistic3A_1640 = arith.divf %logistic3A_1638, %logistic3A_1639 : vector<1x128xf32>
      %slice3A_1641 = vector.extract_strided_slice %slice3A_1613 {offsets = [0, 256], sizes = [1, 128], strides = [1, 1]} : vector<1x384xf32> to vector<1x128xf32>
      %slice3A_1642 = vector.extract_strided_slice %add3A_1622 {offsets = [0, 256], sizes = [1, 128], strides = [1, 1]} : vector<1x384xf32> to vector<1x128xf32>
      %mul3A_1643 = arith.mulf %logistic3A_1631, %slice3A_1642 : vector<1x128xf32>
      %add3A_1644 = arith.addf %slice3A_1641, %mul3A_1643 : vector<1x128xf32>
      %tanh3A_1645 = math.tanh %add3A_1644 : vector<1x128xf32>
      %sub3A_1646 = arith.constant 1.000000e+00 : f32
      %sub3A_1647 = vector.broadcast %sub3A_1646 : f32 to vector<1x128xf32>
      %sub3A_1648 = arith.subf %sub3A_1647, %logistic3A_1640 : vector<1x128xf32>
      %mul3A_1649 = arith.mulf %sub3A_1648, %tanh3A_1645 : vector<1x128xf32>
      %mul3A_1650 = arith.mulf %logistic3A_1640, %mul3A_1612 : vector<1x128xf32>
      %add3A_1651 = arith.addf %mul3A_1649, %mul3A_1650 : vector<1x128xf32>
      %swap3A_1652 = arith.index_cast %scan3A_1460 : i32 to index
      %swap3A_1653 = arith.constant 0 : index
      %swap3A_1654 = vector.load %arg43[%swap3A_1652, %swap3A_1653] : memref<128x128xf32, #tpu.memory_space<vmem>>, vector<1x128xf32>
      tpu.vector_store %arg43[%swap3A_1652, %swap3A_1653], %add3A_1651 {strides = array<i32>} : memref<128x128xf32, #tpu.memory_space<vmem>>, vector<1x128xf32>,
      scf.yield %add3A_1510, %add3A_1557, %add3A_1604, %add3A_1651 : vector<1x128xf32>, vector<1x128xf32>, vector<1x128xf32>, vector<1x128xf32>
    }
    %scan3A_735 = arith.constant 128 : i32
    %get3A_736 = arith.constant 0 : index
    %get3A_737 = arith.constant 0 : index
    %get3A_738 = vector.load %arg48[%get3A_736, %get3A_737] : memref<128x128xf32, #tpu.memory_space<vmem>>, vector<128x128xf32>
    %get3A_739 = arith.constant 0 : index
    %get3A_740 = arith.constant 0 : index
    %get3A_741 = vector.load %arg40[%get3A_739, %get3A_740] : memref<128x128xf32, #tpu.memory_space<vmem>>, vector<128x128xf32>
    %dot_general3A_742 = arith.constant dense<0.000000e+00> : vector<128x128xf32>
    %dot_general3A_743 = tpu.matmul %get3A_738, %get3A_741, %dot_general3A_742 {dimension_numbers = #tpu.dot_dimension_numbers<[1], [0], [0], [1], [0, 0, 1, 1], [], []>, precision = #tpu.contract_precision<fp32>, transpose_lhs_hint = false} : vector<128x128xf32>, vector<128x128xf32>, vector<128x128xf32> -> vector<128x128xf32>
    %swap3A_744 = arith.constant 0 : index
    %swap3A_745 = arith.constant 0 : index
    %swap3A_746 = vector.load %arg44[%swap3A_744, %swap3A_745] : memref<128x512xf32, #tpu.memory_space<vmem>>, vector<128x128xf32>
    tpu.vector_store %arg44[%swap3A_744, %swap3A_745], %dot_general3A_743 {strides = array<i32>} : memref<128x512xf32, #tpu.memory_space<vmem>>, vector<128x128xf32>,
    %get3A_747 = arith.constant 0 : index
    %get3A_748 = arith.constant 0 : index
    %get3A_749 = vector.load %arg49[%get3A_747, %get3A_748] : memref<128x128xf32, #tpu.memory_space<vmem>>, vector<128x128xf32>
    %get3A_750 = arith.constant 0 : index
    %get3A_751 = arith.constant 0 : index
    %get3A_752 = vector.load %arg41[%get3A_750, %get3A_751] : memref<128x128xf32, #tpu.memory_space<vmem>>, vector<128x128xf32>
    %dot_general3A_753 = arith.constant dense<0.000000e+00> : vector<128x128xf32>
    %dot_general3A_754 = tpu.matmul %get3A_749, %get3A_752, %dot_general3A_753 {dimension_numbers = #tpu.dot_dimension_numbers<[1], [0], [0], [1], [0, 0, 1, 1], [], []>, precision = #tpu.contract_precision<fp32>, transpose_lhs_hint = false} : vector<128x128xf32>, vector<128x128xf32>, vector<128x128xf32> -> vector<128x128xf32>
    %swap3A_755 = arith.constant 0 : index
    %swap3A_756 = arith.constant 128 : index
    %swap3A_757 = vector.load %arg44[%swap3A_755, %swap3A_756] : memref<128x512xf32, #tpu.memory_space<vmem>>, vector<128x128xf32>
    tpu.vector_store %arg44[%swap3A_755, %swap3A_756], %dot_general3A_754 {strides = array<i32>} : memref<128x512xf32, #tpu.memory_space<vmem>>, vector<128x128xf32>,
    %get3A_758 = arith.constant 0 : index
    %get3A_759 = arith.constant 0 : index
    %get3A_760 = vector.load %arg50[%get3A_758, %get3A_759] : memref<128x128xf32, #tpu.memory_space<vmem>>, vector<128x128xf32>
    %get3A_761 = arith.constant 0 : index
    %get3A_762 = arith.constant 0 : index
    %get3A_763 = vector.load %arg42[%get3A_761, %get3A_762] : memref<128x128xf32, #tpu.memory_space<vmem>>, vector<128x128xf32>
    %dot_general3A_764 = arith.constant dense<0.000000e+00> : vector<128x128xf32>
    %dot_general3A_765 = tpu.matmul %get3A_760, %get3A_763, %dot_general3A_764 {dimension_numbers = #tpu.dot_dimension_numbers<[1], [0], [0], [1], [0, 0, 1, 1], [], []>, precision = #tpu.contract_precision<fp32>, transpose_lhs_hint = false} : vector<128x128xf32>, vector<128x128xf32>, vector<128x128xf32> -> vector<128x128xf32>
    %swap3A_766 = arith.constant 0 : index
    %swap3A_767 = arith.constant 256 : index
    %swap3A_768 = vector.load %arg44[%swap3A_766, %swap3A_767] : memref<128x512xf32, #tpu.memory_space<vmem>>, vector<128x128xf32>
    tpu.vector_store %arg44[%swap3A_766, %swap3A_767], %dot_general3A_765 {strides = array<i32>} : memref<128x512xf32, #tpu.memory_space<vmem>>, vector<128x128xf32>,
    %get3A_769 = arith.constant 0 : index
    %get3A_770 = arith.constant 0 : index
    %get3A_771 = vector.load %arg51[%get3A_769, %get3A_770] : memref<128x128xf32, #tpu.memory_space<vmem>>, vector<128x128xf32>
    %get3A_772 = arith.constant 0 : index
    %get3A_773 = arith.constant 0 : index
    %get3A_774 = vector.load %arg43[%get3A_772, %get3A_773] : memref<128x128xf32, #tpu.memory_space<vmem>>, vector<128x128xf32>
    %dot_general3A_775 = arith.constant dense<0.000000e+00> : vector<128x128xf32>
    %dot_general3A_776 = tpu.matmul %get3A_771, %get3A_774, %dot_general3A_775 {dimension_numbers = #tpu.dot_dimension_numbers<[1], [0], [0], [1], [0, 0, 1, 1], [], []>, precision = #tpu.contract_precision<fp32>, transpose_lhs_hint = false} : vector<128x128xf32>, vector<128x128xf32>, vector<128x128xf32> -> vector<128x128xf32>
    %swap3A_777 = arith.constant 0 : index
    %swap3A_778 = arith.constant 384 : index
    %swap3A_779 = vector.load %arg44[%swap3A_777, %swap3A_778] : memref<128x512xf32, #tpu.memory_space<vmem>>, vector<128x128xf32>
    tpu.vector_store %arg44[%swap3A_777, %swap3A_778], %dot_general3A_776 {strides = array<i32>} : memref<128x512xf32, #tpu.memory_space<vmem>>, vector<128x128xf32>,
    %get3A_780 = arith.constant 0 : index
    %get3A_781 = arith.constant 0 : index
    %get3A_782 = vector.load %arg44[%get3A_780, %get3A_781] : memref<128x512xf32, #tpu.memory_space<vmem>>, vector<128x128xf32>
    %get3A_783 = arith.constant 0 : index
    %get3A_784 = arith.constant 0 : index
    %get3A_785 = vector.load %arg22[%get3A_783, %get3A_784] : memref<384x128xf32, #tpu.memory_space<vmem>>, vector<384x128xf32>
    %dot_general3A_786 = arith.constant dense<0.000000e+00> : vector<128x384xf32>
    %dot_general3A_787 = tpu.matmul %get3A_782, %get3A_785, %dot_general3A_786 {dimension_numbers = #tpu.dot_dimension_numbers<[1], [1], [0], [0], [0, 0, 1, 0], [], []>, transpose_lhs_hint = false} : vector<128x128xf32>, vector<384x128xf32>, vector<128x384xf32> -> vector<128x384xf32>
    %get3A_788 = arith.constant 0 : index
    %get3A_789 = arith.constant 0 : index
    %get3A_790 = vector.load %arg26[%get3A_788, %get3A_789] : memref<1x384xf32, #tpu.memory_space<vmem>>, vector<1x384xf32>
    %add3A_791 = vector.broadcast %get3A_790 : vector<1x384xf32> to vector<128x384xf32>
    %add3A_792 = arith.addf %dot_general3A_787, %add3A_791 : vector<128x384xf32>
    %swap3A_793 = arith.constant 0 : index
    %swap3A_794 = arith.constant 0 : index
    %swap3A_795 = vector.load %arg46[%swap3A_793, %swap3A_794] : memref<128x1536xf32, #tpu.memory_space<vmem>>, vector<128x384xf32>
    tpu.vector_store %arg46[%swap3A_793, %swap3A_794], %add3A_792 {strides = array<i32>} : memref<128x1536xf32, #tpu.memory_space<vmem>>, vector<128x384xf32>,
    %get3A_796 = arith.constant 0 : index
    %get3A_797 = arith.constant 128 : index
    %get3A_798 = vector.load %arg44[%get3A_796, %get3A_797] : memref<128x512xf32, #tpu.memory_space<vmem>>, vector<128x128xf32>
    %get3A_799 = arith.constant 0 : index
    %get3A_800 = arith.constant 0 : index
    %get3A_801 = vector.load %arg23[%get3A_799, %get3A_800] : memref<384x128xf32, #tpu.memory_space<vmem>>, vector<384x128xf32>
    %dot_general3A_802 = arith.constant dense<0.000000e+00> : vector<128x384xf32>
    %dot_general3A_803 = tpu.matmul %get3A_798, %get3A_801, %dot_general3A_802 {dimension_numbers = #tpu.dot_dimension_numbers<[1], [1], [0], [0], [0, 0, 1, 0], [], []>, transpose_lhs_hint = false} : vector<128x128xf32>, vector<384x128xf32>, vector<128x384xf32> -> vector<128x384xf32>
    %get3A_804 = arith.constant 0 : index
    %get3A_805 = arith.constant 0 : index
    %get3A_806 = vector.load %arg27[%get3A_804, %get3A_805] : memref<1x384xf32, #tpu.memory_space<vmem>>, vector<1x384xf32>
    %add3A_807 = vector.broadcast %get3A_806 : vector<1x384xf32> to vector<128x384xf32>
    %add3A_808 = arith.addf %dot_general3A_803, %add3A_807 : vector<128x384xf32>
    %swap3A_809 = arith.constant 0 : index
    %swap3A_810 = arith.constant 384 : index
    %swap3A_811 = vector.load %arg46[%swap3A_809, %swap3A_810] : memref<128x1536xf32, #tpu.memory_space<vmem>>, vector<128x384xf32>
    tpu.vector_store %arg46[%swap3A_809, %swap3A_810], %add3A_808 {strides = array<i32>} : memref<128x1536xf32, #tpu.memory_space<vmem>>, vector<128x384xf32>,
    %get3A_812 = arith.constant 0 : index
    %get3A_813 = arith.constant 256 : index
    %get3A_814 = vector.load %arg44[%get3A_812, %get3A_813] : memref<128x512xf32, #tpu.memory_space<vmem>>, vector<128x128xf32>
    %get3A_815 = arith.constant 0 : index
    %get3A_816 = arith.constant 0 : index
    %get3A_817 = vector.load %arg24[%get3A_815, %get3A_816] : memref<384x128xf32, #tpu.memory_space<vmem>>, vector<384x128xf32>
    %dot_general3A_818 = arith.constant dense<0.000000e+00> : vector<128x384xf32>
    %dot_general3A_819 = tpu.matmul %get3A_814, %get3A_817, %dot_general3A_818 {dimension_numbers = #tpu.dot_dimension_numbers<[1], [1], [0], [0], [0, 0, 1, 0], [], []>, transpose_lhs_hint = false} : vector<128x128xf32>, vector<384x128xf32>, vector<128x384xf32> -> vector<128x384xf32>
    %get3A_820 = arith.constant 0 : index
    %get3A_821 = arith.constant 0 : index
    %get3A_822 = vector.load %arg28[%get3A_820, %get3A_821] : memref<1x384xf32, #tpu.memory_space<vmem>>, vector<1x384xf32>
    %add3A_823 = vector.broadcast %get3A_822 : vector<1x384xf32> to vector<128x384xf32>
    %add3A_824 = arith.addf %dot_general3A_819, %add3A_823 : vector<128x384xf32>
    %swap3A_825 = arith.constant 0 : index
    %swap3A_826 = arith.constant 768 : index
    %swap3A_827 = vector.load %arg46[%swap3A_825, %swap3A_826] : memref<128x1536xf32, #tpu.memory_space<vmem>>, vector<128x384xf32>
    tpu.vector_store %arg46[%swap3A_825, %swap3A_826], %add3A_824 {strides = array<i32>} : memref<128x1536xf32, #tpu.memory_space<vmem>>, vector<128x384xf32>,
    %get3A_828 = arith.constant 0 : index
    %get3A_829 = arith.constant 384 : index
    %get3A_830 = vector.load %arg44[%get3A_828, %get3A_829] : memref<128x512xf32, #tpu.memory_space<vmem>>, vector<128x128xf32>
    %get3A_831 = arith.constant 0 : index
    %get3A_832 = arith.constant 0 : index
    %get3A_833 = vector.load %arg25[%get3A_831, %get3A_832] : memref<384x128xf32, #tpu.memory_space<vmem>>, vector<384x128xf32>
    %dot_general3A_834 = arith.constant dense<0.000000e+00> : vector<128x384xf32>
    %dot_general3A_835 = tpu.matmul %get3A_830, %get3A_833, %dot_general3A_834 {dimension_numbers = #tpu.dot_dimension_numbers<[1], [1], [0], [0], [0, 0, 1, 0], [], []>, transpose_lhs_hint = false} : vector<128x128xf32>, vector<384x128xf32>, vector<128x384xf32> -> vector<128x384xf32>
    %get3A_836 = arith.constant 0 : index
    %get3A_837 = arith.constant 0 : index
    %get3A_838 = vector.load %arg29[%get3A_836, %get3A_837] : memref<1x384xf32, #tpu.memory_space<vmem>>, vector<1x384xf32>
    %add3A_839 = vector.broadcast %get3A_838 : vector<1x384xf32> to vector<128x384xf32>
    %add3A_840 = arith.addf %dot_general3A_835, %add3A_839 : vector<128x384xf32>
    %swap3A_841 = arith.constant 0 : index
    %swap3A_842 = arith.constant 1152 : index
    %swap3A_843 = vector.load %arg46[%swap3A_841, %swap3A_842] : memref<128x1536xf32, #tpu.memory_space<vmem>>, vector<128x384xf32>
    tpu.vector_store %arg46[%swap3A_841, %swap3A_842], %add3A_840 {strides = array<i32>} : memref<128x1536xf32, #tpu.memory_space<vmem>>, vector<128x384xf32>,
    %scan3A_844 = arith.constant 0 : i32
    %scan3A_845 = arith.constant 24 : i32
    %scan3A_846 = arith.addi %scan3A_844, %scan3A_845 : i32
    %scan3A_847 = arith.constant 3 : i32
    %scan3A_848:3 = scf.for %scan3A_871 = %scan3A_844 to %scan3A_846 step %scan3A_847 iter_args(%scan3A_872 = %broadcast_in_dim3A_729, %scan3A_873 = %broadcast_in_dim3A_729, %scan3A_874 = %broadcast_in_dim3A_729) -> (vector<1x128xf32>, vector<1x128xf32>, vector<1x128xf32>)  : i32 {
      %convert_element_type3A_875 = arith.sitofp %scan3A_871 : i32 to f32
      %get3A_876 = arith.index_cast %scan3A_871 : i32 to index
      %get3A_877 = arith.constant 0 : index
      %get3A_878 = vector.load %arg46[%get3A_876, %get3A_877] : memref<128x1536xf32, #tpu.memory_space<vmem>>, vector<1x384xf32>
      %get3A_879 = arith.constant 0 : index
      %get3A_880 = arith.constant 0 : index
      %get3A_881 = vector.load %arg30[%get3A_879, %get3A_880] : memref<384x128xf32, #tpu.memory_space<vmem>>, vector<384x128xf32>
      %dot_general3A_882 = arith.constant dense<0.000000e+00> : vector<1x384xf32>
      %dot_general3A_883 = tpu.matmul %scan3A_872, %get3A_881, %dot_general3A_882 {dimension_numbers = #tpu.dot_dimension_numbers<[1], [1], [0], [0], [0, 0, 1, 0], [], []>, transpose_lhs_hint = false} : vector<1x128xf32>, vector<384x128xf32>, vector<1x384xf32> -> vector<1x384xf32>
      %get3A_884 = arith.constant 0 : index
      %get3A_885 = arith.constant 0 : index
      %get3A_886 = vector.load %arg34[%get3A_884, %get3A_885] : memref<1x1536xf32, #tpu.memory_space<vmem>>, vector<1x384xf32>
      %add3A_887 = arith.addf %dot_general3A_883, %get3A_886 : vector<1x384xf32>
      %slice3A = vector.extract_strided_slice %get3A_878 {offsets = [0, 0], sizes = [1, 128], strides = [1, 1]} : vector<1x384xf32> to vector<1x128xf32>
      %slice3A_888 = vector.extract_strided_slice %add3A_887 {offsets = [0, 0], sizes = [1, 128], strides = [1, 1]} : vector<1x384xf32> to vector<1x128xf32>
      %add3A_889 = arith.addf %slice3A, %slice3A_888 : vector<1x128xf32>
      %logistic3A = arith.negf %add3A_889 : vector<1x128xf32>
      %logistic3A_890 = math.exp %logistic3A : vector<1x128xf32>
      %logistic3A_891 = arith.constant 1.000000e+00 : f32
      %logistic3A_892 = vector.broadcast %logistic3A_891 : f32 to vector<1x128xf32>
      %logistic3A_893 = arith.addf %logistic3A_892, %logistic3A_890 : vector<1x128xf32>
      %logistic3A_894 = arith.divf %logistic3A_892, %logistic3A_893 : vector<1x128xf32>
      %slice3A_895 = vector.extract_strided_slice %get3A_878 {offsets = [0, 128], sizes = [1, 128], strides = [1, 1]} : vector<1x384xf32> to vector<1x128xf32>
      %slice3A_896 = vector.extract_strided_slice %add3A_887 {offsets = [0, 128], sizes = [1, 128], strides = [1, 1]} : vector<1x384xf32> to vector<1x128xf32>
      %add3A_897 = arith.addf %slice3A_895, %slice3A_896 : vector<1x128xf32>
      %logistic3A_898 = arith.negf %add3A_897 : vector<1x128xf32>
      %logistic3A_899 = math.exp %logistic3A_898 : vector<1x128xf32>
      %logistic3A_900 = arith.constant 1.000000e+00 : f32
      %logistic3A_901 = vector.broadcast %logistic3A_900 : f32 to vector<1x128xf32>
      %logistic3A_902 = arith.addf %logistic3A_901, %logistic3A_899 : vector<1x128xf32>
      %logistic3A_903 = arith.divf %logistic3A_901, %logistic3A_902 : vector<1x128xf32>
      %slice3A_904 = vector.extract_strided_slice %get3A_878 {offsets = [0, 256], sizes = [1, 128], strides = [1, 1]} : vector<1x384xf32> to vector<1x128xf32>
      %slice3A_905 = vector.extract_strided_slice %add3A_887 {offsets = [0, 256], sizes = [1, 128], strides = [1, 1]} : vector<1x384xf32> to vector<1x128xf32>
      %mul3A_906 = arith.mulf %logistic3A_894, %slice3A_905 : vector<1x128xf32>
      %add3A_907 = arith.addf %slice3A_904, %mul3A_906 : vector<1x128xf32>
      %tanh3A = math.tanh %add3A_907 : vector<1x128xf32>
      %sub3A_908 = arith.constant 1.000000e+00 : f32
      %sub3A_909 = vector.broadcast %sub3A_908 : f32 to vector<1x128xf32>
      %sub3A_910 = arith.subf %sub3A_909, %logistic3A_903 : vector<1x128xf32>
      %mul3A_911 = arith.mulf %sub3A_910, %tanh3A : vector<1x128xf32>
      %mul3A_912 = arith.mulf %logistic3A_903, %scan3A_872 : vector<1x128xf32>
      %add3A_913 = arith.addf %mul3A_911, %mul3A_912 : vector<1x128xf32>
      %lt3A_914 = vector.broadcast %convert_element_type3A_875 : f32 to vector<1x1xf32>
      %lt3A_915 = arith.cmpf olt, %lt3A_914, %broadcast_in_dim3A_285 : vector<1x1xf32>
      %broadcast_in_dim3A_916 = vector.shape_cast %lt3A_915 : vector<1x1xi1> to vector<1x1xi1>
      %broadcast_in_dim3A_917 = vector.broadcast %broadcast_in_dim3A_916 : vector<1x1xi1> to vector<1x128xi1>
      %select_n3A_918 = arith.select %broadcast_in_dim3A_917, %add3A_913, %scan3A_872 : vector<1x128xi1>, vector<1x128xf32>
      %get3A_919 = arith.index_cast %scan3A_871 : i32 to index
      %get3A_920 = arith.constant 384 : index
      %get3A_921 = vector.load %arg46[%get3A_919, %get3A_920] : memref<128x1536xf32, #tpu.memory_space<vmem>>, vector<1x384xf32>
      %get3A_922 = arith.constant 0 : index
      %get3A_923 = arith.constant 0 : index
      %get3A_924 = vector.load %arg31[%get3A_922, %get3A_923] : memref<384x128xf32, #tpu.memory_space<vmem>>, vector<384x128xf32>
      %dot_general3A_925 = arith.constant dense<0.000000e+00> : vector<1x384xf32>
      %dot_general3A_926 = tpu.matmul %scan3A_873, %get3A_924, %dot_general3A_925 {dimension_numbers = #tpu.dot_dimension_numbers<[1], [1], [0], [0], [0, 0, 1, 0], [], []>, transpose_lhs_hint = false} : vector<1x128xf32>, vector<384x128xf32>, vector<1x384xf32> -> vector<1x384xf32>
      %get3A_927 = arith.constant 0 : index
      %get3A_928 = arith.constant 384 : index
      %get3A_929 = vector.load %arg34[%get3A_927, %get3A_928] : memref<1x1536xf32, #tpu.memory_space<vmem>>, vector<1x384xf32>
      %add3A_930 = arith.addf %dot_general3A_926, %get3A_929 : vector<1x384xf32>
      %slice3A_931 = vector.extract_strided_slice %get3A_921 {offsets = [0, 0], sizes = [1, 128], strides = [1, 1]} : vector<1x384xf32> to vector<1x128xf32>
      %slice3A_932 = vector.extract_strided_slice %add3A_930 {offsets = [0, 0], sizes = [1, 128], strides = [1, 1]} : vector<1x384xf32> to vector<1x128xf32>
      %add3A_933 = arith.addf %slice3A_931, %slice3A_932 : vector<1x128xf32>
      %logistic3A_934 = arith.negf %add3A_933 : vector<1x128xf32>
      %logistic3A_935 = math.exp %logistic3A_934 : vector<1x128xf32>
      %logistic3A_936 = arith.constant 1.000000e+00 : f32
      %logistic3A_937 = vector.broadcast %logistic3A_936 : f32 to vector<1x128xf32>
      %logistic3A_938 = arith.addf %logistic3A_937, %logistic3A_935 : vector<1x128xf32>
      %logistic3A_939 = arith.divf %logistic3A_937, %logistic3A_938 : vector<1x128xf32>
      %slice3A_940 = vector.extract_strided_slice %get3A_921 {offsets = [0, 128], sizes = [1, 128], strides = [1, 1]} : vector<1x384xf32> to vector<1x128xf32>
      %slice3A_941 = vector.extract_strided_slice %add3A_930 {offsets = [0, 128], sizes = [1, 128], strides = [1, 1]} : vector<1x384xf32> to vector<1x128xf32>
      %add3A_942 = arith.addf %slice3A_940, %slice3A_941 : vector<1x128xf32>
      %logistic3A_943 = arith.negf %add3A_942 : vector<1x128xf32>
      %logistic3A_944 = math.exp %logistic3A_943 : vector<1x128xf32>
      %logistic3A_945 = arith.constant 1.000000e+00 : f32
      %logistic3A_946 = vector.broadcast %logistic3A_945 : f32 to vector<1x128xf32>
      %logistic3A_947 = arith.addf %logistic3A_946, %logistic3A_944 : vector<1x128xf32>
      %logistic3A_948 = arith.divf %logistic3A_946, %logistic3A_947 : vector<1x128xf32>
      %slice3A_949 = vector.extract_strided_slice %get3A_921 {offsets = [0, 256], sizes = [1, 128], strides = [1, 1]} : vector<1x384xf32> to vector<1x128xf32>
      %slice3A_950 = vector.extract_strided_slice %add3A_930 {offsets = [0, 256], sizes = [1, 128], strides = [1, 1]} : vector<1x384xf32> to vector<1x128xf32>
      %mul3A_951 = arith.mulf %logistic3A_939, %slice3A_950 : vector<1x128xf32>
      %add3A_952 = arith.addf %slice3A_949, %mul3A_951 : vector<1x128xf32>
      %tanh3A_953 = math.tanh %add3A_952 : vector<1x128xf32>
      %sub3A_954 = arith.constant 1.000000e+00 : f32
      %sub3A_955 = vector.broadcast %sub3A_954 : f32 to vector<1x128xf32>
      %sub3A_956 = arith.subf %sub3A_955, %logistic3A_948 : vector<1x128xf32>
      %mul3A_957 = arith.mulf %sub3A_956, %tanh3A_953 : vector<1x128xf32>
      %mul3A_958 = arith.mulf %logistic3A_948, %scan3A_873 : vector<1x128xf32>
      %add3A_959 = arith.addf %mul3A_957, %mul3A_958 : vector<1x128xf32>
      %lt3A_960 = vector.broadcast %convert_element_type3A_875 : f32 to vector<1x1xf32>
      %lt3A_961 = arith.cmpf olt, %lt3A_960, %broadcast_in_dim3A_403 : vector<1x1xf32>
      %broadcast_in_dim3A_962 = vector.shape_cast %lt3A_961 : vector<1x1xi1> to vector<1x1xi1>
      %broadcast_in_dim3A_963 = vector.broadcast %broadcast_in_dim3A_962 : vector<1x1xi1> to vector<1x128xi1>
      %select_n3A_964 = arith.select %broadcast_in_dim3A_963, %add3A_959, %scan3A_873 : vector<1x128xi1>, vector<1x128xf32>
      %get3A_965 = arith.index_cast %scan3A_871 : i32 to index
      %get3A_966 = arith.constant 768 : index
      %get3A_967 = vector.load %arg46[%get3A_965, %get3A_966] : memref<128x1536xf32, #tpu.memory_space<vmem>>, vector<1x384xf32>
      %get3A_968 = arith.constant 0 : index
      %get3A_969 = arith.constant 0 : index
      %get3A_970 = vector.load %arg32[%get3A_968, %get3A_969] : memref<384x128xf32, #tpu.memory_space<vmem>>, vector<384x128xf32>
      %dot_general3A_971 = arith.constant dense<0.000000e+00> : vector<1x384xf32>
      %dot_general3A_972 = tpu.matmul %scan3A_874, %get3A_970, %dot_general3A_971 {dimension_numbers = #tpu.dot_dimension_numbers<[1], [1], [0], [0], [0, 0, 1, 0], [], []>, transpose_lhs_hint = false} : vector<1x128xf32>, vector<384x128xf32>, vector<1x384xf32> -> vector<1x384xf32>
      %get3A_973 = arith.constant 0 : index
      %get3A_974 = arith.constant 768 : index
      %get3A_975 = vector.load %arg34[%get3A_973, %get3A_974] : memref<1x1536xf32, #tpu.memory_space<vmem>>, vector<1x384xf32>
      %add3A_976 = arith.addf %dot_general3A_972, %get3A_975 : vector<1x384xf32>
      %slice3A_977 = vector.extract_strided_slice %get3A_967 {offsets = [0, 0], sizes = [1, 128], strides = [1, 1]} : vector<1x384xf32> to vector<1x128xf32>
      %slice3A_978 = vector.extract_strided_slice %add3A_976 {offsets = [0, 0], sizes = [1, 128], strides = [1, 1]} : vector<1x384xf32> to vector<1x128xf32>
      %add3A_979 = arith.addf %slice3A_977, %slice3A_978 : vector<1x128xf32>
      %logistic3A_980 = arith.negf %add3A_979 : vector<1x128xf32>
      %logistic3A_981 = math.exp %logistic3A_980 : vector<1x128xf32>
      %logistic3A_982 = arith.constant 1.000000e+00 : f32
      %logistic3A_983 = vector.broadcast %logistic3A_982 : f32 to vector<1x128xf32>
      %logistic3A_984 = arith.addf %logistic3A_983, %logistic3A_981 : vector<1x128xf32>
      %logistic3A_985 = arith.divf %logistic3A_983, %logistic3A_984 : vector<1x128xf32>
      %slice3A_986 = vector.extract_strided_slice %get3A_967 {offsets = [0, 128], sizes = [1, 128], strides = [1, 1]} : vector<1x384xf32> to vector<1x128xf32>
      %slice3A_987 = vector.extract_strided_slice %add3A_976 {offsets = [0, 128], sizes = [1, 128], strides = [1, 1]} : vector<1x384xf32> to vector<1x128xf32>
      %add3A_988 = arith.addf %slice3A_986, %slice3A_987 : vector<1x128xf32>
      %logistic3A_989 = arith.negf %add3A_988 : vector<1x128xf32>
      %logistic3A_990 = math.exp %logistic3A_989 : vector<1x128xf32>
      %logistic3A_991 = arith.constant 1.000000e+00 : f32
      %logistic3A_992 = vector.broadcast %logistic3A_991 : f32 to vector<1x128xf32>
      %logistic3A_993 = arith.addf %logistic3A_992, %logistic3A_990 : vector<1x128xf32>
      %logistic3A_994 = arith.divf %logistic3A_992, %logistic3A_993 : vector<1x128xf32>
      %slice3A_995 = vector.extract_strided_slice %get3A_967 {offsets = [0, 256], sizes = [1, 128], strides = [1, 1]} : vector<1x384xf32> to vector<1x128xf32>
      %slice3A_996 = vector.extract_strided_slice %add3A_976 {offsets = [0, 256], sizes = [1, 128], strides = [1, 1]} : vector<1x384xf32> to vector<1x128xf32>
      %mul3A_997 = arith.mulf %logistic3A_985, %slice3A_996 : vector<1x128xf32>
      %add3A_998 = arith.addf %slice3A_995, %mul3A_997 : vector<1x128xf32>
      %tanh3A_999 = math.tanh %add3A_998 : vector<1x128xf32>
      %sub3A_1000 = arith.constant 1.000000e+00 : f32
      %sub3A_1001 = vector.broadcast %sub3A_1000 : f32 to vector<1x128xf32>
      %sub3A_1002 = arith.subf %sub3A_1001, %logistic3A_994 : vector<1x128xf32>
      %mul3A_1003 = arith.mulf %sub3A_1002, %tanh3A_999 : vector<1x128xf32>
      %mul3A_1004 = arith.mulf %logistic3A_994, %scan3A_874 : vector<1x128xf32>
      %add3A_1005 = arith.addf %mul3A_1003, %mul3A_1004 : vector<1x128xf32>
      %lt3A_1006 = vector.broadcast %convert_element_type3A_875 : f32 to vector<1x1xf32>
      %lt3A_1007 = arith.cmpf olt, %lt3A_1006, %broadcast_in_dim3A_521 : vector<1x1xf32>
      %broadcast_in_dim3A_1008 = vector.shape_cast %lt3A_1007 : vector<1x1xi1> to vector<1x1xi1>
      %broadcast_in_dim3A_1009 = vector.broadcast %broadcast_in_dim3A_1008 : vector<1x1xi1> to vector<1x128xi1>
      %select_n3A_1010 = arith.select %broadcast_in_dim3A_1009, %add3A_1005, %scan3A_874 : vector<1x128xi1>, vector<1x128xf32>
      %scan3A_1011 = arith.constant 1 : i32
      %scan3A_1012 = arith.addi %scan3A_871, %scan3A_1011 : i32
      %convert_element_type3A_1013 = arith.sitofp %scan3A_1012 : i32 to f32
      %get3A_1014 = arith.index_cast %scan3A_1012 : i32 to index
      %get3A_1015 = arith.constant 0 : index
      %get3A_1016 = vector.load %arg46[%get3A_1014, %get3A_1015] : memref<128x1536xf32, #tpu.memory_space<vmem>>, vector<1x384xf32>
      %get3A_1017 = arith.constant 0 : index
      %get3A_1018 = arith.constant 0 : index
      %get3A_1019 = vector.load %arg30[%get3A_1017, %get3A_1018] : memref<384x128xf32, #tpu.memory_space<vmem>>, vector<384x128xf32>
      %dot_general3A_1020 = arith.constant dense<0.000000e+00> : vector<1x384xf32>
      %dot_general3A_1021 = tpu.matmul %select_n3A_918, %get3A_1019, %dot_general3A_1020 {dimension_numbers = #tpu.dot_dimension_numbers<[1], [1], [0], [0], [0, 0, 1, 0], [], []>, transpose_lhs_hint = false} : vector<1x128xf32>, vector<384x128xf32>, vector<1x384xf32> -> vector<1x384xf32>
      %get3A_1022 = arith.constant 0 : index
      %get3A_1023 = arith.constant 0 : index
      %get3A_1024 = vector.load %arg34[%get3A_1022, %get3A_1023] : memref<1x1536xf32, #tpu.memory_space<vmem>>, vector<1x384xf32>
      %add3A_1025 = arith.addf %dot_general3A_1021, %get3A_1024 : vector<1x384xf32>
      %slice3A_1026 = vector.extract_strided_slice %get3A_1016 {offsets = [0, 0], sizes = [1, 128], strides = [1, 1]} : vector<1x384xf32> to vector<1x128xf32>
      %slice3A_1027 = vector.extract_strided_slice %add3A_1025 {offsets = [0, 0], sizes = [1, 128], strides = [1, 1]} : vector<1x384xf32> to vector<1x128xf32>
      %add3A_1028 = arith.addf %slice3A_1026, %slice3A_1027 : vector<1x128xf32>
      %logistic3A_1029 = arith.negf %add3A_1028 : vector<1x128xf32>
      %logistic3A_1030 = math.exp %logistic3A_1029 : vector<1x128xf32>
      %logistic3A_1031 = arith.constant 1.000000e+00 : f32
      %logistic3A_1032 = vector.broadcast %logistic3A_1031 : f32 to vector<1x128xf32>
      %logistic3A_1033 = arith.addf %logistic3A_1032, %logistic3A_1030 : vector<1x128xf32>
      %logistic3A_1034 = arith.divf %logistic3A_1032, %logistic3A_1033 : vector<1x128xf32>
      %slice3A_1035 = vector.extract_strided_slice %get3A_1016 {offsets = [0, 128], sizes = [1, 128], strides = [1, 1]} : vector<1x384xf32> to vector<1x128xf32>
      %slice3A_1036 = vector.extract_strided_slice %add3A_1025 {offsets = [0, 128], sizes = [1, 128], strides = [1, 1]} : vector<1x384xf32> to vector<1x128xf32>
      %add3A_1037 = arith.addf %slice3A_1035, %slice3A_1036 : vector<1x128xf32>
      %logistic3A_1038 = arith.negf %add3A_1037 : vector<1x128xf32>
      %logistic3A_1039 = math.exp %logistic3A_1038 : vector<1x128xf32>
      %logistic3A_1040 = arith.constant 1.000000e+00 : f32
      %logistic3A_1041 = vector.broadcast %logistic3A_1040 : f32 to vector<1x128xf32>
      %logistic3A_1042 = arith.addf %logistic3A_1041, %logistic3A_1039 : vector<1x128xf32>
      %logistic3A_1043 = arith.divf %logistic3A_1041, %logistic3A_1042 : vector<1x128xf32>
      %slice3A_1044 = vector.extract_strided_slice %get3A_1016 {offsets = [0, 256], sizes = [1, 128], strides = [1, 1]} : vector<1x384xf32> to vector<1x128xf32>
      %slice3A_1045 = vector.extract_strided_slice %add3A_1025 {offsets = [0, 256], sizes = [1, 128], strides = [1, 1]} : vector<1x384xf32> to vector<1x128xf32>
      %mul3A_1046 = arith.mulf %logistic3A_1034, %slice3A_1045 : vector<1x128xf32>
      %add3A_1047 = arith.addf %slice3A_1044, %mul3A_1046 : vector<1x128xf32>
      %tanh3A_1048 = math.tanh %add3A_1047 : vector<1x128xf32>
      %sub3A_1049 = arith.constant 1.000000e+00 : f32
      %sub3A_1050 = vector.broadcast %sub3A_1049 : f32 to vector<1x128xf32>
      %sub3A_1051 = arith.subf %sub3A_1050, %logistic3A_1043 : vector<1x128xf32>
      %mul3A_1052 = arith.mulf %sub3A_1051, %tanh3A_1048 : vector<1x128xf32>
      %mul3A_1053 = arith.mulf %logistic3A_1043, %select_n3A_918 : vector<1x128xf32>
      %add3A_1054 = arith.addf %mul3A_1052, %mul3A_1053 : vector<1x128xf32>
      %lt3A_1055 = vector.broadcast %convert_element_type3A_1013 : f32 to vector<1x1xf32>
      %lt3A_1056 = arith.cmpf olt, %lt3A_1055, %broadcast_in_dim3A_285 : vector<1x1xf32>
      %broadcast_in_dim3A_1057 = vector.shape_cast %lt3A_1056 : vector<1x1xi1> to vector<1x1xi1>
      %broadcast_in_dim3A_1058 = vector.broadcast %broadcast_in_dim3A_1057 : vector<1x1xi1> to vector<1x128xi1>
      %select_n3A_1059 = arith.select %broadcast_in_dim3A_1058, %add3A_1054, %select_n3A_918 : vector<1x128xi1>, vector<1x128xf32>
      %get3A_1060 = arith.index_cast %scan3A_1012 : i32 to index
      %get3A_1061 = arith.constant 384 : index
      %get3A_1062 = vector.load %arg46[%get3A_1060, %get3A_1061] : memref<128x1536xf32, #tpu.memory_space<vmem>>, vector<1x384xf32>
      %get3A_1063 = arith.constant 0 : index
      %get3A_1064 = arith.constant 0 : index
      %get3A_1065 = vector.load %arg31[%get3A_1063, %get3A_1064] : memref<384x128xf32, #tpu.memory_space<vmem>>, vector<384x128xf32>
      %dot_general3A_1066 = arith.constant dense<0.000000e+00> : vector<1x384xf32>
      %dot_general3A_1067 = tpu.matmul %select_n3A_964, %get3A_1065, %dot_general3A_1066 {dimension_numbers = #tpu.dot_dimension_numbers<[1], [1], [0], [0], [0, 0, 1, 0], [], []>, transpose_lhs_hint = false} : vector<1x128xf32>, vector<384x128xf32>, vector<1x384xf32> -> vector<1x384xf32>
      %get3A_1068 = arith.constant 0 : index
      %get3A_1069 = arith.constant 384 : index
      %get3A_1070 = vector.load %arg34[%get3A_1068, %get3A_1069] : memref<1x1536xf32, #tpu.memory_space<vmem>>, vector<1x384xf32>
      %add3A_1071 = arith.addf %dot_general3A_1067, %get3A_1070 : vector<1x384xf32>
      %slice3A_1072 = vector.extract_strided_slice %get3A_1062 {offsets = [0, 0], sizes = [1, 128], strides = [1, 1]} : vector<1x384xf32> to vector<1x128xf32>
      %slice3A_1073 = vector.extract_strided_slice %add3A_1071 {offsets = [0, 0], sizes = [1, 128], strides = [1, 1]} : vector<1x384xf32> to vector<1x128xf32>
      %add3A_1074 = arith.addf %slice3A_1072, %slice3A_1073 : vector<1x128xf32>
      %logistic3A_1075 = arith.negf %add3A_1074 : vector<1x128xf32>
      %logistic3A_1076 = math.exp %logistic3A_1075 : vector<1x128xf32>
      %logistic3A_1077 = arith.constant 1.000000e+00 : f32
      %logistic3A_1078 = vector.broadcast %logistic3A_1077 : f32 to vector<1x128xf32>
      %logistic3A_1079 = arith.addf %logistic3A_1078, %logistic3A_1076 : vector<1x128xf32>
      %logistic3A_1080 = arith.divf %logistic3A_1078, %logistic3A_1079 : vector<1x128xf32>
      %slice3A_1081 = vector.extract_strided_slice %get3A_1062 {offsets = [0, 128], sizes = [1, 128], strides = [1, 1]} : vector<1x384xf32> to vector<1x128xf32>
      %slice3A_1082 = vector.extract_strided_slice %add3A_1071 {offsets = [0, 128], sizes = [1, 128], strides = [1, 1]} : vector<1x384xf32> to vector<1x128xf32>
      %add3A_1083 = arith.addf %slice3A_1081, %slice3A_1082 : vector<1x128xf32>
      %logistic3A_1084 = arith.negf %add3A_1083 : vector<1x128xf32>
      %logistic3A_1085 = math.exp %logistic3A_1084 : vector<1x128xf32>
      %logistic3A_1086 = arith.constant 1.000000e+00 : f32
      %logistic3A_1087 = vector.broadcast %logistic3A_1086 : f32 to vector<1x128xf32>
      %logistic3A_1088 = arith.addf %logistic3A_1087, %logistic3A_1085 : vector<1x128xf32>
      %logistic3A_1089 = arith.divf %logistic3A_1087, %logistic3A_1088 : vector<1x128xf32>
      %slice3A_1090 = vector.extract_strided_slice %get3A_1062 {offsets = [0, 256], sizes = [1, 128], strides = [1, 1]} : vector<1x384xf32> to vector<1x128xf32>
      %slice3A_1091 = vector.extract_strided_slice %add3A_1071 {offsets = [0, 256], sizes = [1, 128], strides = [1, 1]} : vector<1x384xf32> to vector<1x128xf32>
      %mul3A_1092 = arith.mulf %logistic3A_1080, %slice3A_1091 : vector<1x128xf32>
      %add3A_1093 = arith.addf %slice3A_1090, %mul3A_1092 : vector<1x128xf32>
      %tanh3A_1094 = math.tanh %add3A_1093 : vector<1x128xf32>
      %sub3A_1095 = arith.constant 1.000000e+00 : f32
      %sub3A_1096 = vector.broadcast %sub3A_1095 : f32 to vector<1x128xf32>
      %sub3A_1097 = arith.subf %sub3A_1096, %logistic3A_1089 : vector<1x128xf32>
      %mul3A_1098 = arith.mulf %sub3A_1097, %tanh3A_1094 : vector<1x128xf32>
      %mul3A_1099 = arith.mulf %logistic3A_1089, %select_n3A_964 : vector<1x128xf32>
      %add3A_1100 = arith.addf %mul3A_1098, %mul3A_1099 : vector<1x128xf32>
      %lt3A_1101 = vector.broadcast %convert_element_type3A_1013 : f32 to vector<1x1xf32>
      %lt3A_1102 = arith.cmpf olt, %lt3A_1101, %broadcast_in_dim3A_403 : vector<1x1xf32>
      %broadcast_in_dim3A_1103 = vector.shape_cast %lt3A_1102 : vector<1x1xi1> to vector<1x1xi1>
      %broadcast_in_dim3A_1104 = vector.broadcast %broadcast_in_dim3A_1103 : vector<1x1xi1> to vector<1x128xi1>
      %select_n3A_1105 = arith.select %broadcast_in_dim3A_1104, %add3A_1100, %select_n3A_964 : vector<1x128xi1>, vector<1x128xf32>
      %get3A_1106 = arith.index_cast %scan3A_1012 : i32 to index
      %get3A_1107 = arith.constant 768 : index
      %get3A_1108 = vector.load %arg46[%get3A_1106, %get3A_1107] : memref<128x1536xf32, #tpu.memory_space<vmem>>, vector<1x384xf32>
      %get3A_1109 = arith.constant 0 : index
      %get3A_1110 = arith.constant 0 : index
      %get3A_1111 = vector.load %arg32[%get3A_1109, %get3A_1110] : memref<384x128xf32, #tpu.memory_space<vmem>>, vector<384x128xf32>
      %dot_general3A_1112 = arith.constant dense<0.000000e+00> : vector<1x384xf32>
      %dot_general3A_1113 = tpu.matmul %select_n3A_1010, %get3A_1111, %dot_general3A_1112 {dimension_numbers = #tpu.dot_dimension_numbers<[1], [1], [0], [0], [0, 0, 1, 0], [], []>, transpose_lhs_hint = false} : vector<1x128xf32>, vector<384x128xf32>, vector<1x384xf32> -> vector<1x384xf32>
      %get3A_1114 = arith.constant 0 : index
      %get3A_1115 = arith.constant 768 : index
      %get3A_1116 = vector.load %arg34[%get3A_1114, %get3A_1115] : memref<1x1536xf32, #tpu.memory_space<vmem>>, vector<1x384xf32>
      %add3A_1117 = arith.addf %dot_general3A_1113, %get3A_1116 : vector<1x384xf32>
      %slice3A_1118 = vector.extract_strided_slice %get3A_1108 {offsets = [0, 0], sizes = [1, 128], strides = [1, 1]} : vector<1x384xf32> to vector<1x128xf32>
      %slice3A_1119 = vector.extract_strided_slice %add3A_1117 {offsets = [0, 0], sizes = [1, 128], strides = [1, 1]} : vector<1x384xf32> to vector<1x128xf32>
      %add3A_1120 = arith.addf %slice3A_1118, %slice3A_1119 : vector<1x128xf32>
      %logistic3A_1121 = arith.negf %add3A_1120 : vector<1x128xf32>
      %logistic3A_1122 = math.exp %logistic3A_1121 : vector<1x128xf32>
      %logistic3A_1123 = arith.constant 1.000000e+00 : f32
      %logistic3A_1124 = vector.broadcast %logistic3A_1123 : f32 to vector<1x128xf32>
      %logistic3A_1125 = arith.addf %logistic3A_1124, %logistic3A_1122 : vector<1x128xf32>
      %logistic3A_1126 = arith.divf %logistic3A_1124, %logistic3A_1125 : vector<1x128xf32>
      %slice3A_1127 = vector.extract_strided_slice %get3A_1108 {offsets = [0, 128], sizes = [1, 128], strides = [1, 1]} : vector<1x384xf32> to vector<1x128xf32>
      %slice3A_1128 = vector.extract_strided_slice %add3A_1117 {offsets = [0, 128], sizes = [1, 128], strides = [1, 1]} : vector<1x384xf32> to vector<1x128xf32>
      %add3A_1129 = arith.addf %slice3A_1127, %slice3A_1128 : vector<1x128xf32>
      %logistic3A_1130 = arith.negf %add3A_1129 : vector<1x128xf32>
      %logistic3A_1131 = math.exp %logistic3A_1130 : vector<1x128xf32>
      %logistic3A_1132 = arith.constant 1.000000e+00 : f32
      %logistic3A_1133 = vector.broadcast %logistic3A_1132 : f32 to vector<1x128xf32>
      %logistic3A_1134 = arith.addf %logistic3A_1133, %logistic3A_1131 : vector<1x128xf32>
      %logistic3A_1135 = arith.divf %logistic3A_1133, %logistic3A_1134 : vector<1x128xf32>
      %slice3A_1136 = vector.extract_strided_slice %get3A_1108 {offsets = [0, 256], sizes = [1, 128], strides = [1, 1]} : vector<1x384xf32> to vector<1x128xf32>
      %slice3A_1137 = vector.extract_strided_slice %add3A_1117 {offsets = [0, 256], sizes = [1, 128], strides = [1, 1]} : vector<1x384xf32> to vector<1x128xf32>
      %mul3A_1138 = arith.mulf %logistic3A_1126, %slice3A_1137 : vector<1x128xf32>
      %add3A_1139 = arith.addf %slice3A_1136, %mul3A_1138 : vector<1x128xf32>
      %tanh3A_1140 = math.tanh %add3A_1139 : vector<1x128xf32>
      %sub3A_1141 = arith.constant 1.000000e+00 : f32
      %sub3A_1142 = vector.broadcast %sub3A_1141 : f32 to vector<1x128xf32>
      %sub3A_1143 = arith.subf %sub3A_1142, %logistic3A_1135 : vector<1x128xf32>
      %mul3A_1144 = arith.mulf %sub3A_1143, %tanh3A_1140 : vector<1x128xf32>
      %mul3A_1145 = arith.mulf %logistic3A_1135, %select_n3A_1010 : vector<1x128xf32>
      %add3A_1146 = arith.addf %mul3A_1144, %mul3A_1145 : vector<1x128xf32>
      %lt3A_1147 = vector.broadcast %convert_element_type3A_1013 : f32 to vector<1x1xf32>
      %lt3A_1148 = arith.cmpf olt, %lt3A_1147, %broadcast_in_dim3A_521 : vector<1x1xf32>
      %broadcast_in_dim3A_1149 = vector.shape_cast %lt3A_1148 : vector<1x1xi1> to vector<1x1xi1>
      %broadcast_in_dim3A_1150 = vector.broadcast %broadcast_in_dim3A_1149 : vector<1x1xi1> to vector<1x128xi1>
      %select_n3A_1151 = arith.select %broadcast_in_dim3A_1150, %add3A_1146, %select_n3A_1010 : vector<1x128xi1>, vector<1x128xf32>
      %scan3A_1152 = arith.constant 2 : i32
      %scan3A_1153 = arith.addi %scan3A_871, %scan3A_1152 : i32
      %convert_element_type3A_1154 = arith.sitofp %scan3A_1153 : i32 to f32
      %get3A_1155 = arith.index_cast %scan3A_1153 : i32 to index
      %get3A_1156 = arith.constant 0 : index
      %get3A_1157 = vector.load %arg46[%get3A_1155, %get3A_1156] : memref<128x1536xf32, #tpu.memory_space<vmem>>, vector<1x384xf32>
      %get3A_1158 = arith.constant 0 : index
      %get3A_1159 = arith.constant 0 : index
      %get3A_1160 = vector.load %arg30[%get3A_1158, %get3A_1159] : memref<384x128xf32, #tpu.memory_space<vmem>>, vector<384x128xf32>
      %dot_general3A_1161 = arith.constant dense<0.000000e+00> : vector<1x384xf32>
      %dot_general3A_1162 = tpu.matmul %select_n3A_1059, %get3A_1160, %dot_general3A_1161 {dimension_numbers = #tpu.dot_dimension_numbers<[1], [1], [0], [0], [0, 0, 1, 0], [], []>, transpose_lhs_hint = false} : vector<1x128xf32>, vector<384x128xf32>, vector<1x384xf32> -> vector<1x384xf32>
      %get3A_1163 = arith.constant 0 : index
      %get3A_1164 = arith.constant 0 : index
      %get3A_1165 = vector.load %arg34[%get3A_1163, %get3A_1164] : memref<1x1536xf32, #tpu.memory_space<vmem>>, vector<1x384xf32>
      %add3A_1166 = arith.addf %dot_general3A_1162, %get3A_1165 : vector<1x384xf32>
      %slice3A_1167 = vector.extract_strided_slice %get3A_1157 {offsets = [0, 0], sizes = [1, 128], strides = [1, 1]} : vector<1x384xf32> to vector<1x128xf32>
      %slice3A_1168 = vector.extract_strided_slice %add3A_1166 {offsets = [0, 0], sizes = [1, 128], strides = [1, 1]} : vector<1x384xf32> to vector<1x128xf32>
      %add3A_1169 = arith.addf %slice3A_1167, %slice3A_1168 : vector<1x128xf32>
      %logistic3A_1170 = arith.negf %add3A_1169 : vector<1x128xf32>
      %logistic3A_1171 = math.exp %logistic3A_1170 : vector<1x128xf32>
      %logistic3A_1172 = arith.constant 1.000000e+00 : f32
      %logistic3A_1173 = vector.broadcast %logistic3A_1172 : f32 to vector<1x128xf32>
      %logistic3A_1174 = arith.addf %logistic3A_1173, %logistic3A_1171 : vector<1x128xf32>
      %logistic3A_1175 = arith.divf %logistic3A_1173, %logistic3A_1174 : vector<1x128xf32>
      %slice3A_1176 = vector.extract_strided_slice %get3A_1157 {offsets = [0, 128], sizes = [1, 128], strides = [1, 1]} : vector<1x384xf32> to vector<1x128xf32>
      %slice3A_1177 = vector.extract_strided_slice %add3A_1166 {offsets = [0, 128], sizes = [1, 128], strides = [1, 1]} : vector<1x384xf32> to vector<1x128xf32>
      %add3A_1178 = arith.addf %slice3A_1176, %slice3A_1177 : vector<1x128xf32>
      %logistic3A_1179 = arith.negf %add3A_1178 : vector<1x128xf32>
      %logistic3A_1180 = math.exp %logistic3A_1179 : vector<1x128xf32>
      %logistic3A_1181 = arith.constant 1.000000e+00 : f32
      %logistic3A_1182 = vector.broadcast %logistic3A_1181 : f32 to vector<1x128xf32>
      %logistic3A_1183 = arith.addf %logistic3A_1182, %logistic3A_1180 : vector<1x128xf32>
      %logistic3A_1184 = arith.divf %logistic3A_1182, %logistic3A_1183 : vector<1x128xf32>
      %slice3A_1185 = vector.extract_strided_slice %get3A_1157 {offsets = [0, 256], sizes = [1, 128], strides = [1, 1]} : vector<1x384xf32> to vector<1x128xf32>
      %slice3A_1186 = vector.extract_strided_slice %add3A_1166 {offsets = [0, 256], sizes = [1, 128], strides = [1, 1]} : vector<1x384xf32> to vector<1x128xf32>
      %mul3A_1187 = arith.mulf %logistic3A_1175, %slice3A_1186 : vector<1x128xf32>
      %add3A_1188 = arith.addf %slice3A_1185, %mul3A_1187 : vector<1x128xf32>
      %tanh3A_1189 = math.tanh %add3A_1188 : vector<1x128xf32>
      %sub3A_1190 = arith.constant 1.000000e+00 : f32
      %sub3A_1191 = vector.broadcast %sub3A_1190 : f32 to vector<1x128xf32>
      %sub3A_1192 = arith.subf %sub3A_1191, %logistic3A_1184 : vector<1x128xf32>
      %mul3A_1193 = arith.mulf %sub3A_1192, %tanh3A_1189 : vector<1x128xf32>
      %mul3A_1194 = arith.mulf %logistic3A_1184, %select_n3A_1059 : vector<1x128xf32>
      %add3A_1195 = arith.addf %mul3A_1193, %mul3A_1194 : vector<1x128xf32>
      %lt3A_1196 = vector.broadcast %convert_element_type3A_1154 : f32 to vector<1x1xf32>
      %lt3A_1197 = arith.cmpf olt, %lt3A_1196, %broadcast_in_dim3A_285 : vector<1x1xf32>
      %broadcast_in_dim3A_1198 = vector.shape_cast %lt3A_1197 : vector<1x1xi1> to vector<1x1xi1>
      %broadcast_in_dim3A_1199 = vector.broadcast %broadcast_in_dim3A_1198 : vector<1x1xi1> to vector<1x128xi1>
      %select_n3A_1200 = arith.select %broadcast_in_dim3A_1199, %add3A_1195, %select_n3A_1059 : vector<1x128xi1>, vector<1x128xf32>
      %get3A_1201 = arith.index_cast %scan3A_1153 : i32 to index
      %get3A_1202 = arith.constant 384 : index
      %get3A_1203 = vector.load %arg46[%get3A_1201, %get3A_1202] : memref<128x1536xf32, #tpu.memory_space<vmem>>, vector<1x384xf32>
      %get3A_1204 = arith.constant 0 : index
      %get3A_1205 = arith.constant 0 : index
      %get3A_1206 = vector.load %arg31[%get3A_1204, %get3A_1205] : memref<384x128xf32, #tpu.memory_space<vmem>>, vector<384x128xf32>
      %dot_general3A_1207 = arith.constant dense<0.000000e+00> : vector<1x384xf32>
      %dot_general3A_1208 = tpu.matmul %select_n3A_1105, %get3A_1206, %dot_general3A_1207 {dimension_numbers = #tpu.dot_dimension_numbers<[1], [1], [0], [0], [0, 0, 1, 0], [], []>, transpose_lhs_hint = false} : vector<1x128xf32>, vector<384x128xf32>, vector<1x384xf32> -> vector<1x384xf32>
      %get3A_1209 = arith.constant 0 : index
      %get3A_1210 = arith.constant 384 : index
      %get3A_1211 = vector.load %arg34[%get3A_1209, %get3A_1210] : memref<1x1536xf32, #tpu.memory_space<vmem>>, vector<1x384xf32>
      %add3A_1212 = arith.addf %dot_general3A_1208, %get3A_1211 : vector<1x384xf32>
      %slice3A_1213 = vector.extract_strided_slice %get3A_1203 {offsets = [0, 0], sizes = [1, 128], strides = [1, 1]} : vector<1x384xf32> to vector<1x128xf32>
      %slice3A_1214 = vector.extract_strided_slice %add3A_1212 {offsets = [0, 0], sizes = [1, 128], strides = [1, 1]} : vector<1x384xf32> to vector<1x128xf32>
      %add3A_1215 = arith.addf %slice3A_1213, %slice3A_1214 : vector<1x128xf32>
      %logistic3A_1216 = arith.negf %add3A_1215 : vector<1x128xf32>
      %logistic3A_1217 = math.exp %logistic3A_1216 : vector<1x128xf32>
      %logistic3A_1218 = arith.constant 1.000000e+00 : f32
      %logistic3A_1219 = vector.broadcast %logistic3A_1218 : f32 to vector<1x128xf32>
      %logistic3A_1220 = arith.addf %logistic3A_1219, %logistic3A_1217 : vector<1x128xf32>
      %logistic3A_1221 = arith.divf %logistic3A_1219, %logistic3A_1220 : vector<1x128xf32>
      %slice3A_1222 = vector.extract_strided_slice %get3A_1203 {offsets = [0, 128], sizes = [1, 128], strides = [1, 1]} : vector<1x384xf32> to vector<1x128xf32>
      %slice3A_1223 = vector.extract_strided_slice %add3A_1212 {offsets = [0, 128], sizes = [1, 128], strides = [1, 1]} : vector<1x384xf32> to vector<1x128xf32>
      %add3A_1224 = arith.addf %slice3A_1222, %slice3A_1223 : vector<1x128xf32>
      %logistic3A_1225 = arith.negf %add3A_1224 : vector<1x128xf32>
      %logistic3A_1226 = math.exp %logistic3A_1225 : vector<1x128xf32>
      %logistic3A_1227 = arith.constant 1.000000e+00 : f32
      %logistic3A_1228 = vector.broadcast %logistic3A_1227 : f32 to vector<1x128xf32>
      %logistic3A_1229 = arith.addf %logistic3A_1228, %logistic3A_1226 : vector<1x128xf32>
      %logistic3A_1230 = arith.divf %logistic3A_1228, %logistic3A_1229 : vector<1x128xf32>
      %slice3A_1231 = vector.extract_strided_slice %get3A_1203 {offsets = [0, 256], sizes = [1, 128], strides = [1, 1]} : vector<1x384xf32> to vector<1x128xf32>
      %slice3A_1232 = vector.extract_strided_slice %add3A_1212 {offsets = [0, 256], sizes = [1, 128], strides = [1, 1]} : vector<1x384xf32> to vector<1x128xf32>
      %mul3A_1233 = arith.mulf %logistic3A_1221, %slice3A_1232 : vector<1x128xf32>
      %add3A_1234 = arith.addf %slice3A_1231, %mul3A_1233 : vector<1x128xf32>
      %tanh3A_1235 = math.tanh %add3A_1234 : vector<1x128xf32>
      %sub3A_1236 = arith.constant 1.000000e+00 : f32
      %sub3A_1237 = vector.broadcast %sub3A_1236 : f32 to vector<1x128xf32>
      %sub3A_1238 = arith.subf %sub3A_1237, %logistic3A_1230 : vector<1x128xf32>
      %mul3A_1239 = arith.mulf %sub3A_1238, %tanh3A_1235 : vector<1x128xf32>
      %mul3A_1240 = arith.mulf %logistic3A_1230, %select_n3A_1105 : vector<1x128xf32>
      %add3A_1241 = arith.addf %mul3A_1239, %mul3A_1240 : vector<1x128xf32>
      %lt3A_1242 = vector.broadcast %convert_element_type3A_1154 : f32 to vector<1x1xf32>
      %lt3A_1243 = arith.cmpf olt, %lt3A_1242, %broadcast_in_dim3A_403 : vector<1x1xf32>
      %broadcast_in_dim3A_1244 = vector.shape_cast %lt3A_1243 : vector<1x1xi1> to vector<1x1xi1>
      %broadcast_in_dim3A_1245 = vector.broadcast %broadcast_in_dim3A_1244 : vector<1x1xi1> to vector<1x128xi1>
      %select_n3A_1246 = arith.select %broadcast_in_dim3A_1245, %add3A_1241, %select_n3A_1105 : vector<1x128xi1>, vector<1x128xf32>
      %get3A_1247 = arith.index_cast %scan3A_1153 : i32 to index
      %get3A_1248 = arith.constant 768 : index
      %get3A_1249 = vector.load %arg46[%get3A_1247, %get3A_1248] : memref<128x1536xf32, #tpu.memory_space<vmem>>, vector<1x384xf32>
      %get3A_1250 = arith.constant 0 : index
      %get3A_1251 = arith.constant 0 : index
      %get3A_1252 = vector.load %arg32[%get3A_1250, %get3A_1251] : memref<384x128xf32, #tpu.memory_space<vmem>>, vector<384x128xf32>
      %dot_general3A_1253 = arith.constant dense<0.000000e+00> : vector<1x384xf32>
      %dot_general3A_1254 = tpu.matmul %select_n3A_1151, %get3A_1252, %dot_general3A_1253 {dimension_numbers = #tpu.dot_dimension_numbers<[1], [1], [0], [0], [0, 0, 1, 0], [], []>, transpose_lhs_hint = false} : vector<1x128xf32>, vector<384x128xf32>, vector<1x384xf32> -> vector<1x384xf32>
      %get3A_1255 = arith.constant 0 : index
      %get3A_1256 = arith.constant 768 : index
      %get3A_1257 = vector.load %arg34[%get3A_1255, %get3A_1256] : memref<1x1536xf32, #tpu.memory_space<vmem>>, vector<1x384xf32>
      %add3A_1258 = arith.addf %dot_general3A_1254, %get3A_1257 : vector<1x384xf32>
      %slice3A_1259 = vector.extract_strided_slice %get3A_1249 {offsets = [0, 0], sizes = [1, 128], strides = [1, 1]} : vector<1x384xf32> to vector<1x128xf32>
      %slice3A_1260 = vector.extract_strided_slice %add3A_1258 {offsets = [0, 0], sizes = [1, 128], strides = [1, 1]} : vector<1x384xf32> to vector<1x128xf32>
      %add3A_1261 = arith.addf %slice3A_1259, %slice3A_1260 : vector<1x128xf32>
      %logistic3A_1262 = arith.negf %add3A_1261 : vector<1x128xf32>
      %logistic3A_1263 = math.exp %logistic3A_1262 : vector<1x128xf32>
      %logistic3A_1264 = arith.constant 1.000000e+00 : f32
      %logistic3A_1265 = vector.broadcast %logistic3A_1264 : f32 to vector<1x128xf32>
      %logistic3A_1266 = arith.addf %logistic3A_1265, %logistic3A_1263 : vector<1x128xf32>
      %logistic3A_1267 = arith.divf %logistic3A_1265, %logistic3A_1266 : vector<1x128xf32>
      %slice3A_1268 = vector.extract_strided_slice %get3A_1249 {offsets = [0, 128], sizes = [1, 128], strides = [1, 1]} : vector<1x384xf32> to vector<1x128xf32>
      %slice3A_1269 = vector.extract_strided_slice %add3A_1258 {offsets = [0, 128], sizes = [1, 128], strides = [1, 1]} : vector<1x384xf32> to vector<1x128xf32>
      %add3A_1270 = arith.addf %slice3A_1268, %slice3A_1269 : vector<1x128xf32>
      %logistic3A_1271 = arith.negf %add3A_1270 : vector<1x128xf32>
      %logistic3A_1272 = math.exp %logistic3A_1271 : vector<1x128xf32>
      %logistic3A_1273 = arith.constant 1.000000e+00 : f32
      %logistic3A_1274 = vector.broadcast %logistic3A_1273 : f32 to vector<1x128xf32>
      %logistic3A_1275 = arith.addf %logistic3A_1274, %logistic3A_1272 : vector<1x128xf32>
      %logistic3A_1276 = arith.divf %logistic3A_1274, %logistic3A_1275 : vector<1x128xf32>
      %slice3A_1277 = vector.extract_strided_slice %get3A_1249 {offsets = [0, 256], sizes = [1, 128], strides = [1, 1]} : vector<1x384xf32> to vector<1x128xf32>
      %slice3A_1278 = vector.extract_strided_slice %add3A_1258 {offsets = [0, 256], sizes = [1, 128], strides = [1, 1]} : vector<1x384xf32> to vector<1x128xf32>
      %mul3A_1279 = arith.mulf %logistic3A_1267, %slice3A_1278 : vector<1x128xf32>
      %add3A_1280 = arith.addf %slice3A_1277, %mul3A_1279 : vector<1x128xf32>
      %tanh3A_1281 = math.tanh %add3A_1280 : vector<1x128xf32>
      %sub3A_1282 = arith.constant 1.000000e+00 : f32
      %sub3A_1283 = vector.broadcast %sub3A_1282 : f32 to vector<1x128xf32>
      %sub3A_1284 = arith.subf %sub3A_1283, %logistic3A_1276 : vector<1x128xf32>
      %mul3A_1285 = arith.mulf %sub3A_1284, %tanh3A_1281 : vector<1x128xf32>
      %mul3A_1286 = arith.mulf %logistic3A_1276, %select_n3A_1151 : vector<1x128xf32>
      %add3A_1287 = arith.addf %mul3A_1285, %mul3A_1286 : vector<1x128xf32>
      %lt3A_1288 = vector.broadcast %convert_element_type3A_1154 : f32 to vector<1x1xf32>
      %lt3A_1289 = arith.cmpf olt, %lt3A_1288, %broadcast_in_dim3A_521 : vector<1x1xf32>
      %broadcast_in_dim3A_1290 = vector.shape_cast %lt3A_1289 : vector<1x1xi1> to vector<1x1xi1>
      %broadcast_in_dim3A_1291 = vector.broadcast %broadcast_in_dim3A_1290 : vector<1x1xi1> to vector<1x128xi1>
      %select_n3A_1292 = arith.select %broadcast_in_dim3A_1291, %add3A_1287, %select_n3A_1151 : vector<1x128xi1>, vector<1x128xf32>
      scf.yield %select_n3A_1200, %select_n3A_1246, %select_n3A_1292 : vector<1x128xf32>, vector<1x128xf32>, vector<1x128xf32>
    }
    %scan3A_849 = arith.constant 24 : i32
    %concatenate3A = tpu.concatenate %scan3A_848#0, %scan3A_848#1, %scan3A_848#2 in 1 : vector<1x128xf32>, vector<1x128xf32>, vector<1x128xf32> -> vector<1x384xf32>
    %broadcast_in_dim3A_850 = arith.constant 0.000000e+00 : f32
    %broadcast_in_dim3A_851 = vector.broadcast %broadcast_in_dim3A_850 : f32 to vector<1x128xf32>
    %scan3A_852 = arith.constant 0 : i32
    %scan3A_853 = arith.constant 128 : i32
    %scan3A_854 = arith.addi %scan3A_852, %scan3A_853 : i32
    %scan3A_855 = arith.constant 4 : i32
    %scan3A_856 = scf.for %scan3A_871 = %scan3A_852 to %scan3A_854 step %scan3A_855 iter_args(%scan3A_872 = %broadcast_in_dim3A_851) -> (vector<1x128xf32>)  : i32 {
      %convert_element_type3A_873 = arith.sitofp %scan3A_871 : i32 to f32
      %get3A_874 = arith.index_cast %scan3A_871 : i32 to index
      %get3A_875 = arith.constant 1152 : index
      %get3A_876 = vector.load %arg46[%get3A_874, %get3A_875] : memref<128x1536xf32, #tpu.memory_space<vmem>>, vector<1x384xf32>
      %get3A_877 = arith.constant 0 : index
      %get3A_878 = arith.constant 0 : index
      %get3A_879 = vector.load %arg33[%get3A_877, %get3A_878] : memref<384x128xf32, #tpu.memory_space<vmem>>, vector<384x128xf32>
      %dot_general3A_880 = arith.constant dense<0.000000e+00> : vector<1x384xf32>
      %dot_general3A_881 = tpu.matmul %scan3A_872, %get3A_879, %dot_general3A_880 {dimension_numbers = #tpu.dot_dimension_numbers<[1], [1], [0], [0], [0, 0, 1, 0], [], []>, transpose_lhs_hint = false} : vector<1x128xf32>, vector<384x128xf32>, vector<1x384xf32> -> vector<1x384xf32>
      %get3A_882 = arith.constant 0 : index
      %get3A_883 = arith.constant 1152 : index
      %get3A_884 = vector.load %arg34[%get3A_882, %get3A_883] : memref<1x1536xf32, #tpu.memory_space<vmem>>, vector<1x384xf32>
      %add3A_885 = arith.addf %dot_general3A_881, %get3A_884 : vector<1x384xf32>
      %slice3A = vector.extract_strided_slice %get3A_876 {offsets = [0, 0], sizes = [1, 128], strides = [1, 1]} : vector<1x384xf32> to vector<1x128xf32>
      %slice3A_886 = vector.extract_strided_slice %add3A_885 {offsets = [0, 0], sizes = [1, 128], strides = [1, 1]} : vector<1x384xf32> to vector<1x128xf32>
      %add3A_887 = arith.addf %slice3A, %slice3A_886 : vector<1x128xf32>
      %logistic3A = arith.negf %add3A_887 : vector<1x128xf32>
      %logistic3A_888 = math.exp %logistic3A : vector<1x128xf32>
      %logistic3A_889 = arith.constant 1.000000e+00 : f32
      %logistic3A_890 = vector.broadcast %logistic3A_889 : f32 to vector<1x128xf32>
      %logistic3A_891 = arith.addf %logistic3A_890, %logistic3A_888 : vector<1x128xf32>
      %logistic3A_892 = arith.divf %logistic3A_890, %logistic3A_891 : vector<1x128xf32>
      %slice3A_893 = vector.extract_strided_slice %get3A_876 {offsets = [0, 128], sizes = [1, 128], strides = [1, 1]} : vector<1x384xf32> to vector<1x128xf32>
      %slice3A_894 = vector.extract_strided_slice %add3A_885 {offsets = [0, 128], sizes = [1, 128], strides = [1, 1]} : vector<1x384xf32> to vector<1x128xf32>
      %add3A_895 = arith.addf %slice3A_893, %slice3A_894 : vector<1x128xf32>
      %logistic3A_896 = arith.negf %add3A_895 : vector<1x128xf32>
      %logistic3A_897 = math.exp %logistic3A_896 : vector<1x128xf32>
      %logistic3A_898 = arith.constant 1.000000e+00 : f32
      %logistic3A_899 = vector.broadcast %logistic3A_898 : f32 to vector<1x128xf32>
      %logistic3A_900 = arith.addf %logistic3A_899, %logistic3A_897 : vector<1x128xf32>
      %logistic3A_901 = arith.divf %logistic3A_899, %logistic3A_900 : vector<1x128xf32>
      %slice3A_902 = vector.extract_strided_slice %get3A_876 {offsets = [0, 256], sizes = [1, 128], strides = [1, 1]} : vector<1x384xf32> to vector<1x128xf32>
      %slice3A_903 = vector.extract_strided_slice %add3A_885 {offsets = [0, 256], sizes = [1, 128], strides = [1, 1]} : vector<1x384xf32> to vector<1x128xf32>
      %mul3A_904 = arith.mulf %logistic3A_892, %slice3A_903 : vector<1x128xf32>
      %add3A_905 = arith.addf %slice3A_902, %mul3A_904 : vector<1x128xf32>
      %tanh3A = math.tanh %add3A_905 : vector<1x128xf32>
      %sub3A_906 = arith.constant 1.000000e+00 : f32
      %sub3A_907 = vector.broadcast %sub3A_906 : f32 to vector<1x128xf32>
      %sub3A_908 = arith.subf %sub3A_907, %logistic3A_901 : vector<1x128xf32>
      %mul3A_909 = arith.mulf %sub3A_908, %tanh3A : vector<1x128xf32>
      %mul3A_910 = arith.mulf %logistic3A_901, %scan3A_872 : vector<1x128xf32>
      %add3A_911 = arith.addf %mul3A_909, %mul3A_910 : vector<1x128xf32>
      %lt3A_912 = vector.broadcast %convert_element_type3A_873 : f32 to vector<1x1xf32>
      %lt3A_913 = arith.cmpf olt, %lt3A_912, %broadcast_in_dim3A_639 : vector<1x1xf32>
      %broadcast_in_dim3A_914 = vector.shape_cast %lt3A_913 : vector<1x1xi1> to vector<1x1xi1>
      %broadcast_in_dim3A_915 = vector.broadcast %broadcast_in_dim3A_914 : vector<1x1xi1> to vector<1x128xi1>
      %select_n3A_916 = arith.select %broadcast_in_dim3A_915, %add3A_911, %scan3A_872 : vector<1x128xi1>, vector<1x128xf32>
      %scan3A_917 = arith.constant 1 : i32
      %scan3A_918 = arith.addi %scan3A_871, %scan3A_917 : i32
      %convert_element_type3A_919 = arith.sitofp %scan3A_918 : i32 to f32
      %get3A_920 = arith.index_cast %scan3A_918 : i32 to index
      %get3A_921 = arith.constant 1152 : index
      %get3A_922 = vector.load %arg46[%get3A_920, %get3A_921] : memref<128x1536xf32, #tpu.memory_space<vmem>>, vector<1x384xf32>
      %get3A_923 = arith.constant 0 : index
      %get3A_924 = arith.constant 0 : index
      %get3A_925 = vector.load %arg33[%get3A_923, %get3A_924] : memref<384x128xf32, #tpu.memory_space<vmem>>, vector<384x128xf32>
      %dot_general3A_926 = arith.constant dense<0.000000e+00> : vector<1x384xf32>
      %dot_general3A_927 = tpu.matmul %select_n3A_916, %get3A_925, %dot_general3A_926 {dimension_numbers = #tpu.dot_dimension_numbers<[1], [1], [0], [0], [0, 0, 1, 0], [], []>, transpose_lhs_hint = false} : vector<1x128xf32>, vector<384x128xf32>, vector<1x384xf32> -> vector<1x384xf32>
      %get3A_928 = arith.constant 0 : index
      %get3A_929 = arith.constant 1152 : index
      %get3A_930 = vector.load %arg34[%get3A_928, %get3A_929] : memref<1x1536xf32, #tpu.memory_space<vmem>>, vector<1x384xf32>
      %add3A_931 = arith.addf %dot_general3A_927, %get3A_930 : vector<1x384xf32>
      %slice3A_932 = vector.extract_strided_slice %get3A_922 {offsets = [0, 0], sizes = [1, 128], strides = [1, 1]} : vector<1x384xf32> to vector<1x128xf32>
      %slice3A_933 = vector.extract_strided_slice %add3A_931 {offsets = [0, 0], sizes = [1, 128], strides = [1, 1]} : vector<1x384xf32> to vector<1x128xf32>
      %add3A_934 = arith.addf %slice3A_932, %slice3A_933 : vector<1x128xf32>
      %logistic3A_935 = arith.negf %add3A_934 : vector<1x128xf32>
      %logistic3A_936 = math.exp %logistic3A_935 : vector<1x128xf32>
      %logistic3A_937 = arith.constant 1.000000e+00 : f32
      %logistic3A_938 = vector.broadcast %logistic3A_937 : f32 to vector<1x128xf32>
      %logistic3A_939 = arith.addf %logistic3A_938, %logistic3A_936 : vector<1x128xf32>
      %logistic3A_940 = arith.divf %logistic3A_938, %logistic3A_939 : vector<1x128xf32>
      %slice3A_941 = vector.extract_strided_slice %get3A_922 {offsets = [0, 128], sizes = [1, 128], strides = [1, 1]} : vector<1x384xf32> to vector<1x128xf32>
      %slice3A_942 = vector.extract_strided_slice %add3A_931 {offsets = [0, 128], sizes = [1, 128], strides = [1, 1]} : vector<1x384xf32> to vector<1x128xf32>
      %add3A_943 = arith.addf %slice3A_941, %slice3A_942 : vector<1x128xf32>
      %logistic3A_944 = arith.negf %add3A_943 : vector<1x128xf32>
      %logistic3A_945 = math.exp %logistic3A_944 : vector<1x128xf32>
      %logistic3A_946 = arith.constant 1.000000e+00 : f32
      %logistic3A_947 = vector.broadcast %logistic3A_946 : f32 to vector<1x128xf32>
      %logistic3A_948 = arith.addf %logistic3A_947, %logistic3A_945 : vector<1x128xf32>
      %logistic3A_949 = arith.divf %logistic3A_947, %logistic3A_948 : vector<1x128xf32>
      %slice3A_950 = vector.extract_strided_slice %get3A_922 {offsets = [0, 256], sizes = [1, 128], strides = [1, 1]} : vector<1x384xf32> to vector<1x128xf32>
      %slice3A_951 = vector.extract_strided_slice %add3A_931 {offsets = [0, 256], sizes = [1, 128], strides = [1, 1]} : vector<1x384xf32> to vector<1x128xf32>
      %mul3A_952 = arith.mulf %logistic3A_940, %slice3A_951 : vector<1x128xf32>
      %add3A_953 = arith.addf %slice3A_950, %mul3A_952 : vector<1x128xf32>
      %tanh3A_954 = math.tanh %add3A_953 : vector<1x128xf32>
      %sub3A_955 = arith.constant 1.000000e+00 : f32
      %sub3A_956 = vector.broadcast %sub3A_955 : f32 to vector<1x128xf32>
      %sub3A_957 = arith.subf %sub3A_956, %logistic3A_949 : vector<1x128xf32>
      %mul3A_958 = arith.mulf %sub3A_957, %tanh3A_954 : vector<1x128xf32>
      %mul3A_959 = arith.mulf %logistic3A_949, %select_n3A_916 : vector<1x128xf32>
      %add3A_960 = arith.addf %mul3A_958, %mul3A_959 : vector<1x128xf32>
      %lt3A_961 = vector.broadcast %convert_element_type3A_919 : f32 to vector<1x1xf32>
      %lt3A_962 = arith.cmpf olt, %lt3A_961, %broadcast_in_dim3A_639 : vector<1x1xf32>
      %broadcast_in_dim3A_963 = vector.shape_cast %lt3A_962 : vector<1x1xi1> to vector<1x1xi1>
      %broadcast_in_dim3A_964 = vector.broadcast %broadcast_in_dim3A_963 : vector<1x1xi1> to vector<1x128xi1>
      %select_n3A_965 = arith.select %broadcast_in_dim3A_964, %add3A_960, %select_n3A_916 : vector<1x128xi1>, vector<1x128xf32>
      %scan3A_966 = arith.constant 2 : i32
      %scan3A_967 = arith.addi %scan3A_871, %scan3A_966 : i32
      %convert_element_type3A_968 = arith.sitofp %scan3A_967 : i32 to f32
      %get3A_969 = arith.index_cast %scan3A_967 : i32 to index
      %get3A_970 = arith.constant 1152 : index
      %get3A_971 = vector.load %arg46[%get3A_969, %get3A_970] : memref<128x1536xf32, #tpu.memory_space<vmem>>, vector<1x384xf32>
      %get3A_972 = arith.constant 0 : index
      %get3A_973 = arith.constant 0 : index
      %get3A_974 = vector.load %arg33[%get3A_972, %get3A_973] : memref<384x128xf32, #tpu.memory_space<vmem>>, vector<384x128xf32>
      %dot_general3A_975 = arith.constant dense<0.000000e+00> : vector<1x384xf32>
      %dot_general3A_976 = tpu.matmul %select_n3A_965, %get3A_974, %dot_general3A_975 {dimension_numbers = #tpu.dot_dimension_numbers<[1], [1], [0], [0], [0, 0, 1, 0], [], []>, transpose_lhs_hint = false} : vector<1x128xf32>, vector<384x128xf32>, vector<1x384xf32> -> vector<1x384xf32>
      %get3A_977 = arith.constant 0 : index
      %get3A_978 = arith.constant 1152 : index
      %get3A_979 = vector.load %arg34[%get3A_977, %get3A_978] : memref<1x1536xf32, #tpu.memory_space<vmem>>, vector<1x384xf32>
      %add3A_980 = arith.addf %dot_general3A_976, %get3A_979 : vector<1x384xf32>
      %slice3A_981 = vector.extract_strided_slice %get3A_971 {offsets = [0, 0], sizes = [1, 128], strides = [1, 1]} : vector<1x384xf32> to vector<1x128xf32>
      %slice3A_982 = vector.extract_strided_slice %add3A_980 {offsets = [0, 0], sizes = [1, 128], strides = [1, 1]} : vector<1x384xf32> to vector<1x128xf32>
      %add3A_983 = arith.addf %slice3A_981, %slice3A_982 : vector<1x128xf32>
      %logistic3A_984 = arith.negf %add3A_983 : vector<1x128xf32>
      %logistic3A_985 = math.exp %logistic3A_984 : vector<1x128xf32>
      %logistic3A_986 = arith.constant 1.000000e+00 : f32
      %logistic3A_987 = vector.broadcast %logistic3A_986 : f32 to vector<1x128xf32>
      %logistic3A_988 = arith.addf %logistic3A_987, %logistic3A_985 : vector<1x128xf32>
      %logistic3A_989 = arith.divf %logistic3A_987, %logistic3A_988 : vector<1x128xf32>
      %slice3A_990 = vector.extract_strided_slice %get3A_971 {offsets = [0, 128], sizes = [1, 128], strides = [1, 1]} : vector<1x384xf32> to vector<1x128xf32>
      %slice3A_991 = vector.extract_strided_slice %add3A_980 {offsets = [0, 128], sizes = [1, 128], strides = [1, 1]} : vector<1x384xf32> to vector<1x128xf32>
      %add3A_992 = arith.addf %slice3A_990, %slice3A_991 : vector<1x128xf32>
      %logistic3A_993 = arith.negf %add3A_992 : vector<1x128xf32>
      %logistic3A_994 = math.exp %logistic3A_993 : vector<1x128xf32>
      %logistic3A_995 = arith.constant 1.000000e+00 : f32
      %logistic3A_996 = vector.broadcast %logistic3A_995 : f32 to vector<1x128xf32>
      %logistic3A_997 = arith.addf %logistic3A_996, %logistic3A_994 : vector<1x128xf32>
      %logistic3A_998 = arith.divf %logistic3A_996, %logistic3A_997 : vector<1x128xf32>
      %slice3A_999 = vector.extract_strided_slice %get3A_971 {offsets = [0, 256], sizes = [1, 128], strides = [1, 1]} : vector<1x384xf32> to vector<1x128xf32>
      %slice3A_1000 = vector.extract_strided_slice %add3A_980 {offsets = [0, 256], sizes = [1, 128], strides = [1, 1]} : vector<1x384xf32> to vector<1x128xf32>
      %mul3A_1001 = arith.mulf %logistic3A_989, %slice3A_1000 : vector<1x128xf32>
      %add3A_1002 = arith.addf %slice3A_999, %mul3A_1001 : vector<1x128xf32>
      %tanh3A_1003 = math.tanh %add3A_1002 : vector<1x128xf32>
      %sub3A_1004 = arith.constant 1.000000e+00 : f32
      %sub3A_1005 = vector.broadcast %sub3A_1004 : f32 to vector<1x128xf32>
      %sub3A_1006 = arith.subf %sub3A_1005, %logistic3A_998 : vector<1x128xf32>
      %mul3A_1007 = arith.mulf %sub3A_1006, %tanh3A_1003 : vector<1x128xf32>
      %mul3A_1008 = arith.mulf %logistic3A_998, %select_n3A_965 : vector<1x128xf32>
      %add3A_1009 = arith.addf %mul3A_1007, %mul3A_1008 : vector<1x128xf32>
      %lt3A_1010 = vector.broadcast %convert_element_type3A_968 : f32 to vector<1x1xf32>
      %lt3A_1011 = arith.cmpf olt, %lt3A_1010, %broadcast_in_dim3A_639 : vector<1x1xf32>
      %broadcast_in_dim3A_1012 = vector.shape_cast %lt3A_1011 : vector<1x1xi1> to vector<1x1xi1>
      %broadcast_in_dim3A_1013 = vector.broadcast %broadcast_in_dim3A_1012 : vector<1x1xi1> to vector<1x128xi1>
      %select_n3A_1014 = arith.select %broadcast_in_dim3A_1013, %add3A_1009, %select_n3A_965 : vector<1x128xi1>, vector<1x128xf32>
      %scan3A_1015 = arith.constant 3 : i32
      %scan3A_1016 = arith.addi %scan3A_871, %scan3A_1015 : i32
      %convert_element_type3A_1017 = arith.sitofp %scan3A_1016 : i32 to f32
      %get3A_1018 = arith.index_cast %scan3A_1016 : i32 to index
      %get3A_1019 = arith.constant 1152 : index
      %get3A_1020 = vector.load %arg46[%get3A_1018, %get3A_1019] : memref<128x1536xf32, #tpu.memory_space<vmem>>, vector<1x384xf32>
      %get3A_1021 = arith.constant 0 : index
      %get3A_1022 = arith.constant 0 : index
      %get3A_1023 = vector.load %arg33[%get3A_1021, %get3A_1022] : memref<384x128xf32, #tpu.memory_space<vmem>>, vector<384x128xf32>
      %dot_general3A_1024 = arith.constant dense<0.000000e+00> : vector<1x384xf32>
      %dot_general3A_1025 = tpu.matmul %select_n3A_1014, %get3A_1023, %dot_general3A_1024 {dimension_numbers = #tpu.dot_dimension_numbers<[1], [1], [0], [0], [0, 0, 1, 0], [], []>, transpose_lhs_hint = false} : vector<1x128xf32>, vector<384x128xf32>, vector<1x384xf32> -> vector<1x384xf32>
      %get3A_1026 = arith.constant 0 : index
      %get3A_1027 = arith.constant 1152 : index
      %get3A_1028 = vector.load %arg34[%get3A_1026, %get3A_1027] : memref<1x1536xf32, #tpu.memory_space<vmem>>, vector<1x384xf32>
      %add3A_1029 = arith.addf %dot_general3A_1025, %get3A_1028 : vector<1x384xf32>
      %slice3A_1030 = vector.extract_strided_slice %get3A_1020 {offsets = [0, 0], sizes = [1, 128], strides = [1, 1]} : vector<1x384xf32> to vector<1x128xf32>
      %slice3A_1031 = vector.extract_strided_slice %add3A_1029 {offsets = [0, 0], sizes = [1, 128], strides = [1, 1]} : vector<1x384xf32> to vector<1x128xf32>
      %add3A_1032 = arith.addf %slice3A_1030, %slice3A_1031 : vector<1x128xf32>
      %logistic3A_1033 = arith.negf %add3A_1032 : vector<1x128xf32>
      %logistic3A_1034 = math.exp %logistic3A_1033 : vector<1x128xf32>
      %logistic3A_1035 = arith.constant 1.000000e+00 : f32
      %logistic3A_1036 = vector.broadcast %logistic3A_1035 : f32 to vector<1x128xf32>
      %logistic3A_1037 = arith.addf %logistic3A_1036, %logistic3A_1034 : vector<1x128xf32>
      %logistic3A_1038 = arith.divf %logistic3A_1036, %logistic3A_1037 : vector<1x128xf32>
      %slice3A_1039 = vector.extract_strided_slice %get3A_1020 {offsets = [0, 128], sizes = [1, 128], strides = [1, 1]} : vector<1x384xf32> to vector<1x128xf32>
      %slice3A_1040 = vector.extract_strided_slice %add3A_1029 {offsets = [0, 128], sizes = [1, 128], strides = [1, 1]} : vector<1x384xf32> to vector<1x128xf32>
      %add3A_1041 = arith.addf %slice3A_1039, %slice3A_1040 : vector<1x128xf32>
      %logistic3A_1042 = arith.negf %add3A_1041 : vector<1x128xf32>
      %logistic3A_1043 = math.exp %logistic3A_1042 : vector<1x128xf32>
      %logistic3A_1044 = arith.constant 1.000000e+00 : f32
      %logistic3A_1045 = vector.broadcast %logistic3A_1044 : f32 to vector<1x128xf32>
      %logistic3A_1046 = arith.addf %logistic3A_1045, %logistic3A_1043 : vector<1x128xf32>
      %logistic3A_1047 = arith.divf %logistic3A_1045, %logistic3A_1046 : vector<1x128xf32>
      %slice3A_1048 = vector.extract_strided_slice %get3A_1020 {offsets = [0, 256], sizes = [1, 128], strides = [1, 1]} : vector<1x384xf32> to vector<1x128xf32>
      %slice3A_1049 = vector.extract_strided_slice %add3A_1029 {offsets = [0, 256], sizes = [1, 128], strides = [1, 1]} : vector<1x384xf32> to vector<1x128xf32>
      %mul3A_1050 = arith.mulf %logistic3A_1038, %slice3A_1049 : vector<1x128xf32>
      %add3A_1051 = arith.addf %slice3A_1048, %mul3A_1050 : vector<1x128xf32>
      %tanh3A_1052 = math.tanh %add3A_1051 : vector<1x128xf32>
      %sub3A_1053 = arith.constant 1.000000e+00 : f32
      %sub3A_1054 = vector.broadcast %sub3A_1053 : f32 to vector<1x128xf32>
      %sub3A_1055 = arith.subf %sub3A_1054, %logistic3A_1047 : vector<1x128xf32>
      %mul3A_1056 = arith.mulf %sub3A_1055, %tanh3A_1052 : vector<1x128xf32>
      %mul3A_1057 = arith.mulf %logistic3A_1047, %select_n3A_1014 : vector<1x128xf32>
      %add3A_1058 = arith.addf %mul3A_1056, %mul3A_1057 : vector<1x128xf32>
      %lt3A_1059 = vector.broadcast %convert_element_type3A_1017 : f32 to vector<1x1xf32>
      %lt3A_1060 = arith.cmpf olt, %lt3A_1059, %broadcast_in_dim3A_639 : vector<1x1xf32>
      %broadcast_in_dim3A_1061 = vector.shape_cast %lt3A_1060 : vector<1x1xi1> to vector<1x1xi1>
      %broadcast_in_dim3A_1062 = vector.broadcast %broadcast_in_dim3A_1061 : vector<1x1xi1> to vector<1x128xi1>
      %select_n3A_1063 = arith.select %broadcast_in_dim3A_1062, %add3A_1058, %select_n3A_1014 : vector<1x128xi1>, vector<1x128xf32>
      scf.yield %select_n3A_1063 : vector<1x128xf32>
    }
    %scan3A_857 = arith.constant 128 : i32
    %concatenate3A_858 = tpu.concatenate %concatenate3A, %scan3A_856 in 1 : vector<1x384xf32>, vector<1x128xf32> -> vector<1x512xf32>
    %get3A_859 = arith.constant 0 : index
    %get3A_860 = arith.constant 0 : index
    %get3A_861 = vector.load %arg35[%get3A_859, %get3A_860] : memref<256x512xf32, #tpu.memory_space<vmem>>, vector<256x512xf32>
    %dot_general3A_862 = arith.constant dense<0.000000e+00> : vector<1x256xf32>
    %dot_general3A_863 = tpu.matmul %concatenate3A_858, %get3A_861, %dot_general3A_862 {dimension_numbers = #tpu.dot_dimension_numbers<[1], [1], [0], [0], [0, 0, 1, 0], [], []>, transpose_lhs_hint = false} : vector<1x512xf32>, vector<256x512xf32>, vector<1x256xf32> -> vector<1x256xf32>
    %get3A_864 = arith.constant 0 : index
    %get3A_865 = arith.constant 0 : index
    %get3A_866 = vector.load %arg36[%get3A_864, %get3A_865] : memref<1x256xf32, #tpu.memory_space<vmem>>, vector<1x256xf32>
    %add3A_867 = arith.addf %dot_general3A_863, %get3A_866 : vector<1x256xf32>
    %swap3A_868 = arith.constant 0 : index
    %swap3A_869 = arith.constant 0 : index
    %swap3A_870 = vector.load %arg37[%swap3A_868, %swap3A_869] : memref<1x256xf32, #tpu.memory_space<vmem>>, vector<1x256xf32>
    tpu.vector_store %arg37[%swap3A_868, %swap3A_869], %add3A_867 {strides = array<i32>} : memref<1x256xf32, #tpu.memory_space<vmem>>, vector<1x256xf32>,
    return
  }
}

</mosaic_0001>

<sc_bundles>
// kernel: kernel.4.cloned.1.call-start
scs
__scs_entry_jumppad:
0x0: {  	(pc) =	sbr.rel $0x88, $3  }
0x1: {  	(tag) =	ssettag $0x0;
	lr =	simm.s32 $0x1  }
0x2: {  	[smem:$0x3F76] =	sst lr;
	_ =	strace $0xD0000000  }
0x3: {  	_ = 	snop  }
0x4: {  	_ = 	snop  }
0x5: {  	_ = 	snop  }
0x6: {  	_ = 	snop  }
0x7: {  	_ = 	snop  }
__scs_overlays_trampoline_lowered:
0x8: {  	[smem:$0x3F85] =	sst s0  }
0x9: {  	[smem:$0x3F86] =	sst s1  }
0xa: {  	[smem:$0x3F87] =	sst s2  }
0xb: {  	[smem:$0x3F88] =	sst s3  }
0xc: {  	[smem:$0x3F89] =	sst s4  }
0xd: {  	[smem:$0x3F8A] =	sst s5  }
0xe: {  	[smem:$0x3F8B] =	sst s6  }
0xf: {  	[smem:$0x3F8C] =	sst s7  }
0x10: {  	[smem:$0x3F8D] =	sst s8  }
0x11: {  	[smem:$0x3F8E] =	sst s9;
	s0 =	simm.s32 @!p0 $0x0  }
0x12: {  	s1 =	sld [smem:$0x3F74];
	s0 =	simm.s32 @p0 $0x1  }
0x13: {  	[smem:$0x3F8F] =	sst s0;
	s0 =	simm.s32 @!p1 $0x0  }
0x14: {  	s2 =	sld [smem:$0x3F73];
	s0 =	simm.s32 @p1 $0x1  }
0x15: {  	[smem:$0x3F90] =	sst s0;
	s0 =	simm.s32 @!p2 $0x0  }
0x16: {  	s3 =	sld [smem:$0x3FDB];
	s0 =	simm.s32 @p2 $0x1  }
0x17: {  	s4 =	simm.s32 $0x1BF5;
	[smem:$0x3F92] =	sst s0  }
0x18: {  	s0 =	sld [smem:$0x3F75];
	_ =	swait.ge [sflag:s4], $0x0  }
0x19: {  	s7 =	sld [smem:$0x3F76]  }
0x1a: {  	s8 =	sadd.s32 $0xFFFFE003, lr  }
0x1b: {  	s9 =	sadd.s32 $0xFFFFFEF7, lr;
	s5 =	simm.s32 $0xFFFFFFFF;
	p2 =	slt.u32 s8, $0xFFFFF086  }
0x1c: {  	p1 =	slt.u32 s9, $0xF7A;
	s5 =	simm.s32 @!p2 $0x0  }
0x1d: {  	s5 =	simm.s32 @p1 $0x1;
	p0 =	seq.s32 s7, s2  }
0x1e: {  	s7 =	smul.u32 @!p0 $0xF7A, s2;
	p2 =	seq.s32 @!p0 s5, $0x0  }
0x1f: {  	s9 =	smul.u32 $0xF7A, s1;
	s8 =	simm.s32 @!p0 $0x1BF5;
	p2 =	por !p2, p0  }
0x20: {  	[sflag:s8] =	ssyncset.s32 @!p0 $0xFFFFF086;
	s6 =	sadd.s32 @!p0 s3, s7;
	s7 =	simm.s32 @!p0 $0x108  }
0x21: {  	s3 =	sadd.s32 s3, s9;
	s6 =	sadd.s32 @!p0 $0x88, s6;
	s7 =	simm.s32 @p2 $0x1082  }
0x22: {  	[simem:s7], [sflag:s8] =	dma.local @!p0 [hbm:s6], $0xF7A  }
0x23: {  	s9 =	sor.u32 $0xD0000000, s2;
	s6 =	simm.s32 $0x108;
	_ =	swait.ge @!p0 [sflag:s8], $0x0  }
0x24: {  	s3 =	sadd.s32 $0x88, s3;
	s6 =	simm.s32 @!p1 $0x1082;
	[sflag:s4] =	ssyncset.s32 $0xFFFFF086  }
0x25: {  	[simem:s6], [sflag:s4] =	dma.local [hbm:s3], $0xF7A  }
0x26: {  	[smem:$0x3F76] =	sst s1;
	(tag) =	ssettag s2;
	_ =	strace s9  }
0x27: {  	s1 =	sld [smem:$0x3F86]  }
0x28: {  	s2 =	sld [smem:$0x3F87]  }
0x29: {  	s4 =	sld [smem:$0x3F89]  }
0x2a: {  	p0 =	seq.s32 s5, $0x0;
	s5 =	sld [smem:$0x3F8A]  }
0x2b: {  	s6 =	sld [smem:$0x3F8B]  }
0x2c: {  	s7 =	sld [smem:$0x3F8C]  }
0x2d: {  	s3 =	simm.s32 $0x108;
	s8 =	sld [smem:$0x3F8D]  }
0x2e: {  	s3 =	simm.s32 @!p0 $0x1082;
	s9 =	sld [smem:$0x3F8E]  }
0x2f: {  	lr =	sadd.s32 s0, s3;
	s0 =	sld [smem:$0x3F85]  }
0x30: {  	s3 =	sld [smem:$0x3F88]  }
0x31: {  	[smem:$0x3F91] =	sst s10  }
0x32: {  	s10 =	sld [smem:$0x3F8F];
	_ =	sdelay $0x3  }
0x33: {  	p0 =	seq.s32 s10, $0x1;
	s10 =	sld [smem:$0x3F91];
	_ =	sdelay $0x3  }
0x34: {  	[smem:$0x3F91] =	sst s10  }
0x35: {  	s10 =	sld [smem:$0x3F90];
	_ =	sdelay $0x3  }
0x36: {  	p1 =	seq.s32 s10, $0x1;
	s10 =	sld [smem:$0x3F91];
	_ =	sdelay $0x3  }
0x37: {  	[smem:$0x3F91] =	sst s10  }
0x38: {  	s10 =	sld [smem:$0x3F92]  }
0x39: {  	_ = 	snop;
	(pc) =	sbr.ind lr, $3  }
0x3a: {  	_ = 	snop  }
0x3b: {  	_ = 	snop  }
0x3c: {  	p2 =	seq.s32 s10, $0x1;
	s10 =	sld [smem:$0x3F91]  }
0x3d: {  	_ =	shalt  }
0x3e: {  	_ =	shalt  }
0x3f: {  	_ =	shalt  }
0x40: {  	_ =	shalt  }
0x41: {  	_ =	shalt  }
0x42: {  	_ =	shalt  }
0x43: {  	_ =	shalt  }
0x44: {  	_ =	shalt  }
0x45: {  	_ =	shalt  }
0x46: {  	_ =	shalt  }
0x47: {  	_ =	shalt  }
0x48: {  	_ =	shalt  }
0x49: {  	_ =	shalt  }
0x4a: {  	_ =	shalt  }
0x4b: {  	_ =	shalt  }
0x4c: {  	_ =	shalt  }
0x4d: {  	_ =	shalt  }
0x4e: {  	_ =	shalt  }
0x4f: {  	_ =	shalt  }
0x50: {  	_ =	shalt  }
0x51: {  	_ =	shalt  }
0x52: {  	_ =	shalt  }
0x53: {  	_ =	shalt  }
0x54: {  	_ =	shalt  }
0x55: {  	_ =	shalt  }
0x56: {  	_ =	shalt  }
0x57: {  	_ =	shalt  }
0x58: {  	_ =	shalt  }
0x59: {  	_ =	shalt  }
0x5a: {  	_ =	shalt  }
0x5b: {  	_ =	shalt  }
0x5c: {  	_ =	shalt  }
0x5d: {  	_ =	shalt  }
0x5e: {  	_ =	shalt  }
0x5f: {  	_ =	shalt  }
0x60: {  	_ =	shalt  }
0x61: {  	_ =	shalt  }
0x62: {  	_ =	shalt  }
0x63: {  	_ =	shalt  }
0x64: {  	_ =	shalt  }
0x65: {  	_ =	shalt  }
0x66: {  	_ =	shalt  }
0x67: {  	_ =	shalt  }
0x68: {  	_ =	shalt  }
0x69: {  	_ =	shalt  }
0x6a: {  	_ =	shalt  }
0x6b: {  	_ =	shalt  }
0x6c: {  	_ =	shalt  }
0x6d: {  	_ =	shalt  }
0x6e: {  	_ =	shalt  }
0x6f: {  	_ =	shalt  }
0x70: {  	_ =	shalt  }
0x71: {  	_ =	shalt  }
0x72: {  	_ =	shalt  }
0x73: {  	_ =	shalt  }
0x74: {  	_ =	shalt  }
0x75: {  	_ =	shalt  }
0x76: {  	_ =	shalt  }
0x77: {  	_ =	shalt  }
0x78: {  	_ =	shalt  }
0x79: {  	_ =	shalt  }
0x7a: {  	_ =	shalt  }
0x7b: {  	_ =	shalt  }
0x7c: {  	_ =	shalt  }
0x7d: {  	_ =	shalt  }
0x7e: {  	_ =	shalt  }
0x7f: {  	_ =	shalt  }
0x80: {  	_ =	shalt  }
0x81: {  	_ =	shalt  }
0x82: {  	_ =	shalt  }
0x83: {  	_ =	shalt  }
0x84: {  	_ =	shalt  }
0x85: {  	_ =	shalt  }
0x86: {  	_ =	shalt  }
0x87: {  	_ =	shalt  }
.Lfunc_end0:
.L_simem_size_0:
called_computation_lowered:
.L_overlay_start_0:
0x88: {  	s2 =	sld [smem:$0x3FD9]  }
0x89: {  	s3 =	sld [smem:$0x3FFE];
	_ =	sdelay $0x1  }
0x8a: {  	s1 =	srdreg.scid  }
0x8b: {  	s0 =	sand.u32 $0x1, s1  }
0x8c: {  	s17 =	sshll.u32 s0, $0xA;
	s2 =	sadd.s32 s3, s2  }
0x8d: {  	s2 =	sadd.s32 s2, s17  }
0x8e: {  	[smem:$0x3F9D] =	sst s2  }
0x8f: {  	_ = 	snop  }
0x90: {  	s2 =	sld [smem:$0x3FC6];
	(tm) =	ssettm $0x1  }
0x91: {  	s18 =	sld [smem:$0x3FFB];
	_ =	sdelay $0x3  }
0x92: {  	_ =	strace s18  }
0x93: {  	s3 =	sld [smem:$0x3FFC];
	_ =	sdelay $0x3  }
0x94: {  	_ =	strace s3  }
0x95: {  	s3 =	sld [smem:$0x3FFD];
	_ =	sdelay $0x3  }
0x96: {  	_ =	strace s3  }
0x97: {  	_ =	strace $0x8FFFFFFF  }
0x98: {  	s19 =	sld [smem:$0x3FDB];
	_ =	sdelay $0x1  }
0x99: {  	s4 =	simm.s32 $_scs_section_size  }
0x9a: {  	s5 =	simm.s32 $_size__tile_overlayer_lowered;
	s6 =	simm.s32 $_tile_overlayer_lowered  }
0x9b: {  	s22 =	simm.s32 $0x1BFF;
	s21 =	sshll.u32 s6, $0x1;
	s3 =	sadd.s32 s4, s19  }
0x9c: {  	s7 =	simm.s32 $0x0;
	s20 =	sshll.u32 s5, $0x1;
	s5 =	sadd.s32 s21, s3  }
0x9d: {  	[timem:s7], [sflag:s22] =	dma.local [hbm:s5], s20  }
0x9e: {  	_ =	swait.ge [sflag:s22], s20  }
0x9f: {  	s4 =	ssub.s32 $0x0, s20;
	[sflag:s22] =	ssyncset.done $0x0  }
0xa0: {  	[sflag:s22] =	ssyncadd.s32 s4;
	_ =	sdelay $0x1  }
0xa1: {  	s23 =	simm.s32 $0x1B8B  }
0xa2: {  	_ =	swait.ge [sflag:s23], $0x1  }
0xa3: {  	[sflag:s23] =	ssyncset.done $0x0  }
0xa4: {  	s25 =	simm.s32 $0x1B8E;
	s24 =	sld [smem:$0x3FFE];
	[sflag:s23] =	ssyncadd.s32 $0xFFFFFFFF  }
0xa5: {  	s26 =	simm.s32 $execute0_lowered;
	[smem:$0x3FD2] =	sst s25  }
0xa6: {  	s5 =	sshll.u32 s26, $0x1;
	_ =	strace $0x80000046;
	[dreg:$0x1] =	wrdreg $0xFFFFFFFF  }
0xa7: {  	s28 =	simm.s32 $_size_execute0_lowered;
	s3 =	sadd.s32 s3, s5;
	[dreg:$0x0] =	wrdreg $0x0  }
0xa8: {  	s5 =	sshll.u32 s28, $0x1;
	[dreg:$0x2] =	wrdreg s3  }
0xa9: {  	[dreg:$0x3] =	wrdreg s5  }
0xaa: {  	[dreg:$0x4] =	wrdreg $0xC0  }
0xab: {  	_ =	task [dreg:s7], $0x5FFFF  }
0xac: {  	[dreg:$0x1] =	wrdreg $0xFFFFFFFF  }
0xad: {  	[dreg:$0x0] =	wrdreg $0x60  }
0xae: {  	[dreg:$0x2] =	wrdreg s2  }
0xaf: {  	[dreg:$0x3] =	wrdreg s24  }
0xb0: {  	[dreg:$0x4] =	wrdreg $0x9  }
0xb1: {  	_ =	task.clear_ibuf [dreg:s7], $0x5FFFF;
	_ =	strace $0x90000046  }
0xb2: {  	s29 =	simm.s32 $0x9;
	_ =	strace $0x80000048  }
0xb3: {  	_ =	swait.ge [sflag:s29], $0x1  }
0xb4: {  	[sflag:s29] =	ssyncadd.s32 $0xFFFFFFFF  }
0xb5: {  	_ =	strace $0x90000048  }
0xb6: {  	_ =	sfence  }
0xb7: {  	s30 =	sld [smem:$0x0];
	_ =	sdelay $0x2  }
0xb8: {  	s31 =	sshll.u32 s1, $0xD;
	s1 =	sshrl.u32 s1, $0x2  }
0xb9: {  	s3 =	sand.u32 $0x4000, s31;
	s1 =	sadd.s32 s1, s30  }
0xba: {  	s0 =	sor.u32 s3, s0;
	s1 =	sshll.u32 s1, $0x11  }
0xbb: {  	s0 =	sor.u32 s1, s0  }
0xbc: {  	s0 =	sadd.s32 $0x8F2B, s0  }
0xbd: {  	[sflag:s0] =	ssyncadd.remote.s32 $0x1  }
0xbe: {  	_ =	sfence.sel $0xFFFF  }
0xbf: {  	[dreg:$0x0] =	wrdreg $0xFFFFFFFF;
	(pc) =	sbr.abs _section_cstart, $3  }
0xc0: {  	[dreg:$0x1] =	wrdreg $0xFFFFFFFF  }
0xc1: {  	_ =	task.clear_ibuf [dreg:s7], $0x2FFFF;
	_ =	strace $0x9FFFFFFF  }
0xc2: {  	(tm) =	ssettm $0x7FFFFFFF  }
0xc3: {  	_ =	shalt  }
tec
execute0_lowered:
.L_overlay_start_1:
0x0: {  	(tag) =	ssettag $0x1  }
0x1: {  	s1 =	srdreg.scid;
	s0 =	stileid.u32  }
0x2: {  	s11 =	sand.u32 $0x1, s1;
	s29 =	sshll.u32 s0, $0x1  }
0x3: {  	s2 =	rddreg [dreg:$0x0];
	s12 =	sor.u32 s11, s29  }
0x4: {  	s13 =	rddreg [dreg:$0x1];
	s4 =	smul.u32 $0x19, s12  }
0x5: {  	s3 =	simm.s32 $0x0;
	s1 =	rddreg [dreg:$0x2]  }
0x6: {  	[smem:$0x7FF] =	sst s3;
	s4 =	sadd.s32 s4, s13  }
0x7: {  	_ =	strace $0x80000047;
	s5 =	sadd.s32 $0x5800, s4;
	s4 =	simm.s32 $0x2  }
0x8: {  	[tilespmem:s3], [sflag:$0x2] =	stream.linear.gather [hbm4b:s5+s3], $0xC8, $0x38;
	[tilespmem:$0x6500] =	vst v63  }
0x9: {  	_ =	swait.ge [sflag:s4], $0xC8  }
0xa: {  	s6 =	simm.s32 $0x80;
	[sflag:s4] =	ssyncset.done $0x0  }
0xb: {  	s7 =	simm.s32 $0x100;
	s8 =	simm.s32 $0x48;
	[sflag:s4] =	ssyncadd.s32 $0xFFFFFF38  }
0xc: {  	[tilespmem:s7], [sflag:$0x1] =	stream.indirect.gather [hbm4b:s2+s6], $0x80, s3, s6, $0xb8;
	[tilespmem:$0x6500] =	vst v63  }
0xd: {  	s9 =	simm.s32 $0x4100;
	s10 =	simm.s32 $0x1;
	s11 =	ssub.s32 $0x2, s11  }
0xe: {  	[tilespmem:s9], [sflag:$0x1] =	stream.indirect.gather [hbm4b:s2+s8], $0x80, s6, s8, $0xb8;
	[tilespmem:$0x6500] =	vst v63  }
0xf: {  	s14 =	sshrl.u32 s11, $0x1;
	_ =	swait.ge [sflag:s10], $0x4000  }
0x10: {  	s30 =	ssub.s32 s11, s14;
	[sflag:s10] =	ssyncset.done $0x0  }
0x11: {  	s12 =	smul.u32 $0xC80, s12;
	s31 =	smax.u32 s30, $0x1;
	[sflag:s10] =	ssyncadd.s32 $0xFFFFC000  }
0x12: {  	p0 =	sne.s32 s31, $0x1;
	_ =	swait.ge [sflag:s10], $0x2400  }
.Ltmp0:
0x13: {  	s12 =	sadd.s32 s12, s13;
	[sflag:s10] =	ssyncset.done $0x0;
	(pc) =	sbr.rel @!p0 .LBB2_2-.Ltmp0, $4  }
0x14: {  	s11 =	sadd.s32 $0x5C00, s12;
	[sflag:s10] =	ssyncadd.s32 $0xFFFFDC00  }
0x15: {  	[hbm4b:s11+s3] =	stream.linear.scatter [tilespmem:s7], [sflag:$0x2], $0x6400, $0x38;
	[tilespmem:$0x6500] =	vst v63  }
0x16: {  	_ =	swait.ge [sflag:s4], $0x6400  }
0x17: {  	s12 =	sadd.s32 $0xFFFFFFFF, s31;
	[sflag:s4] =	ssyncset.done $0x0  }
.LBB2_1:
0x18: {  	p0 =	sne.s32 s12, $0x1;
	s12 =	sadd.s32 $0xFFFFFFFF, s12;
	[sflag:s4] =	ssyncadd.s32 $0xFFFF9C00  }
0x19: {  	[tilespmem:s3], [sflag:$0x2] =	stream.linear.gather [hbm4b:s5+s3], $0xC8, $0x38;
	[tilespmem:$0x6500] =	vst v63  }
0x1a: {  	_ =	swait.ge [sflag:s4], $0xC8  }
0x1b: {  	[sflag:s4] =	ssyncset.done $0x0  }
0x1c: {  	[sflag:s4] =	ssyncadd.s32 $0xFFFFFF38  }
0x1d: {  	[tilespmem:s7], [sflag:$0x1] =	stream.indirect.gather [hbm4b:s2+s6], $0x80, s3, s6, $0xb8;
	[tilespmem:$0x6500] =	vst v63  }
0x1e: {  	_ = 	snop  }
0x1f: {  	[tilespmem:s9], [sflag:$0x1] =	stream.indirect.gather [hbm4b:s2+s8], $0x80, s6, s8, $0xb8;
	[tilespmem:$0x6500] =	vst v63  }
0x20: {  	_ =	swait.ge [sflag:s10], $0x4000  }
0x21: {  	[sflag:s10] =	ssyncset.done $0x0  }
0x22: {  	[sflag:s10] =	ssyncadd.s32 $0xFFFFC000  }
0x23: {  	_ =	swait.ge [sflag:s10], $0x2400  }
.Ltmp1:
0x24: {  	[sflag:s10] =	ssyncset.done $0x0;
	(pc) =	sbr.rel @p0 .LBB2_1-.Ltmp1, $4  }
0x25: {  	[sflag:s10] =	ssyncadd.s32 $0xFFFFDC00  }
0x26: {  	[hbm4b:s11+s3] =	stream.linear.scatter [tilespmem:s7], [sflag:$0x2], $0x6400, $0x38;
	[tilespmem:$0x6500] =	vst v63  }
0x27: {  	_ =	swait.ge [sflag:s4], $0x6400  }
0x28: {  	[sflag:s4] =	ssyncset.done $0x0  }
.LBB2_2:
0x29: {  	[sflag:s4] =	ssyncadd.s32 $0xFFFF9C00  }
0x2a: {  	_ =	sfence.sel $0x180000  }
0x2b: {  	[bflag:$0x0] =	sbarrier.arrive $0xFFFF  }
0x2c: {  	p0 =	sne.s32 s0, $0x0;
	_ =	strace $0x90000047  }
0x2d: {  	s0 =	sadd.s32 @!p0 $0x100000, s1;
	[bflag:$0x2] =	sbarrier.arrive $0xFFFF  }
0x2e: {  	[sflag:s0] =	ssyncadd.tile.s32 @!p0 $0x1;
	_ =	shalt  }
.Lfunc_end2:
_tile_overlayer_lowered:
.L_overlay_start_2:
0x2f: {  	(tag) =	ssettag $0x2  }
0x30: {  	s0 =	rddreg [dreg:$0x0];
	s2 =	stileid.u32  }
0x31: {  	s1 =	rddreg [dreg:$0x1];
	p0 =	sne.s32 s2, $0x0  }
0x32: {  	s3 =	rddreg [dreg:$0x2];
	[bflag:$0x3] =	sbarrier.arrive $0xFFFF;
	s2 =	simm.s32 @!p0 $0x1C02  }
0x33: {  	[timem:s3], [sflag:s2] =	dma.local @!p0 [hbm:s0], s1  }
0x34: {  	s0 =	simm.s32 @!p0 $0x2  }
0x35: {  	_ =	swait.ge @!p0 [sflag:s0], s1  }
0x36: {  	s1 =	ssub.s32 @!p0 $0x0, s1;
	[sflag:s0] =	ssyncset.done @!p0 $0x0  }
0x37: {  	[sflag:s0] =	ssyncadd.s32 @!p0 s1  }
0x38: {  	[bflag:$0x3] =	sbarrier.arrive $0xFFFF  }
0x39: {  	_ =	shalt  }

</sc_bundles>
